<compile_context>
chip_gen: v7x
topology: tpu7x:2x2x1
jax: 0.10.2.dev20260603
libtpu: 0.0.44.dev20260713+nightly
codegen_flags: <defaults>
</compile_context>

<pallas_src>
import functools

import jax
import jax.numpy as jnp
from jax import lax
from jax.experimental import pallas as pl
from jax.experimental.pallas import tpu as pltpu
from jax.experimental.pallas import tpu_sc as plsc

N_NODES = 10000
E_EDGES = 320000
D_FEAT = 128

NTILES = 32
NPT = 320
N_PAD = 10240
CH = 512
NCH = E_EDGES // CH
RING = 544
NV = D_FEAT // 16


def _sc_aggregate(dst, src, features):
    mesh = plsc.VectorSubcoreMesh(core_axis_name="c", subcore_axis_name="s")

    @functools.partial(
        pl.kernel,
        out_type=[jax.ShapeDtypeStruct((N_PAD, D_FEAT), jnp.float32)] * 3,
        mesh=mesh,
        compiler_params=pltpu.CompilerParams(needs_layout_passes=False),
        scratch_types=[
            pltpu.VMEM((NPT, D_FEAT), jnp.float32),
            pltpu.VMEM((NPT, D_FEAT), jnp.float32),
            pltpu.VMEM((NPT, D_FEAT), jnp.float32),
            pltpu.VMEM((2 * CH,), jnp.int32),
            pltpu.VMEM((2 * CH,), jnp.int32),
            pltpu.VMEM((RING,), jnp.int32),
            pltpu.VMEM((32,), jnp.int32),
            pltpu.VMEM((2, 16, D_FEAT), jnp.float32),
            pltpu.SemaphoreType.DMA((2,)),
            pltpu.SemaphoreType.DMA((2,)),
        ],
    )
    def agg(dst_hbm, src_hbm, feat_hbm, osum, omax, omin,
            acc_s, acc_x, acc_n, dbuf, sbuf, mring, gidx, rows, esem, gsem):
        cid = lax.axis_index("c")
        sid = lax.axis_index("s")
        wid = sid * 2 + cid
        base = wid * NPT

        zero = jnp.zeros((16,), jnp.float32)
        ninf = jnp.full((16,), -jnp.inf, jnp.float32)
        pinf = jnp.full((16,), jnp.inf, jnp.float32)
        izero = jnp.zeros((16,), jnp.int32)

        def init_row(r, _):
            for j in range(NV):
                acc_s[r, pl.ds(j * 16, 16)] = zero
                acc_x[r, pl.ds(j * 16, 16)] = ninf
                acc_n[r, pl.ds(j * 16, 16)] = pinf
            return 0
        lax.fori_loop(0, NPT, init_row, 0)

        def init_ring(i, _):
            mring[pl.ds(i * 16, 16)] = izero
            return 0
        lax.fori_loop(0, RING // 16, init_ring, 0)

        def fire_edges(c):
            slot = lax.rem(c, 2)
            off = c * CH
            pltpu.async_copy(dst_hbm.at[pl.ds(off, CH)],
                             dbuf.at[pl.ds(slot * CH, CH)], esem.at[slot])
            pltpu.async_copy(src_hbm.at[pl.ds(off, CH)],
                             sbuf.at[pl.ds(slot * CH, CH)], esem.at[slot])

        def wait_edges(c):
            slot = lax.rem(c, 2)
            pltpu.make_async_copy(dst_hbm.at[pl.ds(0, CH)],
                                  dbuf.at[pl.ds(slot * CH, CH)],
                                  esem.at[slot]).wait()
            pltpu.make_async_copy(src_hbm.at[pl.ds(0, CH)],
                                  sbuf.at[pl.ds(slot * CH, CH)],
                                  esem.at[slot]).wait()

        def fire_gather(g):
            slot = lax.rem(g, 2)
            o = lax.rem(g * 16, RING)
            pk = mring[pl.ds(o, 16)]
            gidx[pl.ds(slot * 16, 16)] = pk & 0x3FFF
            pltpu.async_copy(feat_hbm.at[gidx.at[pl.ds(slot * 16, 16)]],
                             rows.at[slot], gsem.at[slot])

        def wait_gather(g):
            slot = lax.rem(g, 2)
            pltpu.make_async_copy(feat_hbm.at[pl.ds(0, 16)], rows.at[slot],
                                  gsem.at[slot]).wait()

        def accumulate(g, valid=None):
            slot = lax.rem(g, 2)
            o = lax.rem(g * 16, RING)
            dlv = jnp.right_shift(mring[pl.ds(o, 16)], 14)
            for r in range(16):
                dl = dlv[r]

                def do_edge(r=r, dl=dl, slot=slot):
                    for j in range(1):
                        v = rows[slot, r, pl.ds(j * 16, 16)]
                        plsc.addupdate(acc_s.at[dl, pl.ds(j * 16, 16)], v)
                        x = acc_x[dl, pl.ds(j * 16, 16)]
                        acc_x[dl, pl.ds(j * 16, 16)] = jnp.maximum(x, v)
                        n = acc_n[dl, pl.ds(j * 16, 16)]
                        acc_n[dl, pl.ds(j * 16, 16)] = jnp.minimum(n, v)

                if valid is None:
                    do_edge()
                else:
                    pl.when(r < valid)(do_edge)

        def pump(m, gf, gd, avail, keep, guarded):
            def cond(s):
                gf, gd = s
                return ((gf < avail) & (gf < gd + 2)) | (gd + keep < gf)

            def body(s):
                gf, gd = s
                can_fire = (gf < avail) & (gf < gd + 2)
                pl.when(can_fire)(lambda: fire_gather(gf))
                gf = jnp.where(can_fire, gf + 1, gf)
                can_proc = gd + keep < gf

                def proc():
                    wait_gather(gd)
                    if guarded:
                        accumulate(gd, valid=m - gd * 16)
                    else:
                        accumulate(gd)
                pl.when(can_proc)(proc)
                gd = jnp.where(can_proc, gd + 1, gd)
                return gf, gd
            return lax.while_loop(cond, body, (gf, gd))

        fire_edges(0)
        fire_edges(1)

        def chunk_body(c, carry):
            m, gf, gd = carry
            wait_edges(c)
            slot = lax.rem(c, 2)

            def scan64(i, m):
                for u in range(4):
                    off = slot * CH + i * 64 + u * 16
                    vd = dbuf[pl.ds(off, 16)]
                    vs = sbuf[pl.ds(off, 16)]
                    msk = (vd >= base) & (vd < base + NPT)
                    cs = plsc.cumsum(msk.astype(jnp.int32))
                    pos = lax.rem(m + cs - 1, RING)
                    pk = jnp.left_shift(vd - base, 14) | vs
                    plsc.store_scatter(mring, [pos], pk, mask=msk)
                    m = m + plsc.all_reduce_population_count(msk)[0]
                return m
            m = lax.fori_loop(0, CH // 64, scan64, m)
            pl.when(c + 2 < NCH)(lambda: fire_edges(c + 2))

            gf, gd = pump(m, gf, gd, m // 16, keep=1, guarded=False)
            return m, gf, gd

        init = (jnp.int32(0), jnp.int32(0), jnp.int32(0))
        m, gf, gd = lax.fori_loop(0, NCH, chunk_body, init)

        gf, gd = pump(m, gf, gd, (m + 15) // 16, keep=0, guarded=True)

        pltpu.sync_copy(acc_s, osum.at[pl.ds(base, NPT)])
        pltpu.sync_copy(acc_x, omax.at[pl.ds(base, NPT)])
        pltpu.sync_copy(acc_n, omin.at[pl.ds(base, NPT)])

    return agg(dst, src, features)


def _mlp_body(s_ref, x_ref, n_ref, w1_ref, w2_ref, w3_ref, b_ref, o_ref):
    s = s_ref[...]
    x = x_ref[...]
    n = n_ref[...]
    x = jnp.where(jnp.isfinite(x), x, 0.0)
    n = jnp.where(jnp.isfinite(n), n, 0.0)
    acc = jnp.dot(s, w1_ref[...], preferred_element_type=jnp.float32,
                  precision="highest")
    acc += jnp.dot(x, w2_ref[...], preferred_element_type=jnp.float32,
                   precision="highest")
    acc += jnp.dot(n, w3_ref[...], preferred_element_type=jnp.float32,
                   precision="highest")
    o_ref[...] = jnp.maximum(acc + b_ref[...], 0.0)


def _mlp(osum, omax, omin, w1, w2, w3, b):
    blk = 512
    grid = (N_PAD // blk,)
    agg_spec = pl.BlockSpec((blk, D_FEAT), lambda i: (i, 0))
    w_spec = pl.BlockSpec((D_FEAT, D_FEAT), lambda i: (0, 0))
    b_spec = pl.BlockSpec((1, D_FEAT), lambda i: (0, 0))
    return pl.pallas_call(
        _mlp_body,
        grid=grid,
        in_specs=[agg_spec, agg_spec, agg_spec, w_spec, w_spec, w_spec, b_spec],
        out_specs=pl.BlockSpec((blk, D_FEAT), lambda i: (i, 0)),
        out_shape=jax.ShapeDtypeStruct((N_PAD, D_FEAT), jnp.float32),
    )(osum, omax, omin, w1, w2, w3, b)


def kernel(neighborhood_matrix, features, mlp_w, mlp_b):
    nm = neighborhood_matrix.astype(jnp.int32)
    dst = nm[0]
    src = nm[1]
    osum, omax, omin = _sc_aggregate(dst, src, features)
    w1 = mlp_w[:, :D_FEAT].T
    w2 = mlp_w[:, D_FEAT:2 * D_FEAT].T
    w3 = mlp_w[:, 2 * D_FEAT:].T
    out = _mlp(osum, omax, omin, w1, w2, w3, mlp_b.reshape(1, D_FEAT))
    return out[:N_NODES]

# --- scband reference (transcript-rebuilt; emitter-appended) ---
"""Pipeline reference for scband-pnaaggregator-69363721830585 (READ-ONLY COPY).

The authoritative reference and input builder live on the scoring server;
editing this copy changes nothing except your own understanding.
"""

import jax, jax.numpy as jnp
import numpy as np

N_NODES = 10000
E_EDGES = 320000
D_FEAT = 128
D_OUT = 128

def setup_inputs(seed: int = 0) -> dict:
    key = jax.random.key(seed)
    k1, k2, k3, k4 = jax.random.split(key, 4)
    neighborhood_matrix = jax.random.randint(k1, (2, E_EDGES), 0, N_NODES, dtype=jnp.int64)
    features = jax.random.normal(k2, (N_NODES, D_FEAT), dtype=jnp.float32)
    # mlp: nn.Linear(3 * 1 * in_channels, out_channels) -> weight [out, 3*in], bias [out]
    mlp_w = jax.random.normal(k3, (D_OUT, 3 * D_FEAT), dtype=jnp.float32) * (1.0 / np.sqrt(3 * D_FEAT))
    mlp_b = jax.random.normal(k4, (D_OUT,), dtype=jnp.float32) * 0.01
    return {"neighborhood_matrix": neighborhood_matrix, "features": features, "mlp_w": mlp_w, "mlp_b": mlp_b}

def reference(neighborhood_matrix, features, mlp_w, mlp_b):
    # neighborhood_matrix encoded as edge_index: row 0 = dst (output row), row 1 = src (gathered col)
    dst = neighborhood_matrix[0]
    src = neighborhood_matrix[1]
    n = features.shape[0]
    gathered = jnp.take(features, src, axis=0)
    # spmm_sum
    agg_sum = jax.ops.segment_sum(gathered, dst, num_segments=n)
    # spmm_max / spmm_min (fill empty rows with 0, matching sparse spmm semantics)
    agg_max = jax.ops.segment_max(gathered, dst, num_segments=n)
    agg_max = jnp.where(jnp.isfinite(agg_max), agg_max, 0.0)
    agg_min = jax.ops.segment_min(gathered, dst, num_segments=n)
    agg_min = jnp.where(jnp.isfinite(agg_min), agg_min, 0.0)
    # scalers = ['identity'] -> pass-through; concat over feature dim
    output = jnp.concatenate([agg_sum, agg_max, agg_min], axis=1)
    # len(aggr_func) > 1 -> mlp
    output = output @ mlp_w.T + mlp_b
    # update_func = relu
    return jax.nn.relu(output)

if __name__ == "__main__":
    import jax
    _d = setup_inputs()
    print(jax.jit(kernel)(*tuple(_d.values())))

</pallas_src>

<mosaic_0001>
#map = affine_map<(d0, d1) -> (0)>
#map1 = affine_map<(d0, d1) -> (0, 0)>
module attributes {stable_mosaic.version = 14 : i64} {
  func.func @agg(%arg0: i32, %arg1: i32, %arg2: memref<320000xi32, #tpu.memory_space<hbm>>, %arg3: memref<320000xi32, #tpu.memory_space<hbm>>, %arg4: memref<10000x128xf32, #tpu.memory_space<hbm>>, %arg5: memref<10240x128xf32, #tpu.memory_space<hbm>>, %arg6: memref<10240x128xf32, #tpu.memory_space<hbm>>, %arg7: memref<10240x128xf32, #tpu.memory_space<hbm>>, %arg8: memref<320x128xf32, #tpu.memory_space<vmem>>, %arg9: memref<320x128xf32, #tpu.memory_space<vmem>>, %arg10: memref<320x128xf32, #tpu.memory_space<vmem>>, %arg11: memref<1024xi32, #tpu.memory_space<vmem>>, %arg12: memref<1024xi32, #tpu.memory_space<vmem>>, %arg13: memref<544xi32, #tpu.memory_space<vmem>>, %arg14: memref<32xi32, #tpu.memory_space<vmem>>, %arg15: memref<2x16x128xf32, #tpu.memory_space<vmem>>, %arg16: memref<2x!tpu.dma_semaphore, #tpu.memory_space<semaphore_mem>>, %arg17: memref<2x!tpu.dma_semaphore, #tpu.memory_space<semaphore_mem>>) attributes {dimension_semantics = [#tpu.dimension_semantics<core_parallel>, #tpu.dimension_semantics<subcore_parallel>], iteration_bounds = array<i64: 2, 16>, scalar_prefetch = 0 : i64, scratch_operands = 10 : i64, tpu.core_type = #tpu.core_type<sc_vector_subcore>, window_params = [{transform_indices = #map}, {transform_indices = #map}, {transform_indices = #map1}, {transform_indices = #map1}, {transform_indices = #map1}, {transform_indices = #map1}]} {
    %mul3A = arith.constant 2 : i32
    %mul3A_0 = arith.muli %arg1, %mul3A : i32
    %add3A = arith.addi %mul3A_0, %arg0 : i32
    %mul3A_1 = arith.constant 320 : i32
    %mul3A_2 = arith.muli %add3A, %mul3A_1 : i32
    %broadcast_in_dim3A = arith.constant 0.000000e+00 : f32
    %broadcast_in_dim3A_3 = vector.broadcast %broadcast_in_dim3A : f32 to vector<16xf32>
    %broadcast_in_dim3A_4 = arith.constant 0xFF800000 : f32
    %broadcast_in_dim3A_5 = vector.broadcast %broadcast_in_dim3A_4 : f32 to vector<16xf32>
    %broadcast_in_dim3A_6 = arith.constant 0x7F800000 : f32
    %broadcast_in_dim3A_7 = vector.broadcast %broadcast_in_dim3A_6 : f32 to vector<16xf32>
    %broadcast_in_dim3A_8 = arith.constant 0 : i32
    %broadcast_in_dim3A_9 = vector.broadcast %broadcast_in_dim3A_8 : i32 to vector<16xi32>
    %scan3A = arith.constant 0 : i32
    %scan3A_10 = arith.constant 0 : i32
    %scan3A_11 = arith.constant 320 : i32
    %scan3A_12 = arith.addi %scan3A_10, %scan3A_11 : i32
    %scan3A_13 = arith.constant 1 : i32
    %scan3A_14 = scf.for %scan3A_95 = %scan3A_10 to %scan3A_12 step %scan3A_13 iter_args(%scan3A_96 = %scan3A) -> (i32)  : i32 {
      %swap3A = arith.index_cast %scan3A_95 : i32 to index
      %swap3A_97 = arith.constant 0 : index
      %swap3A_98 = tpu.vector_load %arg8[%swap3A, %swap3A_97] {strides = array<i32>} : memref<320x128xf32, #tpu.memory_space<vmem>>, vector<16xf32>,
      tpu.vector_store %arg8[%swap3A, %swap3A_97], %broadcast_in_dim3A_3 {strides = array<i32>} : memref<320x128xf32, #tpu.memory_space<vmem>>, vector<16xf32>,
      %swap3A_99 = arith.index_cast %scan3A_95 : i32 to index
      %swap3A_100 = arith.constant 0 : index
      %swap3A_101 = tpu.vector_load %arg9[%swap3A_99, %swap3A_100] {strides = array<i32>} : memref<320x128xf32, #tpu.memory_space<vmem>>, vector<16xf32>,
      tpu.vector_store %arg9[%swap3A_99, %swap3A_100], %broadcast_in_dim3A_5 {strides = array<i32>} : memref<320x128xf32, #tpu.memory_space<vmem>>, vector<16xf32>,
      %swap3A_102 = arith.index_cast %scan3A_95 : i32 to index
      %swap3A_103 = arith.constant 0 : index
      %swap3A_104 = tpu.vector_load %arg10[%swap3A_102, %swap3A_103] {strides = array<i32>} : memref<320x128xf32, #tpu.memory_space<vmem>>, vector<16xf32>,
      tpu.vector_store %arg10[%swap3A_102, %swap3A_103], %broadcast_in_dim3A_7 {strides = array<i32>} : memref<320x128xf32, #tpu.memory_space<vmem>>, vector<16xf32>,
      %swap3A_105 = arith.index_cast %scan3A_95 : i32 to index
      %swap3A_106 = arith.constant 16 : index
      %swap3A_107 = tpu.vector_load %arg8[%swap3A_105, %swap3A_106] {strides = array<i32>} : memref<320x128xf32, #tpu.memory_space<vmem>>, vector<16xf32>,
      tpu.vector_store %arg8[%swap3A_105, %swap3A_106], %broadcast_in_dim3A_3 {strides = array<i32>} : memref<320x128xf32, #tpu.memory_space<vmem>>, vector<16xf32>,
      %swap3A_108 = arith.index_cast %scan3A_95 : i32 to index
      %swap3A_109 = arith.constant 16 : index
      %swap3A_110 = tpu.vector_load %arg9[%swap3A_108, %swap3A_109] {strides = array<i32>} : memref<320x128xf32, #tpu.memory_space<vmem>>, vector<16xf32>,
      tpu.vector_store %arg9[%swap3A_108, %swap3A_109], %broadcast_in_dim3A_5 {strides = array<i32>} : memref<320x128xf32, #tpu.memory_space<vmem>>, vector<16xf32>,
      %swap3A_111 = arith.index_cast %scan3A_95 : i32 to index
      %swap3A_112 = arith.constant 16 : index
      %swap3A_113 = tpu.vector_load %arg10[%swap3A_111, %swap3A_112] {strides = array<i32>} : memref<320x128xf32, #tpu.memory_space<vmem>>, vector<16xf32>,
      tpu.vector_store %arg10[%swap3A_111, %swap3A_112], %broadcast_in_dim3A_7 {strides = array<i32>} : memref<320x128xf32, #tpu.memory_space<vmem>>, vector<16xf32>,
      %swap3A_114 = arith.index_cast %scan3A_95 : i32 to index
      %swap3A_115 = arith.constant 32 : index
      %swap3A_116 = tpu.vector_load %arg8[%swap3A_114, %swap3A_115] {strides = array<i32>} : memref<320x128xf32, #tpu.memory_space<vmem>>, vector<16xf32>,
      tpu.vector_store %arg8[%swap3A_114, %swap3A_115], %broadcast_in_dim3A_3 {strides = array<i32>} : memref<320x128xf32, #tpu.memory_space<vmem>>, vector<16xf32>,
      %swap3A_117 = arith.index_cast %scan3A_95 : i32 to index
      %swap3A_118 = arith.constant 32 : index
      %swap3A_119 = tpu.vector_load %arg9[%swap3A_117, %swap3A_118] {strides = array<i32>} : memref<320x128xf32, #tpu.memory_space<vmem>>, vector<16xf32>,
      tpu.vector_store %arg9[%swap3A_117, %swap3A_118], %broadcast_in_dim3A_5 {strides = array<i32>} : memref<320x128xf32, #tpu.memory_space<vmem>>, vector<16xf32>,
      %swap3A_120 = arith.index_cast %scan3A_95 : i32 to index
      %swap3A_121 = arith.constant 32 : index
      %swap3A_122 = tpu.vector_load %arg10[%swap3A_120, %swap3A_121] {strides = array<i32>} : memref<320x128xf32, #tpu.memory_space<vmem>>, vector<16xf32>,
      tpu.vector_store %arg10[%swap3A_120, %swap3A_121], %broadcast_in_dim3A_7 {strides = array<i32>} : memref<320x128xf32, #tpu.memory_space<vmem>>, vector<16xf32>,
      %swap3A_123 = arith.index_cast %scan3A_95 : i32 to index
      %swap3A_124 = arith.constant 48 : index
      %swap3A_125 = tpu.vector_load %arg8[%swap3A_123, %swap3A_124] {strides = array<i32>} : memref<320x128xf32, #tpu.memory_space<vmem>>, vector<16xf32>,
      tpu.vector_store %arg8[%swap3A_123, %swap3A_124], %broadcast_in_dim3A_3 {strides = array<i32>} : memref<320x128xf32, #tpu.memory_space<vmem>>, vector<16xf32>,
      %swap3A_126 = arith.index_cast %scan3A_95 : i32 to index
      %swap3A_127 = arith.constant 48 : index
      %swap3A_128 = tpu.vector_load %arg9[%swap3A_126, %swap3A_127] {strides = array<i32>} : memref<320x128xf32, #tpu.memory_space<vmem>>, vector<16xf32>,
      tpu.vector_store %arg9[%swap3A_126, %swap3A_127], %broadcast_in_dim3A_5 {strides = array<i32>} : memref<320x128xf32, #tpu.memory_space<vmem>>, vector<16xf32>,
      %swap3A_129 = arith.index_cast %scan3A_95 : i32 to index
      %swap3A_130 = arith.constant 48 : index
      %swap3A_131 = tpu.vector_load %arg10[%swap3A_129, %swap3A_130] {strides = array<i32>} : memref<320x128xf32, #tpu.memory_space<vmem>>, vector<16xf32>,
      tpu.vector_store %arg10[%swap3A_129, %swap3A_130], %broadcast_in_dim3A_7 {strides = array<i32>} : memref<320x128xf32, #tpu.memory_space<vmem>>, vector<16xf32>,
      %swap3A_132 = arith.index_cast %scan3A_95 : i32 to index
      %swap3A_133 = arith.constant 64 : index
      %swap3A_134 = tpu.vector_load %arg8[%swap3A_132, %swap3A_133] {strides = array<i32>} : memref<320x128xf32, #tpu.memory_space<vmem>>, vector<16xf32>,
      tpu.vector_store %arg8[%swap3A_132, %swap3A_133], %broadcast_in_dim3A_3 {strides = array<i32>} : memref<320x128xf32, #tpu.memory_space<vmem>>, vector<16xf32>,
      %swap3A_135 = arith.index_cast %scan3A_95 : i32 to index
      %swap3A_136 = arith.constant 64 : index
      %swap3A_137 = tpu.vector_load %arg9[%swap3A_135, %swap3A_136] {strides = array<i32>} : memref<320x128xf32, #tpu.memory_space<vmem>>, vector<16xf32>,
      tpu.vector_store %arg9[%swap3A_135, %swap3A_136], %broadcast_in_dim3A_5 {strides = array<i32>} : memref<320x128xf32, #tpu.memory_space<vmem>>, vector<16xf32>,
      %swap3A_138 = arith.index_cast %scan3A_95 : i32 to index
      %swap3A_139 = arith.constant 64 : index
      %swap3A_140 = tpu.vector_load %arg10[%swap3A_138, %swap3A_139] {strides = array<i32>} : memref<320x128xf32, #tpu.memory_space<vmem>>, vector<16xf32>,
      tpu.vector_store %arg10[%swap3A_138, %swap3A_139], %broadcast_in_dim3A_7 {strides = array<i32>} : memref<320x128xf32, #tpu.memory_space<vmem>>, vector<16xf32>,
      %swap3A_141 = arith.index_cast %scan3A_95 : i32 to index
      %swap3A_142 = arith.constant 80 : index
      %swap3A_143 = tpu.vector_load %arg8[%swap3A_141, %swap3A_142] {strides = array<i32>} : memref<320x128xf32, #tpu.memory_space<vmem>>, vector<16xf32>,
      tpu.vector_store %arg8[%swap3A_141, %swap3A_142], %broadcast_in_dim3A_3 {strides = array<i32>} : memref<320x128xf32, #tpu.memory_space<vmem>>, vector<16xf32>,
      %swap3A_144 = arith.index_cast %scan3A_95 : i32 to index
      %swap3A_145 = arith.constant 80 : index
      %swap3A_146 = tpu.vector_load %arg9[%swap3A_144, %swap3A_145] {strides = array<i32>} : memref<320x128xf32, #tpu.memory_space<vmem>>, vector<16xf32>,
      tpu.vector_store %arg9[%swap3A_144, %swap3A_145], %broadcast_in_dim3A_5 {strides = array<i32>} : memref<320x128xf32, #tpu.memory_space<vmem>>, vector<16xf32>,
      %swap3A_147 = arith.index_cast %scan3A_95 : i32 to index
      %swap3A_148 = arith.constant 80 : index
      %swap3A_149 = tpu.vector_load %arg10[%swap3A_147, %swap3A_148] {strides = array<i32>} : memref<320x128xf32, #tpu.memory_space<vmem>>, vector<16xf32>,
      tpu.vector_store %arg10[%swap3A_147, %swap3A_148], %broadcast_in_dim3A_7 {strides = array<i32>} : memref<320x128xf32, #tpu.memory_space<vmem>>, vector<16xf32>,
      %swap3A_150 = arith.index_cast %scan3A_95 : i32 to index
      %swap3A_151 = arith.constant 96 : index
      %swap3A_152 = tpu.vector_load %arg8[%swap3A_150, %swap3A_151] {strides = array<i32>} : memref<320x128xf32, #tpu.memory_space<vmem>>, vector<16xf32>,
      tpu.vector_store %arg8[%swap3A_150, %swap3A_151], %broadcast_in_dim3A_3 {strides = array<i32>} : memref<320x128xf32, #tpu.memory_space<vmem>>, vector<16xf32>,
      %swap3A_153 = arith.index_cast %scan3A_95 : i32 to index
      %swap3A_154 = arith.constant 96 : index
      %swap3A_155 = tpu.vector_load %arg9[%swap3A_153, %swap3A_154] {strides = array<i32>} : memref<320x128xf32, #tpu.memory_space<vmem>>, vector<16xf32>,
      tpu.vector_store %arg9[%swap3A_153, %swap3A_154], %broadcast_in_dim3A_5 {strides = array<i32>} : memref<320x128xf32, #tpu.memory_space<vmem>>, vector<16xf32>,
      %swap3A_156 = arith.index_cast %scan3A_95 : i32 to index
      %swap3A_157 = arith.constant 96 : index
      %swap3A_158 = tpu.vector_load %arg10[%swap3A_156, %swap3A_157] {strides = array<i32>} : memref<320x128xf32, #tpu.memory_space<vmem>>, vector<16xf32>,
      tpu.vector_store %arg10[%swap3A_156, %swap3A_157], %broadcast_in_dim3A_7 {strides = array<i32>} : memref<320x128xf32, #tpu.memory_space<vmem>>, vector<16xf32>,
      %swap3A_159 = arith.index_cast %scan3A_95 : i32 to index
      %swap3A_160 = arith.constant 112 : index
      %swap3A_161 = tpu.vector_load %arg8[%swap3A_159, %swap3A_160] {strides = array<i32>} : memref<320x128xf32, #tpu.memory_space<vmem>>, vector<16xf32>,
      tpu.vector_store %arg8[%swap3A_159, %swap3A_160], %broadcast_in_dim3A_3 {strides = array<i32>} : memref<320x128xf32, #tpu.memory_space<vmem>>, vector<16xf32>,
      %swap3A_162 = arith.index_cast %scan3A_95 : i32 to index
      %swap3A_163 = arith.constant 112 : index
      %swap3A_164 = tpu.vector_load %arg9[%swap3A_162, %swap3A_163] {strides = array<i32>} : memref<320x128xf32, #tpu.memory_space<vmem>>, vector<16xf32>,
      tpu.vector_store %arg9[%swap3A_162, %swap3A_163], %broadcast_in_dim3A_5 {strides = array<i32>} : memref<320x128xf32, #tpu.memory_space<vmem>>, vector<16xf32>,
      %swap3A_165 = arith.index_cast %scan3A_95 : i32 to index
      %swap3A_166 = arith.constant 112 : index
      %swap3A_167 = tpu.vector_load %arg10[%swap3A_165, %swap3A_166] {strides = array<i32>} : memref<320x128xf32, #tpu.memory_space<vmem>>, vector<16xf32>,
      tpu.vector_store %arg10[%swap3A_165, %swap3A_166], %broadcast_in_dim3A_7 {strides = array<i32>} : memref<320x128xf32, #tpu.memory_space<vmem>>, vector<16xf32>,
      %scan3A_168 = arith.constant 0 : i32
      scf.yield %scan3A_168 : i32
    }
    %scan3A_15 = arith.constant 320 : i32
    %scan3A_16 = arith.constant 0 : i32
    %scan3A_17 = arith.constant 0 : i32
    %scan3A_18 = arith.constant 34 : i32
    %scan3A_19 = arith.addi %scan3A_17, %scan3A_18 : i32
    %scan3A_20 = arith.constant 1 : i32
    %scan3A_21 = scf.for %scan3A_95 = %scan3A_17 to %scan3A_19 step %scan3A_20 iter_args(%scan3A_96 = %scan3A_16) -> (i32)  : i32 {
      %mul3A_97 = arith.constant 16 : i32
      %mul3A_98 = arith.muli %scan3A_95, %mul3A_97 : i32
      %swap3A = arith.index_cast %mul3A_98 : i32 to index
      %swap3A_99 = tpu.vector_load %arg13[%swap3A] {strides = array<i32>} : memref<544xi32, #tpu.memory_space<vmem>>, vector<16xi32>,
      tpu.vector_store %arg13[%swap3A], %broadcast_in_dim3A_9 {strides = array<i32>} : memref<544xi32, #tpu.memory_space<vmem>>, vector<16xi32>,
      %scan3A_100 = arith.constant 0 : i32
      scf.yield %scan3A_100 : i32
    }
    %scan3A_22 = arith.constant 34 : i32
    %rem3A = arith.constant 0 : i32
    %rem3A_23 = arith.constant 2 : i32
    %rem3A_24 = arith.remsi %rem3A, %rem3A_23 : i32
    %mul3A_25 = arith.constant 512 : i32
    %mul3A_26 = arith.muli %rem3A_24, %mul3A_25 : i32
    %dma_start3A = tpu.memref_slice %arg11[%mul3A_26] : memref<1024xi32, #tpu.memory_space<vmem>> -> memref<512xi32, #tpu.memory_space<vmem>>
    %dma_start3A_27 = arith.constant 0 : i32
    %dma_start3A_28 = tpu.memref_slice %arg2[%dma_start3A_27] : memref<320000xi32, #tpu.memory_space<hbm>> -> memref<512xi32, #tpu.memory_space<hbm>>
    %dma_start3A_29 = tpu.memref_slice %arg16[%rem3A_24] : memref<2x!tpu.dma_semaphore, #tpu.memory_space<semaphore_mem>> -> memref<1x!tpu.dma_semaphore, #tpu.memory_space<semaphore_mem>>
    %dma_start3A_30 = tpu.memref_squeeze %dma_start3A_29 : memref<1x!tpu.dma_semaphore, #tpu.memory_space<semaphore_mem>> -> memref<!tpu.dma_semaphore, #tpu.memory_space<semaphore_mem>>
    %dma_start3A_31 = tpu.memref_slice %arg11[%mul3A_26] : memref<1024xi32, #tpu.memory_space<vmem>> -> memref<512xi32, #tpu.memory_space<vmem>>
    %dma_start3A_32 = arith.constant 0 : i32
    %dma_start3A_33 = tpu.memref_slice %arg2[%dma_start3A_32] : memref<320000xi32, #tpu.memory_space<hbm>> -> memref<512xi32, #tpu.memory_space<hbm>>
    tpu.enqueue_dma source(%dma_start3A_33 : memref<512xi32, #tpu.memory_space<hbm>>) target(%dma_start3A_31 : memref<512xi32, #tpu.memory_space<vmem>>) target_semaphore(%dma_start3A_30 : memref<!tpu.dma_semaphore, #tpu.memory_space<semaphore_mem>>)
    %mul3A_34 = arith.constant 512 : i32
    %mul3A_35 = arith.muli %rem3A_24, %mul3A_34 : i32
    %dma_start3A_36 = tpu.memref_slice %arg12[%mul3A_35] : memref<1024xi32, #tpu.memory_space<vmem>> -> memref<512xi32, #tpu.memory_space<vmem>>
    %dma_start3A_37 = arith.constant 0 : i32
    %dma_start3A_38 = tpu.memref_slice %arg3[%dma_start3A_37] : memref<320000xi32, #tpu.memory_space<hbm>> -> memref<512xi32, #tpu.memory_space<hbm>>
    %dma_start3A_39 = tpu.memref_slice %arg16[%rem3A_24] : memref<2x!tpu.dma_semaphore, #tpu.memory_space<semaphore_mem>> -> memref<1x!tpu.dma_semaphore, #tpu.memory_space<semaphore_mem>>
    %dma_start3A_40 = tpu.memref_squeeze %dma_start3A_39 : memref<1x!tpu.dma_semaphore, #tpu.memory_space<semaphore_mem>> -> memref<!tpu.dma_semaphore, #tpu.memory_space<semaphore_mem>>
    %dma_start3A_41 = tpu.memref_slice %arg12[%mul3A_35] : memref<1024xi32, #tpu.memory_space<vmem>> -> memref<512xi32, #tpu.memory_space<vmem>>
    %dma_start3A_42 = arith.constant 0 : i32
    %dma_start3A_43 = tpu.memref_slice %arg3[%dma_start3A_42] : memref<320000xi32, #tpu.memory_space<hbm>> -> memref<512xi32, #tpu.memory_space<hbm>>
    tpu.enqueue_dma source(%dma_start3A_43 : memref<512xi32, #tpu.memory_space<hbm>>) target(%dma_start3A_41 : memref<512xi32, #tpu.memory_space<vmem>>) target_semaphore(%dma_start3A_40 : memref<!tpu.dma_semaphore, #tpu.memory_space<semaphore_mem>>)
    %rem3A_44 = arith.constant 1 : i32
    %rem3A_45 = arith.constant 2 : i32
    %rem3A_46 = arith.remsi %rem3A_44, %rem3A_45 : i32
    %mul3A_47 = arith.constant 512 : i32
    %mul3A_48 = arith.muli %rem3A_46, %mul3A_47 : i32
    %dma_start3A_49 = tpu.memref_slice %arg11[%mul3A_48] : memref<1024xi32, #tpu.memory_space<vmem>> -> memref<512xi32, #tpu.memory_space<vmem>>
    %dma_start3A_50 = arith.constant 512 : i32
    %dma_start3A_51 = tpu.memref_slice %arg2[%dma_start3A_50] : memref<320000xi32, #tpu.memory_space<hbm>> -> memref<512xi32, #tpu.memory_space<hbm>>
    %dma_start3A_52 = tpu.memref_slice %arg16[%rem3A_46] : memref<2x!tpu.dma_semaphore, #tpu.memory_space<semaphore_mem>> -> memref<1x!tpu.dma_semaphore, #tpu.memory_space<semaphore_mem>>
    %dma_start3A_53 = tpu.memref_squeeze %dma_start3A_52 : memref<1x!tpu.dma_semaphore, #tpu.memory_space<semaphore_mem>> -> memref<!tpu.dma_semaphore, #tpu.memory_space<semaphore_mem>>
    %dma_start3A_54 = tpu.memref_slice %arg11[%mul3A_48] : memref<1024xi32, #tpu.memory_space<vmem>> -> memref<512xi32, #tpu.memory_space<vmem>>
    %dma_start3A_55 = arith.constant 512 : i32
    %dma_start3A_56 = tpu.memref_slice %arg2[%dma_start3A_55] : memref<320000xi32, #tpu.memory_space<hbm>> -> memref<512xi32, #tpu.memory_space<hbm>>
    tpu.enqueue_dma source(%dma_start3A_56 : memref<512xi32, #tpu.memory_space<hbm>>) target(%dma_start3A_54 : memref<512xi32, #tpu.memory_space<vmem>>) target_semaphore(%dma_start3A_53 : memref<!tpu.dma_semaphore, #tpu.memory_space<semaphore_mem>>)
    %mul3A_57 = arith.constant 512 : i32
    %mul3A_58 = arith.muli %rem3A_46, %mul3A_57 : i32
    %dma_start3A_59 = tpu.memref_slice %arg12[%mul3A_58] : memref<1024xi32, #tpu.memory_space<vmem>> -> memref<512xi32, #tpu.memory_space<vmem>>
    %dma_start3A_60 = arith.constant 512 : i32
    %dma_start3A_61 = tpu.memref_slice %arg3[%dma_start3A_60] : memref<320000xi32, #tpu.memory_space<hbm>> -> memref<512xi32, #tpu.memory_space<hbm>>
    %dma_start3A_62 = tpu.memref_slice %arg16[%rem3A_46] : memref<2x!tpu.dma_semaphore, #tpu.memory_space<semaphore_mem>> -> memref<1x!tpu.dma_semaphore, #tpu.memory_space<semaphore_mem>>
    %dma_start3A_63 = tpu.memref_squeeze %dma_start3A_62 : memref<1x!tpu.dma_semaphore, #tpu.memory_space<semaphore_mem>> -> memref<!tpu.dma_semaphore, #tpu.memory_space<semaphore_mem>>
    %dma_start3A_64 = tpu.memref_slice %arg12[%mul3A_58] : memref<1024xi32, #tpu.memory_space<vmem>> -> memref<512xi32, #tpu.memory_space<vmem>>
    %dma_start3A_65 = arith.constant 512 : i32
    %dma_start3A_66 = tpu.memref_slice %arg3[%dma_start3A_65] : memref<320000xi32, #tpu.memory_space<hbm>> -> memref<512xi32, #tpu.memory_space<hbm>>
    tpu.enqueue_dma source(%dma_start3A_66 : memref<512xi32, #tpu.memory_space<hbm>>) target(%dma_start3A_64 : memref<512xi32, #tpu.memory_space<vmem>>) target_semaphore(%dma_start3A_63 : memref<!tpu.dma_semaphore, #tpu.memory_space<semaphore_mem>>)
    %scan3A_67 = arith.constant 0 : i32
    %scan3A_68 = arith.constant 0 : i32
    %scan3A_69 = arith.constant 0 : i32
    %scan3A_70 = arith.constant 0 : i32
    %scan3A_71 = arith.constant 625 : i32
    %scan3A_72 = arith.addi %scan3A_70, %scan3A_71 : i32
    %scan3A_73 = arith.constant 1 : i32
    %scan3A_74:3 = scf.for %scan3A_95 = %scan3A_70 to %scan3A_72 step %scan3A_73 iter_args(%scan3A_96 = %scan3A_67, %scan3A_97 = %scan3A_68, %scan3A_98 = %scan3A_69) -> (i32, i32, i32)  : i32 {
      %rem3A_99 = arith.constant 2 : i32
      %rem3A_100 = arith.remsi %scan3A_95, %rem3A_99 : i32
      %mul3A_101 = arith.constant 512 : i32
      %mul3A_102 = arith.muli %rem3A_100, %mul3A_101 : i32
      %dma_wait3A = tpu.memref_slice %arg11[%mul3A_102] : memref<1024xi32, #tpu.memory_space<vmem>> -> memref<512xi32, #tpu.memory_space<vmem>>
      %dma_wait3A_103 = arith.constant 0 : i32
      %dma_wait3A_104 = tpu.memref_slice %arg2[%dma_wait3A_103] : memref<320000xi32, #tpu.memory_space<hbm>> -> memref<512xi32, #tpu.memory_space<hbm>>
      %dma_wait3A_105 = tpu.memref_slice %arg16[%rem3A_100] : memref<2x!tpu.dma_semaphore, #tpu.memory_space<semaphore_mem>> -> memref<1x!tpu.dma_semaphore, #tpu.memory_space<semaphore_mem>>
      %dma_wait3A_106 = tpu.memref_squeeze %dma_wait3A_105 : memref<1x!tpu.dma_semaphore, #tpu.memory_space<semaphore_mem>> -> memref<!tpu.dma_semaphore, #tpu.memory_space<semaphore_mem>>
      %dma_wait3A_107 = tpu.memref_slice %arg11[%mul3A_102] : memref<1024xi32, #tpu.memory_space<vmem>> -> memref<512xi32, #tpu.memory_space<vmem>>
      %dma_wait3A_108 = arith.constant 0 : i32
      %dma_wait3A_109 = tpu.memref_slice %arg2[%dma_wait3A_108] : memref<320000xi32, #tpu.memory_space<hbm>> -> memref<512xi32, #tpu.memory_space<hbm>>
      tpu.wait_dma2 semaphore(%dma_wait3A_106 : memref<!tpu.dma_semaphore, #tpu.memory_space<semaphore_mem>>) src(%dma_wait3A_109 : memref<512xi32, #tpu.memory_space<hbm>>) dst(%dma_wait3A_107 : memref<512xi32, #tpu.memory_space<vmem>>)
      %mul3A_110 = arith.constant 512 : i32
      %mul3A_111 = arith.muli %rem3A_100, %mul3A_110 : i32
      %dma_wait3A_112 = tpu.memref_slice %arg12[%mul3A_111] : memref<1024xi32, #tpu.memory_space<vmem>> -> memref<512xi32, #tpu.memory_space<vmem>>
      %dma_wait3A_113 = arith.constant 0 : i32
      %dma_wait3A_114 = tpu.memref_slice %arg3[%dma_wait3A_113] : memref<320000xi32, #tpu.memory_space<hbm>> -> memref<512xi32, #tpu.memory_space<hbm>>
      %dma_wait3A_115 = tpu.memref_slice %arg16[%rem3A_100] : memref<2x!tpu.dma_semaphore, #tpu.memory_space<semaphore_mem>> -> memref<1x!tpu.dma_semaphore, #tpu.memory_space<semaphore_mem>>
      %dma_wait3A_116 = tpu.memref_squeeze %dma_wait3A_115 : memref<1x!tpu.dma_semaphore, #tpu.memory_space<semaphore_mem>> -> memref<!tpu.dma_semaphore, #tpu.memory_space<semaphore_mem>>
      %dma_wait3A_117 = tpu.memref_slice %arg12[%mul3A_111] : memref<1024xi32, #tpu.memory_space<vmem>> -> memref<512xi32, #tpu.memory_space<vmem>>
      %dma_wait3A_118 = arith.constant 0 : i32
      %dma_wait3A_119 = tpu.memref_slice %arg3[%dma_wait3A_118] : memref<320000xi32, #tpu.memory_space<hbm>> -> memref<512xi32, #tpu.memory_space<hbm>>
      tpu.wait_dma2 semaphore(%dma_wait3A_116 : memref<!tpu.dma_semaphore, #tpu.memory_space<semaphore_mem>>) src(%dma_wait3A_119 : memref<512xi32, #tpu.memory_space<hbm>>) dst(%dma_wait3A_117 : memref<512xi32, #tpu.memory_space<vmem>>)
      %rem3A_120 = arith.constant 2 : i32
      %rem3A_121 = arith.remsi %scan3A_95, %rem3A_120 : i32
      %scan3A_122 = arith.constant 0 : i32
      %scan3A_123 = arith.constant 8 : i32
      %scan3A_124 = arith.addi %scan3A_122, %scan3A_123 : i32
      %scan3A_125 = arith.constant 1 : i32
      %scan3A_126 = scf.for %scan3A_157 = %scan3A_122 to %scan3A_124 step %scan3A_125 iter_args(%scan3A_158 = %scan3A_96) -> (i32)  : i32 {
        %mul3A_159 = arith.constant 512 : i32
        %mul3A_160 = arith.muli %rem3A_121, %mul3A_159 : i32
        %mul3A_161 = arith.constant 64 : i32
        %mul3A_162 = arith.muli %scan3A_157, %mul3A_161 : i32
        %add3A_163 = arith.addi %mul3A_160, %mul3A_162 : i32
        %add3A_164 = arith.constant 0 : i32
        %add3A_165 = arith.addi %add3A_163, %add3A_164 : i32
        %get3A = arith.index_cast %add3A_165 : i32 to index
        %get3A_166 = tpu.vector_load %arg11[%get3A] {strides = array<i32>} : memref<1024xi32, #tpu.memory_space<vmem>>, vector<16xi32>,
        %get3A_167 = arith.index_cast %add3A_165 : i32 to index
        %get3A_168 = tpu.vector_load %arg12[%get3A_167] {strides = array<i32>} : memref<1024xi32, #tpu.memory_space<vmem>>, vector<16xi32>,
        %ge3A = vector.broadcast %mul3A_2 : i32 to vector<16xi32>
        %ge3A_169 = arith.cmpi sge, %get3A_166, %ge3A : vector<16xi32>
        %add3A_170 = arith.constant 320 : i32
        %add3A_171 = arith.addi %mul3A_2, %add3A_170 : i32
        %lt3A_172 = vector.broadcast %add3A_171 : i32 to vector<16xi32>
        %lt3A_173 = arith.cmpi slt, %get3A_166, %lt3A_172 : vector<16xi32>
        %and3A_174 = arith.andi %ge3A_169, %lt3A_173 : vector<16xi1>
        %convert_element_type3A_175 = arith.extui %and3A_174 : vector<16xi1> to vector<16xi32>
        %broadcast_in_dim3A_176 = arith.constant true
        %broadcast_in_dim3A_177 = vector.broadcast %broadcast_in_dim3A_176 : i1 to vector<16xi1>
        %masked_cumsum3A = tpu.scan <sum>, %convert_element_type3A_175 masked %broadcast_in_dim3A_177 : vector<16xi32>, vector<16xi1> -> vector<16xi32>
        %add3A_178 = vector.broadcast %scan3A_158 : i32 to vector<16xi32>
        %add3A_179 = arith.addi %add3A_178, %masked_cumsum3A : vector<16xi32>
        %sub3A_180 = arith.constant 1 : i32
        %sub3A_181 = vector.broadcast %sub3A_180 : i32 to vector<16xi32>
        %sub3A_182 = arith.subi %add3A_179, %sub3A_181 : vector<16xi32>
        %rem3A_183 = arith.constant 544 : i32
        %rem3A_184 = vector.broadcast %rem3A_183 : i32 to vector<16xi32>
        %rem3A_185 = arith.remsi %sub3A_182, %rem3A_184 : vector<16xi32>
        %sub3A_186 = vector.broadcast %mul3A_2 : i32 to vector<16xi32>
        %sub3A_187 = arith.subi %get3A_166, %sub3A_186 : vector<16xi32>
        %shift_left3A = arith.constant 14 : i32
        %shift_left3A_188 = vector.broadcast %shift_left3A : i32 to vector<16xi32>
        %shift_left3A_189 = arith.shli %sub3A_187, %shift_left3A_188 : vector<16xi32>
        %or3A = arith.ori %shift_left3A_189, %get3A_168 : vector<16xi32>
        tpu.vector_store_idx %arg13[%rem3A_185], %or3A masked %and3A_174 : memref<544xi32, #tpu.memory_space<vmem>>[vector<16xi32>], vector<16xi32>, vector<16xi1>
        %all_reduce_population_count3A = tpu.all_reduce %and3A_174 {dim = 0 : i64, kind = #tpu.reduction_kind<sum>} : vector<16xi1> -> vector<16xi32>
        %slice3A = vector.extract_strided_slice %all_reduce_population_count3A {offsets = [0], sizes = [1], strides = [1]} : vector<16xi32> to vector<1xi32>
        %squeeze3A = vector.extract %slice3A[0] : i32 from vector<1xi32>
        %add3A_190 = arith.addi %scan3A_158, %squeeze3A : i32
        %mul3A_191 = arith.constant 512 : i32
        %mul3A_192 = arith.muli %rem3A_121, %mul3A_191 : i32
        %mul3A_193 = arith.constant 64 : i32
        %mul3A_194 = arith.muli %scan3A_157, %mul3A_193 : i32
        %add3A_195 = arith.addi %mul3A_192, %mul3A_194 : i32
        %add3A_196 = arith.constant 16 : i32
        %add3A_197 = arith.addi %add3A_195, %add3A_196 : i32
        %get3A_198 = arith.index_cast %add3A_197 : i32 to index
        %get3A_199 = tpu.vector_load %arg11[%get3A_198] {strides = array<i32>} : memref<1024xi32, #tpu.memory_space<vmem>>, vector<16xi32>,
        %get3A_200 = arith.index_cast %add3A_197 : i32 to index
        %get3A_201 = tpu.vector_load %arg12[%get3A_200] {strides = array<i32>} : memref<1024xi32, #tpu.memory_space<vmem>>, vector<16xi32>,
        %ge3A_202 = vector.broadcast %mul3A_2 : i32 to vector<16xi32>
        %ge3A_203 = arith.cmpi sge, %get3A_199, %ge3A_202 : vector<16xi32>
        %add3A_204 = arith.constant 320 : i32
        %add3A_205 = arith.addi %mul3A_2, %add3A_204 : i32
        %lt3A_206 = vector.broadcast %add3A_205 : i32 to vector<16xi32>
        %lt3A_207 = arith.cmpi slt, %get3A_199, %lt3A_206 : vector<16xi32>
        %and3A_208 = arith.andi %ge3A_203, %lt3A_207 : vector<16xi1>
        %convert_element_type3A_209 = arith.extui %and3A_208 : vector<16xi1> to vector<16xi32>
        %broadcast_in_dim3A_210 = arith.constant true
        %broadcast_in_dim3A_211 = vector.broadcast %broadcast_in_dim3A_210 : i1 to vector<16xi1>
        %masked_cumsum3A_212 = tpu.scan <sum>, %convert_element_type3A_209 masked %broadcast_in_dim3A_211 : vector<16xi32>, vector<16xi1> -> vector<16xi32>
        %add3A_213 = vector.broadcast %add3A_190 : i32 to vector<16xi32>
        %add3A_214 = arith.addi %add3A_213, %masked_cumsum3A_212 : vector<16xi32>
        %sub3A_215 = arith.constant 1 : i32
        %sub3A_216 = vector.broadcast %sub3A_215 : i32 to vector<16xi32>
        %sub3A_217 = arith.subi %add3A_214, %sub3A_216 : vector<16xi32>
        %rem3A_218 = arith.constant 544 : i32
        %rem3A_219 = vector.broadcast %rem3A_218 : i32 to vector<16xi32>
        %rem3A_220 = arith.remsi %sub3A_217, %rem3A_219 : vector<16xi32>
        %sub3A_221 = vector.broadcast %mul3A_2 : i32 to vector<16xi32>
        %sub3A_222 = arith.subi %get3A_199, %sub3A_221 : vector<16xi32>
        %shift_left3A_223 = arith.constant 14 : i32
        %shift_left3A_224 = vector.broadcast %shift_left3A_223 : i32 to vector<16xi32>
        %shift_left3A_225 = arith.shli %sub3A_222, %shift_left3A_224 : vector<16xi32>
        %or3A_226 = arith.ori %shift_left3A_225, %get3A_201 : vector<16xi32>
        tpu.vector_store_idx %arg13[%rem3A_220], %or3A_226 masked %and3A_208 : memref<544xi32, #tpu.memory_space<vmem>>[vector<16xi32>], vector<16xi32>, vector<16xi1>
        %all_reduce_population_count3A_227 = tpu.all_reduce %and3A_208 {dim = 0 : i64, kind = #tpu.reduction_kind<sum>} : vector<16xi1> -> vector<16xi32>
        %slice3A_228 = vector.extract_strided_slice %all_reduce_population_count3A_227 {offsets = [0], sizes = [1], strides = [1]} : vector<16xi32> to vector<1xi32>
        %squeeze3A_229 = vector.extract %slice3A_228[0] : i32 from vector<1xi32>
        %add3A_230 = arith.addi %add3A_190, %squeeze3A_229 : i32
        %mul3A_231 = arith.constant 512 : i32
        %mul3A_232 = arith.muli %rem3A_121, %mul3A_231 : i32
        %mul3A_233 = arith.constant 64 : i32
        %mul3A_234 = arith.muli %scan3A_157, %mul3A_233 : i32
        %add3A_235 = arith.addi %mul3A_232, %mul3A_234 : i32
        %add3A_236 = arith.constant 32 : i32
        %add3A_237 = arith.addi %add3A_235, %add3A_236 : i32
        %get3A_238 = arith.index_cast %add3A_237 : i32 to index
        %get3A_239 = tpu.vector_load %arg11[%get3A_238] {strides = array<i32>} : memref<1024xi32, #tpu.memory_space<vmem>>, vector<16xi32>,
        %get3A_240 = arith.index_cast %add3A_237 : i32 to index
        %get3A_241 = tpu.vector_load %arg12[%get3A_240] {strides = array<i32>} : memref<1024xi32, #tpu.memory_space<vmem>>, vector<16xi32>,
        %ge3A_242 = vector.broadcast %mul3A_2 : i32 to vector<16xi32>
        %ge3A_243 = arith.cmpi sge, %get3A_239, %ge3A_242 : vector<16xi32>
        %add3A_244 = arith.constant 320 : i32
        %add3A_245 = arith.addi %mul3A_2, %add3A_244 : i32
        %lt3A_246 = vector.broadcast %add3A_245 : i32 to vector<16xi32>
        %lt3A_247 = arith.cmpi slt, %get3A_239, %lt3A_246 : vector<16xi32>
        %and3A_248 = arith.andi %ge3A_243, %lt3A_247 : vector<16xi1>
        %convert_element_type3A_249 = arith.extui %and3A_248 : vector<16xi1> to vector<16xi32>
        %broadcast_in_dim3A_250 = arith.constant true
        %broadcast_in_dim3A_251 = vector.broadcast %broadcast_in_dim3A_250 : i1 to vector<16xi1>
        %masked_cumsum3A_252 = tpu.scan <sum>, %convert_element_type3A_249 masked %broadcast_in_dim3A_251 : vector<16xi32>, vector<16xi1> -> vector<16xi32>
        %add3A_253 = vector.broadcast %add3A_230 : i32 to vector<16xi32>
        %add3A_254 = arith.addi %add3A_253, %masked_cumsum3A_252 : vector<16xi32>
        %sub3A_255 = arith.constant 1 : i32
        %sub3A_256 = vector.broadcast %sub3A_255 : i32 to vector<16xi32>
        %sub3A_257 = arith.subi %add3A_254, %sub3A_256 : vector<16xi32>
        %rem3A_258 = arith.constant 544 : i32
        %rem3A_259 = vector.broadcast %rem3A_258 : i32 to vector<16xi32>
        %rem3A_260 = arith.remsi %sub3A_257, %rem3A_259 : vector<16xi32>
        %sub3A_261 = vector.broadcast %mul3A_2 : i32 to vector<16xi32>
        %sub3A_262 = arith.subi %get3A_239, %sub3A_261 : vector<16xi32>
        %shift_left3A_263 = arith.constant 14 : i32
        %shift_left3A_264 = vector.broadcast %shift_left3A_263 : i32 to vector<16xi32>
        %shift_left3A_265 = arith.shli %sub3A_262, %shift_left3A_264 : vector<16xi32>
        %or3A_266 = arith.ori %shift_left3A_265, %get3A_241 : vector<16xi32>
        tpu.vector_store_idx %arg13[%rem3A_260], %or3A_266 masked %and3A_248 : memref<544xi32, #tpu.memory_space<vmem>>[vector<16xi32>], vector<16xi32>, vector<16xi1>
        %all_reduce_population_count3A_267 = tpu.all_reduce %and3A_248 {dim = 0 : i64, kind = #tpu.reduction_kind<sum>} : vector<16xi1> -> vector<16xi32>
        %slice3A_268 = vector.extract_strided_slice %all_reduce_population_count3A_267 {offsets = [0], sizes = [1], strides = [1]} : vector<16xi32> to vector<1xi32>
        %squeeze3A_269 = vector.extract %slice3A_268[0] : i32 from vector<1xi32>
        %add3A_270 = arith.addi %add3A_230, %squeeze3A_269 : i32
        %mul3A_271 = arith.constant 512 : i32
        %mul3A_272 = arith.muli %rem3A_121, %mul3A_271 : i32
        %mul3A_273 = arith.constant 64 : i32
        %mul3A_274 = arith.muli %scan3A_157, %mul3A_273 : i32
        %add3A_275 = arith.addi %mul3A_272, %mul3A_274 : i32
        %add3A_276 = arith.constant 48 : i32
        %add3A_277 = arith.addi %add3A_275, %add3A_276 : i32
        %get3A_278 = arith.index_cast %add3A_277 : i32 to index
        %get3A_279 = tpu.vector_load %arg11[%get3A_278] {strides = array<i32>} : memref<1024xi32, #tpu.memory_space<vmem>>, vector<16xi32>,
        %get3A_280 = arith.index_cast %add3A_277 : i32 to index
        %get3A_281 = tpu.vector_load %arg12[%get3A_280] {strides = array<i32>} : memref<1024xi32, #tpu.memory_space<vmem>>, vector<16xi32>,
        %ge3A_282 = vector.broadcast %mul3A_2 : i32 to vector<16xi32>
        %ge3A_283 = arith.cmpi sge, %get3A_279, %ge3A_282 : vector<16xi32>
        %add3A_284 = arith.constant 320 : i32
        %add3A_285 = arith.addi %mul3A_2, %add3A_284 : i32
        %lt3A_286 = vector.broadcast %add3A_285 : i32 to vector<16xi32>
        %lt3A_287 = arith.cmpi slt, %get3A_279, %lt3A_286 : vector<16xi32>
        %and3A_288 = arith.andi %ge3A_283, %lt3A_287 : vector<16xi1>
        %convert_element_type3A_289 = arith.extui %and3A_288 : vector<16xi1> to vector<16xi32>
        %broadcast_in_dim3A_290 = arith.constant true
        %broadcast_in_dim3A_291 = vector.broadcast %broadcast_in_dim3A_290 : i1 to vector<16xi1>
        %masked_cumsum3A_292 = tpu.scan <sum>, %convert_element_type3A_289 masked %broadcast_in_dim3A_291 : vector<16xi32>, vector<16xi1> -> vector<16xi32>
        %add3A_293 = vector.broadcast %add3A_270 : i32 to vector<16xi32>
        %add3A_294 = arith.addi %add3A_293, %masked_cumsum3A_292 : vector<16xi32>
        %sub3A_295 = arith.constant 1 : i32
        %sub3A_296 = vector.broadcast %sub3A_295 : i32 to vector<16xi32>
        %sub3A_297 = arith.subi %add3A_294, %sub3A_296 : vector<16xi32>
        %rem3A_298 = arith.constant 544 : i32
        %rem3A_299 = vector.broadcast %rem3A_298 : i32 to vector<16xi32>
        %rem3A_300 = arith.remsi %sub3A_297, %rem3A_299 : vector<16xi32>
        %sub3A_301 = vector.broadcast %mul3A_2 : i32 to vector<16xi32>
        %sub3A_302 = arith.subi %get3A_279, %sub3A_301 : vector<16xi32>
        %shift_left3A_303 = arith.constant 14 : i32
        %shift_left3A_304 = vector.broadcast %shift_left3A_303 : i32 to vector<16xi32>
        %shift_left3A_305 = arith.shli %sub3A_302, %shift_left3A_304 : vector<16xi32>
        %or3A_306 = arith.ori %shift_left3A_305, %get3A_281 : vector<16xi32>
        tpu.vector_store_idx %arg13[%rem3A_300], %or3A_306 masked %and3A_288 : memref<544xi32, #tpu.memory_space<vmem>>[vector<16xi32>], vector<16xi32>, vector<16xi1>
        %all_reduce_population_count3A_307 = tpu.all_reduce %and3A_288 {dim = 0 : i64, kind = #tpu.reduction_kind<sum>} : vector<16xi1> -> vector<16xi32>
        %slice3A_308 = vector.extract_strided_slice %all_reduce_population_count3A_307 {offsets = [0], sizes = [1], strides = [1]} : vector<16xi32> to vector<1xi32>
        %squeeze3A_309 = vector.extract %slice3A_308[0] : i32 from vector<1xi32>
        %add3A_310 = arith.addi %add3A_270, %squeeze3A_309 : i32
        scf.yield %add3A_310 : i32
      }
      %scan3A_127 = arith.constant 8 : i32
      %add3A_128 = arith.constant 2 : i32
      %add3A_129 = arith.addi %scan3A_95, %add3A_128 : i32
      %lt3A = arith.constant 625 : i32
      %lt3A_130 = arith.cmpi slt, %add3A_129, %lt3A : i32
      %convert_element_type3A = arith.extui %lt3A_130 : i1 to i32
      %cond3A = arith.constant 0 : i32
      %cond3A_131 = arith.cmpi ne, %convert_element_type3A, %cond3A : i32
      scf.if %cond3A_131 {
        %add3A_157 = arith.constant 2 : i32
        %add3A_158 = arith.addi %scan3A_95, %add3A_157 : i32
        %rem3A_159 = arith.constant 2 : i32
        %rem3A_160 = arith.remsi %add3A_158, %rem3A_159 : i32
        %mul3A_161 = arith.constant 512 : i32
        %mul3A_162 = arith.muli %add3A_158, %mul3A_161 : i32
        %mul3A_163 = arith.constant 512 : i32
        %mul3A_164 = arith.muli %rem3A_160, %mul3A_163 : i32
        %dma_start3A_165 = tpu.memref_slice %arg11[%mul3A_164] : memref<1024xi32, #tpu.memory_space<vmem>> -> memref<512xi32, #tpu.memory_space<vmem>>
        %dma_start3A_166 = tpu.memref_slice %arg2[%mul3A_162] : memref<320000xi32, #tpu.memory_space<hbm>> -> memref<512xi32, #tpu.memory_space<hbm>>
        %dma_start3A_167 = tpu.memref_slice %arg16[%rem3A_160] : memref<2x!tpu.dma_semaphore, #tpu.memory_space<semaphore_mem>> -> memref<1x!tpu.dma_semaphore, #tpu.memory_space<semaphore_mem>>
        %dma_start3A_168 = tpu.memref_squeeze %dma_start3A_167 : memref<1x!tpu.dma_semaphore, #tpu.memory_space<semaphore_mem>> -> memref<!tpu.dma_semaphore, #tpu.memory_space<semaphore_mem>>
        %dma_start3A_169 = tpu.memref_slice %arg11[%mul3A_164] : memref<1024xi32, #tpu.memory_space<vmem>> -> memref<512xi32, #tpu.memory_space<vmem>>
        %dma_start3A_170 = tpu.memref_slice %arg2[%mul3A_162] : memref<320000xi32, #tpu.memory_space<hbm>> -> memref<512xi32, #tpu.memory_space<hbm>>
        tpu.enqueue_dma source(%dma_start3A_170 : memref<512xi32, #tpu.memory_space<hbm>>) target(%dma_start3A_169 : memref<512xi32, #tpu.memory_space<vmem>>) target_semaphore(%dma_start3A_168 : memref<!tpu.dma_semaphore, #tpu.memory_space<semaphore_mem>>)
        %mul3A_171 = arith.constant 512 : i32
        %mul3A_172 = arith.muli %rem3A_160, %mul3A_171 : i32
        %dma_start3A_173 = tpu.memref_slice %arg12[%mul3A_172] : memref<1024xi32, #tpu.memory_space<vmem>> -> memref<512xi32, #tpu.memory_space<vmem>>
        %dma_start3A_174 = tpu.memref_slice %arg3[%mul3A_162] : memref<320000xi32, #tpu.memory_space<hbm>> -> memref<512xi32, #tpu.memory_space<hbm>>
        %dma_start3A_175 = tpu.memref_slice %arg16[%rem3A_160] : memref<2x!tpu.dma_semaphore, #tpu.memory_space<semaphore_mem>> -> memref<1x!tpu.dma_semaphore, #tpu.memory_space<semaphore_mem>>
        %dma_start3A_176 = tpu.memref_squeeze %dma_start3A_175 : memref<1x!tpu.dma_semaphore, #tpu.memory_space<semaphore_mem>> -> memref<!tpu.dma_semaphore, #tpu.memory_space<semaphore_mem>>
        %dma_start3A_177 = tpu.memref_slice %arg12[%mul3A_172] : memref<1024xi32, #tpu.memory_space<vmem>> -> memref<512xi32, #tpu.memory_space<vmem>>
        %dma_start3A_178 = tpu.memref_slice %arg3[%mul3A_162] : memref<320000xi32, #tpu.memory_space<hbm>> -> memref<512xi32, #tpu.memory_space<hbm>>
        tpu.enqueue_dma source(%dma_start3A_178 : memref<512xi32, #tpu.memory_space<hbm>>) target(%dma_start3A_177 : memref<512xi32, #tpu.memory_space<vmem>>) target_semaphore(%dma_start3A_176 : memref<!tpu.dma_semaphore, #tpu.memory_space<semaphore_mem>>)
      } else {
      }
      %jit3A_132 = arith.constant 16 : i32
      %div3A_133 = arith.divsi %scan3A_126, %jit3A_132 : i32
      %sign3A_134 = arith.constant 0 : i32
      %sign3A_135 = arith.cmpi sgt, %scan3A_126, %sign3A_134 : i32
      %sign3A_136 = arith.extui %sign3A_135 : i1 to i32
      %sign3A_137 = arith.constant 0 : i32
      %sign3A_138 = arith.cmpi slt, %scan3A_126, %sign3A_137 : i32
      %sign3A_139 = arith.extui %sign3A_138 : i1 to i32
      %sign3A_140 = arith.subi %sign3A_136, %sign3A_139 : i32
      %sign3A_141 = arith.constant 0 : i32
      %sign3A_142 = arith.cmpi sgt, %jit3A_132, %sign3A_141 : i32
      %sign3A_143 = arith.extui %sign3A_142 : i1 to i32
      %sign3A_144 = arith.constant 0 : i32
      %sign3A_145 = arith.cmpi slt, %jit3A_132, %sign3A_144 : i32
      %sign3A_146 = arith.extui %sign3A_145 : i1 to i32
      %sign3A_147 = arith.subi %sign3A_143, %sign3A_146 : i32
      %ne3A_148 = arith.cmpi ne, %sign3A_140, %sign3A_147 : i32
      %rem3A_149 = arith.remsi %scan3A_126, %jit3A_132 : i32
      %ne3A_150 = arith.constant 0 : i32
      %ne3A_151 = arith.cmpi ne, %rem3A_149, %ne3A_150 : i32
      %and3A_152 = arith.andi %ne3A_148, %ne3A_151 : i1
      %sub3A_153 = arith.constant 1 : i32
      %sub3A_154 = arith.subi %div3A_133, %sub3A_153 : i32
      %select_n3A_155 = arith.select %and3A_152, %sub3A_154, %div3A_133 : i32
      %while3A_156:2 = scf.while (%while3A_157 = %scan3A_97, %while3A_158 = %scan3A_98) : (i32, i32) -> (i32, i32) {
        %lt3A_159 = arith.cmpi slt, %while3A_157, %select_n3A_155 : i32
        %add3A_160 = arith.constant 2 : i32
        %add3A_161 = arith.addi %while3A_158, %add3A_160 : i32
        %lt3A_162 = arith.cmpi slt, %while3A_157, %add3A_161 : i32
        %and3A_163 = arith.andi %lt3A_159, %lt3A_162 : i1
        %add3A_164 = arith.constant 1 : i32
        %add3A_165 = arith.addi %while3A_158, %add3A_164 : i32
        %lt3A_166 = arith.cmpi slt, %add3A_165, %while3A_157 : i32
        %or3A = arith.ori %and3A_163, %lt3A_166 : i1
        scf.condition(%or3A) %while3A_157, %while3A_158 : i32, i32
      } do {
      ^bb0(%while3A_157: i32, %while3A_158: i32):
        %lt3A_159 = arith.cmpi slt, %while3A_157, %select_n3A_155 : i32
        %add3A_160 = arith.constant 2 : i32
        %add3A_161 = arith.addi %while3A_158, %add3A_160 : i32
        %lt3A_162 = arith.cmpi slt, %while3A_157, %add3A_161 : i32
        %and3A_163 = arith.andi %lt3A_159, %lt3A_162 : i1
        %convert_element_type3A_164 = arith.extui %and3A_163 : i1 to i32
        %cond3A_165 = arith.constant 0 : i32
        %cond3A_166 = arith.cmpi ne, %convert_element_type3A_164, %cond3A_165 : i32
        scf.if %cond3A_166 {
          %rem3A_179 = arith.constant 2 : i32
          %rem3A_180 = arith.remsi %while3A_157, %rem3A_179 : i32
          %mul3A_181 = arith.constant 16 : i32
          %mul3A_182 = arith.muli %while3A_157, %mul3A_181 : i32
          %rem3A_183 = arith.constant 544 : i32
          %rem3A_184 = arith.remsi %mul3A_182, %rem3A_183 : i32
          %get3A = arith.index_cast %rem3A_184 : i32 to index
          %get3A_185 = tpu.vector_load %arg13[%get3A] {strides = array<i32>} : memref<544xi32, #tpu.memory_space<vmem>>, vector<16xi32>,
          %and3A_186 = arith.constant 16383 : i32
          %and3A_187 = vector.broadcast %and3A_186 : i32 to vector<16xi32>
          %and3A_188 = arith.andi %get3A_185, %and3A_187 : vector<16xi32>
          %mul3A_189 = arith.constant 16 : i32
          %mul3A_190 = arith.muli %rem3A_180, %mul3A_189 : i32
          %swap3A = arith.index_cast %mul3A_190 : i32 to index
          %swap3A_191 = tpu.vector_load %arg14[%swap3A] {strides = array<i32>} : memref<32xi32, #tpu.memory_space<vmem>>, vector<16xi32>,
          tpu.vector_store %arg14[%swap3A], %and3A_188 {strides = array<i32>} : memref<32xi32, #tpu.memory_space<vmem>>, vector<16xi32>,
          %mul3A_192 = arith.constant 16 : i32
          %mul3A_193 = arith.muli %rem3A_180, %mul3A_192 : i32
          %dma_start3A_194 = arith.constant 0 : i32
          %dma_start3A_195 = arith.constant 0 : i32
          %dma_start3A_196 = tpu.memref_slice %arg15[%rem3A_180, %dma_start3A_194, %dma_start3A_195] : memref<2x16x128xf32, #tpu.memory_space<vmem>> -> memref<1x16x128xf32, #tpu.memory_space<vmem>>
          %dma_start3A_197 = tpu.memref_squeeze %dma_start3A_196 : memref<1x16x128xf32, #tpu.memory_space<vmem>> -> memref<16x128xf32, #tpu.memory_space<vmem>>
          %dma_start3A_198 = tpu.memref_slice %arg14[%mul3A_193] : memref<32xi32, #tpu.memory_space<vmem>> -> memref<16xi32, #tpu.memory_space<vmem>>
          %dma_start3A_199 = arith.constant 0 : i32
          %dma_start3A_200 = arith.constant 0 : i32
          %dma_start3A_201 = tpu.memref_slice %arg4[%dma_start3A_199, %dma_start3A_200] : memref<10000x128xf32, #tpu.memory_space<hbm>> -> memref<10000x128xf32, #tpu.memory_space<hbm>>
          %dma_start3A_202 = tpu.memref_slice %arg17[%rem3A_180] : memref<2x!tpu.dma_semaphore, #tpu.memory_space<semaphore_mem>> -> memref<1x!tpu.dma_semaphore, #tpu.memory_space<semaphore_mem>>
          %dma_start3A_203 = tpu.memref_squeeze %dma_start3A_202 : memref<1x!tpu.dma_semaphore, #tpu.memory_space<semaphore_mem>> -> memref<!tpu.dma_semaphore, #tpu.memory_space<semaphore_mem>>
          tpu.enqueue_indirect_dma source(%dma_start3A_201 : memref<10000x128xf32, #tpu.memory_space<hbm>>) target(%dma_start3A_197 : memref<16x128xf32, #tpu.memory_space<vmem>>) offsets(%dma_start3A_198 : memref<16xi32, #tpu.memory_space<vmem>>) semaphore(%dma_start3A_203 : memref<!tpu.dma_semaphore, #tpu.memory_space<semaphore_mem>>)
        } else {
        }
        %add3A_167 = arith.constant 1 : i32
        %add3A_168 = arith.addi %while3A_157, %add3A_167 : i32
        %select_n3A_169 = arith.select %and3A_163, %add3A_168, %while3A_157 : i32
        %add3A_170 = arith.constant 1 : i32
        %add3A_171 = arith.addi %while3A_158, %add3A_170 : i32
        %lt3A_172 = arith.cmpi slt, %add3A_171, %select_n3A_169 : i32
        %convert_element_type3A_173 = arith.extui %lt3A_172 : i1 to i32
        %cond3A_174 = arith.constant 0 : i32
        %cond3A_175 = arith.cmpi ne, %convert_element_type3A_173, %cond3A_174 : i32
        scf.if %cond3A_175 {
          %rem3A_179 = arith.constant 2 : i32
          %rem3A_180 = arith.remsi %while3A_158, %rem3A_179 : i32
          %dma_wait3A_181 = arith.constant 0 : i32
          %dma_wait3A_182 = arith.constant 0 : i32
          %dma_wait3A_183 = tpu.memref_slice %arg15[%rem3A_180, %dma_wait3A_181, %dma_wait3A_182] : memref<2x16x128xf32, #tpu.memory_space<vmem>> -> memref<1x16x128xf32, #tpu.memory_space<vmem>>
          %dma_wait3A_184 = tpu.memref_squeeze %dma_wait3A_183 : memref<1x16x128xf32, #tpu.memory_space<vmem>> -> memref<16x128xf32, #tpu.memory_space<vmem>>
          %dma_wait3A_185 = arith.constant 0 : i32
          %dma_wait3A_186 = arith.constant 0 : i32
          %dma_wait3A_187 = tpu.memref_slice %arg4[%dma_wait3A_185, %dma_wait3A_186] : memref<10000x128xf32, #tpu.memory_space<hbm>> -> memref<16x128xf32, #tpu.memory_space<hbm>>
          %dma_wait3A_188 = tpu.memref_slice %arg17[%rem3A_180] : memref<2x!tpu.dma_semaphore, #tpu.memory_space<semaphore_mem>> -> memref<1x!tpu.dma_semaphore, #tpu.memory_space<semaphore_mem>>
          %dma_wait3A_189 = tpu.memref_squeeze %dma_wait3A_188 : memref<1x!tpu.dma_semaphore, #tpu.memory_space<semaphore_mem>> -> memref<!tpu.dma_semaphore, #tpu.memory_space<semaphore_mem>>
          %dma_wait3A_190 = arith.constant 0 : i32
          %dma_wait3A_191 = arith.constant 0 : i32
          %dma_wait3A_192 = tpu.memref_slice %arg15[%rem3A_180, %dma_wait3A_190, %dma_wait3A_191] : memref<2x16x128xf32, #tpu.memory_space<vmem>> -> memref<1x16x128xf32, #tpu.memory_space<vmem>>
          %dma_wait3A_193 = tpu.memref_squeeze %dma_wait3A_192 : memref<1x16x128xf32, #tpu.memory_space<vmem>> -> memref<16x128xf32, #tpu.memory_space<vmem>>
          %dma_wait3A_194 = arith.constant 0 : i32
          %dma_wait3A_195 = arith.constant 0 : i32
          %dma_wait3A_196 = tpu.memref_slice %arg4[%dma_wait3A_194, %dma_wait3A_195] : memref<10000x128xf32, #tpu.memory_space<hbm>> -> memref<16x128xf32, #tpu.memory_space<hbm>>
          tpu.wait_dma2 semaphore(%dma_wait3A_189 : memref<!tpu.dma_semaphore, #tpu.memory_space<semaphore_mem>>) src(%dma_wait3A_196 : memref<16x128xf32, #tpu.memory_space<hbm>>) dst(%dma_wait3A_193 : memref<16x128xf32, #tpu.memory_space<vmem>>)
          %rem3A_197 = arith.constant 2 : i32
          %rem3A_198 = arith.remsi %while3A_158, %rem3A_197 : i32
          %mul3A_199 = arith.constant 16 : i32
          %mul3A_200 = arith.muli %while3A_158, %mul3A_199 : i32
          %rem3A_201 = arith.constant 544 : i32
          %rem3A_202 = arith.remsi %mul3A_200, %rem3A_201 : i32
          %get3A = arith.index_cast %rem3A_202 : i32 to index
          %get3A_203 = tpu.vector_load %arg13[%get3A] {strides = array<i32>} : memref<544xi32, #tpu.memory_space<vmem>>, vector<16xi32>,
          %shift_right_arithmetic3A = arith.constant 14 : i32
          %shift_right_arithmetic3A_204 = vector.broadcast %shift_right_arithmetic3A : i32 to vector<16xi32>
          %shift_right_arithmetic3A_205 = arith.shrsi %get3A_203, %shift_right_arithmetic3A_204 : vector<16xi32>
          %slice3A = vector.extract_strided_slice %shift_right_arithmetic3A_205 {offsets = [0], sizes = [1], strides = [1]} : vector<16xi32> to vector<1xi32>
          %squeeze3A = vector.extract %slice3A[0] : i32 from vector<1xi32>
          %get3A_206 = arith.constant 0 : i32
          %get3A_207 = arith.index_cast %rem3A_198 : i32 to index
          %get3A_208 = arith.index_cast %get3A_206 : i32 to index
          %get3A_209 = arith.constant 0 : index
          %get3A_210 = tpu.vector_load %arg15[%get3A_207, %get3A_208, %get3A_209] {strides = array<i32>} : memref<2x16x128xf32, #tpu.memory_space<vmem>>, vector<16xf32>,
          %swap3A = arith.index_cast %squeeze3A : i32 to index
          %swap3A_211 = arith.constant 0 : index
          %swap3A_212 = tpu.vector_load %arg8[%swap3A, %swap3A_211] {strides = array<i32>} : memref<320x128xf32, #tpu.memory_space<vmem>>, vector<16xf32>,
          tpu.vector_store %arg8[%swap3A, %swap3A_211], %get3A_210 {add = true, strides = array<i32>} : memref<320x128xf32, #tpu.memory_space<vmem>>, vector<16xf32>,
          %get3A_213 = arith.index_cast %squeeze3A : i32 to index
          %get3A_214 = arith.constant 0 : index
          %get3A_215 = tpu.vector_load %arg9[%get3A_213, %get3A_214] {strides = array<i32>} : memref<320x128xf32, #tpu.memory_space<vmem>>, vector<16xf32>,
          %max3A = arith.maximumf %get3A_215, %get3A_210 : vector<16xf32>
          %swap3A_216 = arith.index_cast %squeeze3A : i32 to index
          %swap3A_217 = arith.constant 0 : index
          %swap3A_218 = tpu.vector_load %arg9[%swap3A_216, %swap3A_217] {strides = array<i32>} : memref<320x128xf32, #tpu.memory_space<vmem>>, vector<16xf32>,
          tpu.vector_store %arg9[%swap3A_216, %swap3A_217], %max3A {strides = array<i32>} : memref<320x128xf32, #tpu.memory_space<vmem>>, vector<16xf32>,
          %get3A_219 = arith.index_cast %squeeze3A : i32 to index
          %get3A_220 = arith.constant 0 : index
          %get3A_221 = tpu.vector_load %arg10[%get3A_219, %get3A_220] {strides = array<i32>} : memref<320x128xf32, #tpu.memory_space<vmem>>, vector<16xf32>,
          %min3A = arith.minimumf %get3A_221, %get3A_210 : vector<16xf32>
          %swap3A_222 = arith.index_cast %squeeze3A : i32 to index
          %swap3A_223 = arith.constant 0 : index
          %swap3A_224 = tpu.vector_load %arg10[%swap3A_222, %swap3A_223] {strides = array<i32>} : memref<320x128xf32, #tpu.memory_space<vmem>>, vector<16xf32>,
          tpu.vector_store %arg10[%swap3A_222, %swap3A_223], %min3A {strides = array<i32>} : memref<320x128xf32, #tpu.memory_space<vmem>>, vector<16xf32>,
          %slice3A_225 = vector.extract_strided_slice %shift_right_arithmetic3A_205 {offsets = [1], sizes = [1], strides = [1]} : vector<16xi32> to vector<1xi32>
          %squeeze3A_226 = vector.extract %slice3A_225[0] : i32 from vector<1xi32>
          %get3A_227 = arith.constant 1 : i32
          %get3A_228 = arith.index_cast %rem3A_198 : i32 to index
          %get3A_229 = arith.index_cast %get3A_227 : i32 to index
          %get3A_230 = arith.constant 0 : index
          %get3A_231 = tpu.vector_load %arg15[%get3A_228, %get3A_229, %get3A_230] {strides = array<i32>} : memref<2x16x128xf32, #tpu.memory_space<vmem>>, vector<16xf32>,
          %swap3A_232 = arith.index_cast %squeeze3A_226 : i32 to index
          %swap3A_233 = arith.constant 0 : index
          %swap3A_234 = tpu.vector_load %arg8[%swap3A_232, %swap3A_233] {strides = array<i32>} : memref<320x128xf32, #tpu.memory_space<vmem>>, vector<16xf32>,
          tpu.vector_store %arg8[%swap3A_232, %swap3A_233], %get3A_231 {add = true, strides = array<i32>} : memref<320x128xf32, #tpu.memory_space<vmem>>, vector<16xf32>,
          %get3A_235 = arith.index_cast %squeeze3A_226 : i32 to index
          %get3A_236 = arith.constant 0 : index
          %get3A_237 = tpu.vector_load %arg9[%get3A_235, %get3A_236] {strides = array<i32>} : memref<320x128xf32, #tpu.memory_space<vmem>>, vector<16xf32>,
          %max3A_238 = arith.maximumf %get3A_237, %get3A_231 : vector<16xf32>
          %swap3A_239 = arith.index_cast %squeeze3A_226 : i32 to index
          %swap3A_240 = arith.constant 0 : index
          %swap3A_241 = tpu.vector_load %arg9[%swap3A_239, %swap3A_240] {strides = array<i32>} : memref<320x128xf32, #tpu.memory_space<vmem>>, vector<16xf32>,
          tpu.vector_store %arg9[%swap3A_239, %swap3A_240], %max3A_238 {strides = array<i32>} : memref<320x128xf32, #tpu.memory_space<vmem>>, vector<16xf32>,
          %get3A_242 = arith.index_cast %squeeze3A_226 : i32 to index
          %get3A_243 = arith.constant 0 : index
          %get3A_244 = tpu.vector_load %arg10[%get3A_242, %get3A_243] {strides = array<i32>} : memref<320x128xf32, #tpu.memory_space<vmem>>, vector<16xf32>,
          %min3A_245 = arith.minimumf %get3A_244, %get3A_231 : vector<16xf32>
          %swap3A_246 = arith.index_cast %squeeze3A_226 : i32 to index
          %swap3A_247 = arith.constant 0 : index
          %swap3A_248 = tpu.vector_load %arg10[%swap3A_246, %swap3A_247] {strides = array<i32>} : memref<320x128xf32, #tpu.memory_space<vmem>>, vector<16xf32>,
          tpu.vector_store %arg10[%swap3A_246, %swap3A_247], %min3A_245 {strides = array<i32>} : memref<320x128xf32, #tpu.memory_space<vmem>>, vector<16xf32>,
          %slice3A_249 = vector.extract_strided_slice %shift_right_arithmetic3A_205 {offsets = [2], sizes = [1], strides = [1]} : vector<16xi32> to vector<1xi32>
          %squeeze3A_250 = vector.extract %slice3A_249[0] : i32 from vector<1xi32>
          %get3A_251 = arith.constant 2 : i32
          %get3A_252 = arith.index_cast %rem3A_198 : i32 to index
          %get3A_253 = arith.index_cast %get3A_251 : i32 to index
          %get3A_254 = arith.constant 0 : index
          %get3A_255 = tpu.vector_load %arg15[%get3A_252, %get3A_253, %get3A_254] {strides = array<i32>} : memref<2x16x128xf32, #tpu.memory_space<vmem>>, vector<16xf32>,
          %swap3A_256 = arith.index_cast %squeeze3A_250 : i32 to index
          %swap3A_257 = arith.constant 0 : index
          %swap3A_258 = tpu.vector_load %arg8[%swap3A_256, %swap3A_257] {strides = array<i32>} : memref<320x128xf32, #tpu.memory_space<vmem>>, vector<16xf32>,
          tpu.vector_store %arg8[%swap3A_256, %swap3A_257], %get3A_255 {add = true, strides = array<i32>} : memref<320x128xf32, #tpu.memory_space<vmem>>, vector<16xf32>,
          %get3A_259 = arith.index_cast %squeeze3A_250 : i32 to index
          %get3A_260 = arith.constant 0 : index
          %get3A_261 = tpu.vector_load %arg9[%get3A_259, %get3A_260] {strides = array<i32>} : memref<320x128xf32, #tpu.memory_space<vmem>>, vector<16xf32>,
          %max3A_262 = arith.maximumf %get3A_261, %get3A_255 : vector<16xf32>
          %swap3A_263 = arith.index_cast %squeeze3A_250 : i32 to index
          %swap3A_264 = arith.constant 0 : index
          %swap3A_265 = tpu.vector_load %arg9[%swap3A_263, %swap3A_264] {strides = array<i32>} : memref<320x128xf32, #tpu.memory_space<vmem>>, vector<16xf32>,
          tpu.vector_store %arg9[%swap3A_263, %swap3A_264], %max3A_262 {strides = array<i32>} : memref<320x128xf32, #tpu.memory_space<vmem>>, vector<16xf32>,
          %get3A_266 = arith.index_cast %squeeze3A_250 : i32 to index
          %get3A_267 = arith.constant 0 : index
          %get3A_268 = tpu.vector_load %arg10[%get3A_266, %get3A_267] {strides = array<i32>} : memref<320x128xf32, #tpu.memory_space<vmem>>, vector<16xf32>,
          %min3A_269 = arith.minimumf %get3A_268, %get3A_255 : vector<16xf32>
          %swap3A_270 = arith.index_cast %squeeze3A_250 : i32 to index
          %swap3A_271 = arith.constant 0 : index
          %swap3A_272 = tpu.vector_load %arg10[%swap3A_270, %swap3A_271] {strides = array<i32>} : memref<320x128xf32, #tpu.memory_space<vmem>>, vector<16xf32>,
          tpu.vector_store %arg10[%swap3A_270, %swap3A_271], %min3A_269 {strides = array<i32>} : memref<320x128xf32, #tpu.memory_space<vmem>>, vector<16xf32>,
          %slice3A_273 = vector.extract_strided_slice %shift_right_arithmetic3A_205 {offsets = [3], sizes = [1], strides = [1]} : vector<16xi32> to vector<1xi32>
          %squeeze3A_274 = vector.extract %slice3A_273[0] : i32 from vector<1xi32>
          %get3A_275 = arith.constant 3 : i32
          %get3A_276 = arith.index_cast %rem3A_198 : i32 to index
          %get3A_277 = arith.index_cast %get3A_275 : i32 to index
          %get3A_278 = arith.constant 0 : index
          %get3A_279 = tpu.vector_load %arg15[%get3A_276, %get3A_277, %get3A_278] {strides = array<i32>} : memref<2x16x128xf32, #tpu.memory_space<vmem>>, vector<16xf32>,
          %swap3A_280 = arith.index_cast %squeeze3A_274 : i32 to index
          %swap3A_281 = arith.constant 0 : index
          %swap3A_282 = tpu.vector_load %arg8[%swap3A_280, %swap3A_281] {strides = array<i32>} : memref<320x128xf32, #tpu.memory_space<vmem>>, vector<16xf32>,
          tpu.vector_store %arg8[%swap3A_280, %swap3A_281], %get3A_279 {add = true, strides = array<i32>} : memref<320x128xf32, #tpu.memory_space<vmem>>, vector<16xf32>,
          %get3A_283 = arith.index_cast %squeeze3A_274 : i32 to index
          %get3A_284 = arith.constant 0 : index
          %get3A_285 = tpu.vector_load %arg9[%get3A_283, %get3A_284] {strides = array<i32>} : memref<320x128xf32, #tpu.memory_space<vmem>>, vector<16xf32>,
          %max3A_286 = arith.maximumf %get3A_285, %get3A_279 : vector<16xf32>
          %swap3A_287 = arith.index_cast %squeeze3A_274 : i32 to index
          %swap3A_288 = arith.constant 0 : index
          %swap3A_289 = tpu.vector_load %arg9[%swap3A_287, %swap3A_288] {strides = array<i32>} : memref<320x128xf32, #tpu.memory_space<vmem>>, vector<16xf32>,
          tpu.vector_store %arg9[%swap3A_287, %swap3A_288], %max3A_286 {strides = array<i32>} : memref<320x128xf32, #tpu.memory_space<vmem>>, vector<16xf32>,
          %get3A_290 = arith.index_cast %squeeze3A_274 : i32 to index
          %get3A_291 = arith.constant 0 : index
          %get3A_292 = tpu.vector_load %arg10[%get3A_290, %get3A_291] {strides = array<i32>} : memref<320x128xf32, #tpu.memory_space<vmem>>, vector<16xf32>,
          %min3A_293 = arith.minimumf %get3A_292, %get3A_279 : vector<16xf32>
          %swap3A_294 = arith.index_cast %squeeze3A_274 : i32 to index
          %swap3A_295 = arith.constant 0 : index
          %swap3A_296 = tpu.vector_load %arg10[%swap3A_294, %swap3A_295] {strides = array<i32>} : memref<320x128xf32, #tpu.memory_space<vmem>>, vector<16xf32>,
          tpu.vector_store %arg10[%swap3A_294, %swap3A_295], %min3A_293 {strides = array<i32>} : memref<320x128xf32, #tpu.memory_space<vmem>>, vector<16xf32>,
          %slice3A_297 = vector.extract_strided_slice %shift_right_arithmetic3A_205 {offsets = [4], sizes = [1], strides = [1]} : vector<16xi32> to vector<1xi32>
          %squeeze3A_298 = vector.extract %slice3A_297[0] : i32 from vector<1xi32>
          %get3A_299 = arith.constant 4 : i32
          %get3A_300 = arith.index_cast %rem3A_198 : i32 to index
          %get3A_301 = arith.index_cast %get3A_299 : i32 to index
          %get3A_302 = arith.constant 0 : index
          %get3A_303 = tpu.vector_load %arg15[%get3A_300, %get3A_301, %get3A_302] {strides = array<i32>} : memref<2x16x128xf32, #tpu.memory_space<vmem>>, vector<16xf32>,
          %swap3A_304 = arith.index_cast %squeeze3A_298 : i32 to index
          %swap3A_305 = arith.constant 0 : index
          %swap3A_306 = tpu.vector_load %arg8[%swap3A_304, %swap3A_305] {strides = array<i32>} : memref<320x128xf32, #tpu.memory_space<vmem>>, vector<16xf32>,
          tpu.vector_store %arg8[%swap3A_304, %swap3A_305], %get3A_303 {add = true, strides = array<i32>} : memref<320x128xf32, #tpu.memory_space<vmem>>, vector<16xf32>,
          %get3A_307 = arith.index_cast %squeeze3A_298 : i32 to index
          %get3A_308 = arith.constant 0 : index
          %get3A_309 = tpu.vector_load %arg9[%get3A_307, %get3A_308] {strides = array<i32>} : memref<320x128xf32, #tpu.memory_space<vmem>>, vector<16xf32>,
          %max3A_310 = arith.maximumf %get3A_309, %get3A_303 : vector<16xf32>
          %swap3A_311 = arith.index_cast %squeeze3A_298 : i32 to index
          %swap3A_312 = arith.constant 0 : index
          %swap3A_313 = tpu.vector_load %arg9[%swap3A_311, %swap3A_312] {strides = array<i32>} : memref<320x128xf32, #tpu.memory_space<vmem>>, vector<16xf32>,
          tpu.vector_store %arg9[%swap3A_311, %swap3A_312], %max3A_310 {strides = array<i32>} : memref<320x128xf32, #tpu.memory_space<vmem>>, vector<16xf32>,
          %get3A_314 = arith.index_cast %squeeze3A_298 : i32 to index
          %get3A_315 = arith.constant 0 : index
          %get3A_316 = tpu.vector_load %arg10[%get3A_314, %get3A_315] {strides = array<i32>} : memref<320x128xf32, #tpu.memory_space<vmem>>, vector<16xf32>,
          %min3A_317 = arith.minimumf %get3A_316, %get3A_303 : vector<16xf32>
          %swap3A_318 = arith.index_cast %squeeze3A_298 : i32 to index
          %swap3A_319 = arith.constant 0 : index
          %swap3A_320 = tpu.vector_load %arg10[%swap3A_318, %swap3A_319] {strides = array<i32>} : memref<320x128xf32, #tpu.memory_space<vmem>>, vector<16xf32>,
          tpu.vector_store %arg10[%swap3A_318, %swap3A_319], %min3A_317 {strides = array<i32>} : memref<320x128xf32, #tpu.memory_space<vmem>>, vector<16xf32>,
          %slice3A_321 = vector.extract_strided_slice %shift_right_arithmetic3A_205 {offsets = [5], sizes = [1], strides = [1]} : vector<16xi32> to vector<1xi32>
          %squeeze3A_322 = vector.extract %slice3A_321[0] : i32 from vector<1xi32>
          %get3A_323 = arith.constant 5 : i32
          %get3A_324 = arith.index_cast %rem3A_198 : i32 to index
          %get3A_325 = arith.index_cast %get3A_323 : i32 to index
          %get3A_326 = arith.constant 0 : index
          %get3A_327 = tpu.vector_load %arg15[%get3A_324, %get3A_325, %get3A_326] {strides = array<i32>} : memref<2x16x128xf32, #tpu.memory_space<vmem>>, vector<16xf32>,
          %swap3A_328 = arith.index_cast %squeeze3A_322 : i32 to index
          %swap3A_329 = arith.constant 0 : index
          %swap3A_330 = tpu.vector_load %arg8[%swap3A_328, %swap3A_329] {strides = array<i32>} : memref<320x128xf32, #tpu.memory_space<vmem>>, vector<16xf32>,
          tpu.vector_store %arg8[%swap3A_328, %swap3A_329], %get3A_327 {add = true, strides = array<i32>} : memref<320x128xf32, #tpu.memory_space<vmem>>, vector<16xf32>,
          %get3A_331 = arith.index_cast %squeeze3A_322 : i32 to index
          %get3A_332 = arith.constant 0 : index
          %get3A_333 = tpu.vector_load %arg9[%get3A_331, %get3A_332] {strides = array<i32>} : memref<320x128xf32, #tpu.memory_space<vmem>>, vector<16xf32>,
          %max3A_334 = arith.maximumf %get3A_333, %get3A_327 : vector<16xf32>
          %swap3A_335 = arith.index_cast %squeeze3A_322 : i32 to index
          %swap3A_336 = arith.constant 0 : index
          %swap3A_337 = tpu.vector_load %arg9[%swap3A_335, %swap3A_336] {strides = array<i32>} : memref<320x128xf32, #tpu.memory_space<vmem>>, vector<16xf32>,
          tpu.vector_store %arg9[%swap3A_335, %swap3A_336], %max3A_334 {strides = array<i32>} : memref<320x128xf32, #tpu.memory_space<vmem>>, vector<16xf32>,
          %get3A_338 = arith.index_cast %squeeze3A_322 : i32 to index
          %get3A_339 = arith.constant 0 : index
          %get3A_340 = tpu.vector_load %arg10[%get3A_338, %get3A_339] {strides = array<i32>} : memref<320x128xf32, #tpu.memory_space<vmem>>, vector<16xf32>,
          %min3A_341 = arith.minimumf %get3A_340, %get3A_327 : vector<16xf32>
          %swap3A_342 = arith.index_cast %squeeze3A_322 : i32 to index
          %swap3A_343 = arith.constant 0 : index
          %swap3A_344 = tpu.vector_load %arg10[%swap3A_342, %swap3A_343] {strides = array<i32>} : memref<320x128xf32, #tpu.memory_space<vmem>>, vector<16xf32>,
          tpu.vector_store %arg10[%swap3A_342, %swap3A_343], %min3A_341 {strides = array<i32>} : memref<320x128xf32, #tpu.memory_space<vmem>>, vector<16xf32>,
          %slice3A_345 = vector.extract_strided_slice %shift_right_arithmetic3A_205 {offsets = [6], sizes = [1], strides = [1]} : vector<16xi32> to vector<1xi32>
          %squeeze3A_346 = vector.extract %slice3A_345[0] : i32 from vector<1xi32>
          %get3A_347 = arith.constant 6 : i32
          %get3A_348 = arith.index_cast %rem3A_198 : i32 to index
          %get3A_349 = arith.index_cast %get3A_347 : i32 to index
          %get3A_350 = arith.constant 0 : index
          %get3A_351 = tpu.vector_load %arg15[%get3A_348, %get3A_349, %get3A_350] {strides = array<i32>} : memref<2x16x128xf32, #tpu.memory_space<vmem>>, vector<16xf32>,
          %swap3A_352 = arith.index_cast %squeeze3A_346 : i32 to index
          %swap3A_353 = arith.constant 0 : index
          %swap3A_354 = tpu.vector_load %arg8[%swap3A_352, %swap3A_353] {strides = array<i32>} : memref<320x128xf32, #tpu.memory_space<vmem>>, vector<16xf32>,
          tpu.vector_store %arg8[%swap3A_352, %swap3A_353], %get3A_351 {add = true, strides = array<i32>} : memref<320x128xf32, #tpu.memory_space<vmem>>, vector<16xf32>,
          %get3A_355 = arith.index_cast %squeeze3A_346 : i32 to index
          %get3A_356 = arith.constant 0 : index
          %get3A_357 = tpu.vector_load %arg9[%get3A_355, %get3A_356] {strides = array<i32>} : memref<320x128xf32, #tpu.memory_space<vmem>>, vector<16xf32>,
          %max3A_358 = arith.maximumf %get3A_357, %get3A_351 : vector<16xf32>
          %swap3A_359 = arith.index_cast %squeeze3A_346 : i32 to index
          %swap3A_360 = arith.constant 0 : index
          %swap3A_361 = tpu.vector_load %arg9[%swap3A_359, %swap3A_360] {strides = array<i32>} : memref<320x128xf32, #tpu.memory_space<vmem>>, vector<16xf32>,
          tpu.vector_store %arg9[%swap3A_359, %swap3A_360], %max3A_358 {strides = array<i32>} : memref<320x128xf32, #tpu.memory_space<vmem>>, vector<16xf32>,
          %get3A_362 = arith.index_cast %squeeze3A_346 : i32 to index
          %get3A_363 = arith.constant 0 : index
          %get3A_364 = tpu.vector_load %arg10[%get3A_362, %get3A_363] {strides = array<i32>} : memref<320x128xf32, #tpu.memory_space<vmem>>, vector<16xf32>,
          %min3A_365 = arith.minimumf %get3A_364, %get3A_351 : vector<16xf32>
          %swap3A_366 = arith.index_cast %squeeze3A_346 : i32 to index
          %swap3A_367 = arith.constant 0 : index
          %swap3A_368 = tpu.vector_load %arg10[%swap3A_366, %swap3A_367] {strides = array<i32>} : memref<320x128xf32, #tpu.memory_space<vmem>>, vector<16xf32>,
          tpu.vector_store %arg10[%swap3A_366, %swap3A_367], %min3A_365 {strides = array<i32>} : memref<320x128xf32, #tpu.memory_space<vmem>>, vector<16xf32>,
          %slice3A_369 = vector.extract_strided_slice %shift_right_arithmetic3A_205 {offsets = [7], sizes = [1], strides = [1]} : vector<16xi32> to vector<1xi32>
          %squeeze3A_370 = vector.extract %slice3A_369[0] : i32 from vector<1xi32>
          %get3A_371 = arith.constant 7 : i32
          %get3A_372 = arith.index_cast %rem3A_198 : i32 to index
          %get3A_373 = arith.index_cast %get3A_371 : i32 to index
          %get3A_374 = arith.constant 0 : index
          %get3A_375 = tpu.vector_load %arg15[%get3A_372, %get3A_373, %get3A_374] {strides = array<i32>} : memref<2x16x128xf32, #tpu.memory_space<vmem>>, vector<16xf32>,
          %swap3A_376 = arith.index_cast %squeeze3A_370 : i32 to index
          %swap3A_377 = arith.constant 0 : index
          %swap3A_378 = tpu.vector_load %arg8[%swap3A_376, %swap3A_377] {strides = array<i32>} : memref<320x128xf32, #tpu.memory_space<vmem>>, vector<16xf32>,
          tpu.vector_store %arg8[%swap3A_376, %swap3A_377], %get3A_375 {add = true, strides = array<i32>} : memref<320x128xf32, #tpu.memory_space<vmem>>, vector<16xf32>,
          %get3A_379 = arith.index_cast %squeeze3A_370 : i32 to index
          %get3A_380 = arith.constant 0 : index
          %get3A_381 = tpu.vector_load %arg9[%get3A_379, %get3A_380] {strides = array<i32>} : memref<320x128xf32, #tpu.memory_space<vmem>>, vector<16xf32>,
          %max3A_382 = arith.maximumf %get3A_381, %get3A_375 : vector<16xf32>
          %swap3A_383 = arith.index_cast %squeeze3A_370 : i32 to index
          %swap3A_384 = arith.constant 0 : index
          %swap3A_385 = tpu.vector_load %arg9[%swap3A_383, %swap3A_384] {strides = array<i32>} : memref<320x128xf32, #tpu.memory_space<vmem>>, vector<16xf32>,
          tpu.vector_store %arg9[%swap3A_383, %swap3A_384], %max3A_382 {strides = array<i32>} : memref<320x128xf32, #tpu.memory_space<vmem>>, vector<16xf32>,
          %get3A_386 = arith.index_cast %squeeze3A_370 : i32 to index
          %get3A_387 = arith.constant 0 : index
          %get3A_388 = tpu.vector_load %arg10[%get3A_386, %get3A_387] {strides = array<i32>} : memref<320x128xf32, #tpu.memory_space<vmem>>, vector<16xf32>,
          %min3A_389 = arith.minimumf %get3A_388, %get3A_375 : vector<16xf32>
          %swap3A_390 = arith.index_cast %squeeze3A_370 : i32 to index
          %swap3A_391 = arith.constant 0 : index
          %swap3A_392 = tpu.vector_load %arg10[%swap3A_390, %swap3A_391] {strides = array<i32>} : memref<320x128xf32, #tpu.memory_space<vmem>>, vector<16xf32>,
          tpu.vector_store %arg10[%swap3A_390, %swap3A_391], %min3A_389 {strides = array<i32>} : memref<320x128xf32, #tpu.memory_space<vmem>>, vector<16xf32>,
          %slice3A_393 = vector.extract_strided_slice %shift_right_arithmetic3A_205 {offsets = [8], sizes = [1], strides = [1]} : vector<16xi32> to vector<1xi32>
          %squeeze3A_394 = vector.extract %slice3A_393[0] : i32 from vector<1xi32>
          %get3A_395 = arith.constant 8 : i32
          %get3A_396 = arith.index_cast %rem3A_198 : i32 to index
          %get3A_397 = arith.index_cast %get3A_395 : i32 to index
          %get3A_398 = arith.constant 0 : index
          %get3A_399 = tpu.vector_load %arg15[%get3A_396, %get3A_397, %get3A_398] {strides = array<i32>} : memref<2x16x128xf32, #tpu.memory_space<vmem>>, vector<16xf32>,
          %swap3A_400 = arith.index_cast %squeeze3A_394 : i32 to index
          %swap3A_401 = arith.constant 0 : index
          %swap3A_402 = tpu.vector_load %arg8[%swap3A_400, %swap3A_401] {strides = array<i32>} : memref<320x128xf32, #tpu.memory_space<vmem>>, vector<16xf32>,
          tpu.vector_store %arg8[%swap3A_400, %swap3A_401], %get3A_399 {add = true, strides = array<i32>} : memref<320x128xf32, #tpu.memory_space<vmem>>, vector<16xf32>,
          %get3A_403 = arith.index_cast %squeeze3A_394 : i32 to index
          %get3A_404 = arith.constant 0 : index
          %get3A_405 = tpu.vector_load %arg9[%get3A_403, %get3A_404] {strides = array<i32>} : memref<320x128xf32, #tpu.memory_space<vmem>>, vector<16xf32>,
          %max3A_406 = arith.maximumf %get3A_405, %get3A_399 : vector<16xf32>
          %swap3A_407 = arith.index_cast %squeeze3A_394 : i32 to index
          %swap3A_408 = arith.constant 0 : index
          %swap3A_409 = tpu.vector_load %arg9[%swap3A_407, %swap3A_408] {strides = array<i32>} : memref<320x128xf32, #tpu.memory_space<vmem>>, vector<16xf32>,
          tpu.vector_store %arg9[%swap3A_407, %swap3A_408], %max3A_406 {strides = array<i32>} : memref<320x128xf32, #tpu.memory_space<vmem>>, vector<16xf32>,
          %get3A_410 = arith.index_cast %squeeze3A_394 : i32 to index
          %get3A_411 = arith.constant 0 : index
          %get3A_412 = tpu.vector_load %arg10[%get3A_410, %get3A_411] {strides = array<i32>} : memref<320x128xf32, #tpu.memory_space<vmem>>, vector<16xf32>,
          %min3A_413 = arith.minimumf %get3A_412, %get3A_399 : vector<16xf32>
          %swap3A_414 = arith.index_cast %squeeze3A_394 : i32 to index
          %swap3A_415 = arith.constant 0 : index
          %swap3A_416 = tpu.vector_load %arg10[%swap3A_414, %swap3A_415] {strides = array<i32>} : memref<320x128xf32, #tpu.memory_space<vmem>>, vector<16xf32>,
          tpu.vector_store %arg10[%swap3A_414, %swap3A_415], %min3A_413 {strides = array<i32>} : memref<320x128xf32, #tpu.memory_space<vmem>>, vector<16xf32>,
          %slice3A_417 = vector.extract_strided_slice %shift_right_arithmetic3A_205 {offsets = [9], sizes = [1], strides = [1]} : vector<16xi32> to vector<1xi32>
          %squeeze3A_418 = vector.extract %slice3A_417[0] : i32 from vector<1xi32>
          %get3A_419 = arith.constant 9 : i32
          %get3A_420 = arith.index_cast %rem3A_198 : i32 to index
          %get3A_421 = arith.index_cast %get3A_419 : i32 to index
          %get3A_422 = arith.constant 0 : index
          %get3A_423 = tpu.vector_load %arg15[%get3A_420, %get3A_421, %get3A_422] {strides = array<i32>} : memref<2x16x128xf32, #tpu.memory_space<vmem>>, vector<16xf32>,
          %swap3A_424 = arith.index_cast %squeeze3A_418 : i32 to index
          %swap3A_425 = arith.constant 0 : index
          %swap3A_426 = tpu.vector_load %arg8[%swap3A_424, %swap3A_425] {strides = array<i32>} : memref<320x128xf32, #tpu.memory_space<vmem>>, vector<16xf32>,
          tpu.vector_store %arg8[%swap3A_424, %swap3A_425], %get3A_423 {add = true, strides = array<i32>} : memref<320x128xf32, #tpu.memory_space<vmem>>, vector<16xf32>,
          %get3A_427 = arith.index_cast %squeeze3A_418 : i32 to index
          %get3A_428 = arith.constant 0 : index
          %get3A_429 = tpu.vector_load %arg9[%get3A_427, %get3A_428] {strides = array<i32>} : memref<320x128xf32, #tpu.memory_space<vmem>>, vector<16xf32>,
          %max3A_430 = arith.maximumf %get3A_429, %get3A_423 : vector<16xf32>
          %swap3A_431 = arith.index_cast %squeeze3A_418 : i32 to index
          %swap3A_432 = arith.constant 0 : index
          %swap3A_433 = tpu.vector_load %arg9[%swap3A_431, %swap3A_432] {strides = array<i32>} : memref<320x128xf32, #tpu.memory_space<vmem>>, vector<16xf32>,
          tpu.vector_store %arg9[%swap3A_431, %swap3A_432], %max3A_430 {strides = array<i32>} : memref<320x128xf32, #tpu.memory_space<vmem>>, vector<16xf32>,
          %get3A_434 = arith.index_cast %squeeze3A_418 : i32 to index
          %get3A_435 = arith.constant 0 : index
          %get3A_436 = tpu.vector_load %arg10[%get3A_434, %get3A_435] {strides = array<i32>} : memref<320x128xf32, #tpu.memory_space<vmem>>, vector<16xf32>,
          %min3A_437 = arith.minimumf %get3A_436, %get3A_423 : vector<16xf32>
          %swap3A_438 = arith.index_cast %squeeze3A_418 : i32 to index
          %swap3A_439 = arith.constant 0 : index
          %swap3A_440 = tpu.vector_load %arg10[%swap3A_438, %swap3A_439] {strides = array<i32>} : memref<320x128xf32, #tpu.memory_space<vmem>>, vector<16xf32>,
          tpu.vector_store %arg10[%swap3A_438, %swap3A_439], %min3A_437 {strides = array<i32>} : memref<320x128xf32, #tpu.memory_space<vmem>>, vector<16xf32>,
          %slice3A_441 = vector.extract_strided_slice %shift_right_arithmetic3A_205 {offsets = [10], sizes = [1], strides = [1]} : vector<16xi32> to vector<1xi32>
          %squeeze3A_442 = vector.extract %slice3A_441[0] : i32 from vector<1xi32>
          %get3A_443 = arith.constant 10 : i32
          %get3A_444 = arith.index_cast %rem3A_198 : i32 to index
          %get3A_445 = arith.index_cast %get3A_443 : i32 to index
          %get3A_446 = arith.constant 0 : index
          %get3A_447 = tpu.vector_load %arg15[%get3A_444, %get3A_445, %get3A_446] {strides = array<i32>} : memref<2x16x128xf32, #tpu.memory_space<vmem>>, vector<16xf32>,
          %swap3A_448 = arith.index_cast %squeeze3A_442 : i32 to index
          %swap3A_449 = arith.constant 0 : index
          %swap3A_450 = tpu.vector_load %arg8[%swap3A_448, %swap3A_449] {strides = array<i32>} : memref<320x128xf32, #tpu.memory_space<vmem>>, vector<16xf32>,
          tpu.vector_store %arg8[%swap3A_448, %swap3A_449], %get3A_447 {add = true, strides = array<i32>} : memref<320x128xf32, #tpu.memory_space<vmem>>, vector<16xf32>,
          %get3A_451 = arith.index_cast %squeeze3A_442 : i32 to index
          %get3A_452 = arith.constant 0 : index
          %get3A_453 = tpu.vector_load %arg9[%get3A_451, %get3A_452] {strides = array<i32>} : memref<320x128xf32, #tpu.memory_space<vmem>>, vector<16xf32>,
          %max3A_454 = arith.maximumf %get3A_453, %get3A_447 : vector<16xf32>
          %swap3A_455 = arith.index_cast %squeeze3A_442 : i32 to index
          %swap3A_456 = arith.constant 0 : index
          %swap3A_457 = tpu.vector_load %arg9[%swap3A_455, %swap3A_456] {strides = array<i32>} : memref<320x128xf32, #tpu.memory_space<vmem>>, vector<16xf32>,
          tpu.vector_store %arg9[%swap3A_455, %swap3A_456], %max3A_454 {strides = array<i32>} : memref<320x128xf32, #tpu.memory_space<vmem>>, vector<16xf32>,
          %get3A_458 = arith.index_cast %squeeze3A_442 : i32 to index
          %get3A_459 = arith.constant 0 : index
          %get3A_460 = tpu.vector_load %arg10[%get3A_458, %get3A_459] {strides = array<i32>} : memref<320x128xf32, #tpu.memory_space<vmem>>, vector<16xf32>,
          %min3A_461 = arith.minimumf %get3A_460, %get3A_447 : vector<16xf32>
          %swap3A_462 = arith.index_cast %squeeze3A_442 : i32 to index
          %swap3A_463 = arith.constant 0 : index
          %swap3A_464 = tpu.vector_load %arg10[%swap3A_462, %swap3A_463] {strides = array<i32>} : memref<320x128xf32, #tpu.memory_space<vmem>>, vector<16xf32>,
          tpu.vector_store %arg10[%swap3A_462, %swap3A_463], %min3A_461 {strides = array<i32>} : memref<320x128xf32, #tpu.memory_space<vmem>>, vector<16xf32>,
          %slice3A_465 = vector.extract_strided_slice %shift_right_arithmetic3A_205 {offsets = [11], sizes = [1], strides = [1]} : vector<16xi32> to vector<1xi32>
          %squeeze3A_466 = vector.extract %slice3A_465[0] : i32 from vector<1xi32>
          %get3A_467 = arith.constant 11 : i32
          %get3A_468 = arith.index_cast %rem3A_198 : i32 to index
          %get3A_469 = arith.index_cast %get3A_467 : i32 to index
          %get3A_470 = arith.constant 0 : index
          %get3A_471 = tpu.vector_load %arg15[%get3A_468, %get3A_469, %get3A_470] {strides = array<i32>} : memref<2x16x128xf32, #tpu.memory_space<vmem>>, vector<16xf32>,
          %swap3A_472 = arith.index_cast %squeeze3A_466 : i32 to index
          %swap3A_473 = arith.constant 0 : index
          %swap3A_474 = tpu.vector_load %arg8[%swap3A_472, %swap3A_473] {strides = array<i32>} : memref<320x128xf32, #tpu.memory_space<vmem>>, vector<16xf32>,
          tpu.vector_store %arg8[%swap3A_472, %swap3A_473], %get3A_471 {add = true, strides = array<i32>} : memref<320x128xf32, #tpu.memory_space<vmem>>, vector<16xf32>,
          %get3A_475 = arith.index_cast %squeeze3A_466 : i32 to index
          %get3A_476 = arith.constant 0 : index
          %get3A_477 = tpu.vector_load %arg9[%get3A_475, %get3A_476] {strides = array<i32>} : memref<320x128xf32, #tpu.memory_space<vmem>>, vector<16xf32>,
          %max3A_478 = arith.maximumf %get3A_477, %get3A_471 : vector<16xf32>
          %swap3A_479 = arith.index_cast %squeeze3A_466 : i32 to index
          %swap3A_480 = arith.constant 0 : index
          %swap3A_481 = tpu.vector_load %arg9[%swap3A_479, %swap3A_480] {strides = array<i32>} : memref<320x128xf32, #tpu.memory_space<vmem>>, vector<16xf32>,
          tpu.vector_store %arg9[%swap3A_479, %swap3A_480], %max3A_478 {strides = array<i32>} : memref<320x128xf32, #tpu.memory_space<vmem>>, vector<16xf32>,
          %get3A_482 = arith.index_cast %squeeze3A_466 : i32 to index
          %get3A_483 = arith.constant 0 : index
          %get3A_484 = tpu.vector_load %arg10[%get3A_482, %get3A_483] {strides = array<i32>} : memref<320x128xf32, #tpu.memory_space<vmem>>, vector<16xf32>,
          %min3A_485 = arith.minimumf %get3A_484, %get3A_471 : vector<16xf32>
          %swap3A_486 = arith.index_cast %squeeze3A_466 : i32 to index
          %swap3A_487 = arith.constant 0 : index
          %swap3A_488 = tpu.vector_load %arg10[%swap3A_486, %swap3A_487] {strides = array<i32>} : memref<320x128xf32, #tpu.memory_space<vmem>>, vector<16xf32>,
          tpu.vector_store %arg10[%swap3A_486, %swap3A_487], %min3A_485 {strides = array<i32>} : memref<320x128xf32, #tpu.memory_space<vmem>>, vector<16xf32>,
          %slice3A_489 = vector.extract_strided_slice %shift_right_arithmetic3A_205 {offsets = [12], sizes = [1], strides = [1]} : vector<16xi32> to vector<1xi32>
          %squeeze3A_490 = vector.extract %slice3A_489[0] : i32 from vector<1xi32>
          %get3A_491 = arith.constant 12 : i32
          %get3A_492 = arith.index_cast %rem3A_198 : i32 to index
          %get3A_493 = arith.index_cast %get3A_491 : i32 to index
          %get3A_494 = arith.constant 0 : index
          %get3A_495 = tpu.vector_load %arg15[%get3A_492, %get3A_493, %get3A_494] {strides = array<i32>} : memref<2x16x128xf32, #tpu.memory_space<vmem>>, vector<16xf32>,
          %swap3A_496 = arith.index_cast %squeeze3A_490 : i32 to index
          %swap3A_497 = arith.constant 0 : index
          %swap3A_498 = tpu.vector_load %arg8[%swap3A_496, %swap3A_497] {strides = array<i32>} : memref<320x128xf32, #tpu.memory_space<vmem>>, vector<16xf32>,
          tpu.vector_store %arg8[%swap3A_496, %swap3A_497], %get3A_495 {add = true, strides = array<i32>} : memref<320x128xf32, #tpu.memory_space<vmem>>, vector<16xf32>,
          %get3A_499 = arith.index_cast %squeeze3A_490 : i32 to index
          %get3A_500 = arith.constant 0 : index
          %get3A_501 = tpu.vector_load %arg9[%get3A_499, %get3A_500] {strides = array<i32>} : memref<320x128xf32, #tpu.memory_space<vmem>>, vector<16xf32>,
          %max3A_502 = arith.maximumf %get3A_501, %get3A_495 : vector<16xf32>
          %swap3A_503 = arith.index_cast %squeeze3A_490 : i32 to index
          %swap3A_504 = arith.constant 0 : index
          %swap3A_505 = tpu.vector_load %arg9[%swap3A_503, %swap3A_504] {strides = array<i32>} : memref<320x128xf32, #tpu.memory_space<vmem>>, vector<16xf32>,
          tpu.vector_store %arg9[%swap3A_503, %swap3A_504], %max3A_502 {strides = array<i32>} : memref<320x128xf32, #tpu.memory_space<vmem>>, vector<16xf32>,
          %get3A_506 = arith.index_cast %squeeze3A_490 : i32 to index
          %get3A_507 = arith.constant 0 : index
          %get3A_508 = tpu.vector_load %arg10[%get3A_506, %get3A_507] {strides = array<i32>} : memref<320x128xf32, #tpu.memory_space<vmem>>, vector<16xf32>,
          %min3A_509 = arith.minimumf %get3A_508, %get3A_495 : vector<16xf32>
          %swap3A_510 = arith.index_cast %squeeze3A_490 : i32 to index
          %swap3A_511 = arith.constant 0 : index
          %swap3A_512 = tpu.vector_load %arg10[%swap3A_510, %swap3A_511] {strides = array<i32>} : memref<320x128xf32, #tpu.memory_space<vmem>>, vector<16xf32>,
          tpu.vector_store %arg10[%swap3A_510, %swap3A_511], %min3A_509 {strides = array<i32>} : memref<320x128xf32, #tpu.memory_space<vmem>>, vector<16xf32>,
          %slice3A_513 = vector.extract_strided_slice %shift_right_arithmetic3A_205 {offsets = [13], sizes = [1], strides = [1]} : vector<16xi32> to vector<1xi32>
          %squeeze3A_514 = vector.extract %slice3A_513[0] : i32 from vector<1xi32>
          %get3A_515 = arith.constant 13 : i32
          %get3A_516 = arith.index_cast %rem3A_198 : i32 to index
          %get3A_517 = arith.index_cast %get3A_515 : i32 to index
          %get3A_518 = arith.constant 0 : index
          %get3A_519 = tpu.vector_load %arg15[%get3A_516, %get3A_517, %get3A_518] {strides = array<i32>} : memref<2x16x128xf32, #tpu.memory_space<vmem>>, vector<16xf32>,
          %swap3A_520 = arith.index_cast %squeeze3A_514 : i32 to index
          %swap3A_521 = arith.constant 0 : index
          %swap3A_522 = tpu.vector_load %arg8[%swap3A_520, %swap3A_521] {strides = array<i32>} : memref<320x128xf32, #tpu.memory_space<vmem>>, vector<16xf32>,
          tpu.vector_store %arg8[%swap3A_520, %swap3A_521], %get3A_519 {add = true, strides = array<i32>} : memref<320x128xf32, #tpu.memory_space<vmem>>, vector<16xf32>,
          %get3A_523 = arith.index_cast %squeeze3A_514 : i32 to index
          %get3A_524 = arith.constant 0 : index
          %get3A_525 = tpu.vector_load %arg9[%get3A_523, %get3A_524] {strides = array<i32>} : memref<320x128xf32, #tpu.memory_space<vmem>>, vector<16xf32>,
          %max3A_526 = arith.maximumf %get3A_525, %get3A_519 : vector<16xf32>
          %swap3A_527 = arith.index_cast %squeeze3A_514 : i32 to index
          %swap3A_528 = arith.constant 0 : index
          %swap3A_529 = tpu.vector_load %arg9[%swap3A_527, %swap3A_528] {strides = array<i32>} : memref<320x128xf32, #tpu.memory_space<vmem>>, vector<16xf32>,
          tpu.vector_store %arg9[%swap3A_527, %swap3A_528], %max3A_526 {strides = array<i32>} : memref<320x128xf32, #tpu.memory_space<vmem>>, vector<16xf32>,
          %get3A_530 = arith.index_cast %squeeze3A_514 : i32 to index
          %get3A_531 = arith.constant 0 : index
          %get3A_532 = tpu.vector_load %arg10[%get3A_530, %get3A_531] {strides = array<i32>} : memref<320x128xf32, #tpu.memory_space<vmem>>, vector<16xf32>,
          %min3A_533 = arith.minimumf %get3A_532, %get3A_519 : vector<16xf32>
          %swap3A_534 = arith.index_cast %squeeze3A_514 : i32 to index
          %swap3A_535 = arith.constant 0 : index
          %swap3A_536 = tpu.vector_load %arg10[%swap3A_534, %swap3A_535] {strides = array<i32>} : memref<320x128xf32, #tpu.memory_space<vmem>>, vector<16xf32>,
          tpu.vector_store %arg10[%swap3A_534, %swap3A_535], %min3A_533 {strides = array<i32>} : memref<320x128xf32, #tpu.memory_space<vmem>>, vector<16xf32>,
          %slice3A_537 = vector.extract_strided_slice %shift_right_arithmetic3A_205 {offsets = [14], sizes = [1], strides = [1]} : vector<16xi32> to vector<1xi32>
          %squeeze3A_538 = vector.extract %slice3A_537[0] : i32 from vector<1xi32>
          %get3A_539 = arith.constant 14 : i32
          %get3A_540 = arith.index_cast %rem3A_198 : i32 to index
          %get3A_541 = arith.index_cast %get3A_539 : i32 to index
          %get3A_542 = arith.constant 0 : index
          %get3A_543 = tpu.vector_load %arg15[%get3A_540, %get3A_541, %get3A_542] {strides = array<i32>} : memref<2x16x128xf32, #tpu.memory_space<vmem>>, vector<16xf32>,
          %swap3A_544 = arith.index_cast %squeeze3A_538 : i32 to index
          %swap3A_545 = arith.constant 0 : index
          %swap3A_546 = tpu.vector_load %arg8[%swap3A_544, %swap3A_545] {strides = array<i32>} : memref<320x128xf32, #tpu.memory_space<vmem>>, vector<16xf32>,
          tpu.vector_store %arg8[%swap3A_544, %swap3A_545], %get3A_543 {add = true, strides = array<i32>} : memref<320x128xf32, #tpu.memory_space<vmem>>, vector<16xf32>,
          %get3A_547 = arith.index_cast %squeeze3A_538 : i32 to index
          %get3A_548 = arith.constant 0 : index
          %get3A_549 = tpu.vector_load %arg9[%get3A_547, %get3A_548] {strides = array<i32>} : memref<320x128xf32, #tpu.memory_space<vmem>>, vector<16xf32>,
          %max3A_550 = arith.maximumf %get3A_549, %get3A_543 : vector<16xf32>
          %swap3A_551 = arith.index_cast %squeeze3A_538 : i32 to index
          %swap3A_552 = arith.constant 0 : index
          %swap3A_553 = tpu.vector_load %arg9[%swap3A_551, %swap3A_552] {strides = array<i32>} : memref<320x128xf32, #tpu.memory_space<vmem>>, vector<16xf32>,
          tpu.vector_store %arg9[%swap3A_551, %swap3A_552], %max3A_550 {strides = array<i32>} : memref<320x128xf32, #tpu.memory_space<vmem>>, vector<16xf32>,
          %get3A_554 = arith.index_cast %squeeze3A_538 : i32 to index
          %get3A_555 = arith.constant 0 : index
          %get3A_556 = tpu.vector_load %arg10[%get3A_554, %get3A_555] {strides = array<i32>} : memref<320x128xf32, #tpu.memory_space<vmem>>, vector<16xf32>,
          %min3A_557 = arith.minimumf %get3A_556, %get3A_543 : vector<16xf32>
          %swap3A_558 = arith.index_cast %squeeze3A_538 : i32 to index
          %swap3A_559 = arith.constant 0 : index
          %swap3A_560 = tpu.vector_load %arg10[%swap3A_558, %swap3A_559] {strides = array<i32>} : memref<320x128xf32, #tpu.memory_space<vmem>>, vector<16xf32>,
          tpu.vector_store %arg10[%swap3A_558, %swap3A_559], %min3A_557 {strides = array<i32>} : memref<320x128xf32, #tpu.memory_space<vmem>>, vector<16xf32>,
          %slice3A_561 = vector.extract_strided_slice %shift_right_arithmetic3A_205 {offsets = [15], sizes = [1], strides = [1]} : vector<16xi32> to vector<1xi32>
          %squeeze3A_562 = vector.extract %slice3A_561[0] : i32 from vector<1xi32>
          %get3A_563 = arith.constant 15 : i32
          %get3A_564 = arith.index_cast %rem3A_198 : i32 to index
          %get3A_565 = arith.index_cast %get3A_563 : i32 to index
          %get3A_566 = arith.constant 0 : index
          %get3A_567 = tpu.vector_load %arg15[%get3A_564, %get3A_565, %get3A_566] {strides = array<i32>} : memref<2x16x128xf32, #tpu.memory_space<vmem>>, vector<16xf32>,
          %swap3A_568 = arith.index_cast %squeeze3A_562 : i32 to index
          %swap3A_569 = arith.constant 0 : index
          %swap3A_570 = tpu.vector_load %arg8[%swap3A_568, %swap3A_569] {strides = array<i32>} : memref<320x128xf32, #tpu.memory_space<vmem>>, vector<16xf32>,
          tpu.vector_store %arg8[%swap3A_568, %swap3A_569], %get3A_567 {add = true, strides = array<i32>} : memref<320x128xf32, #tpu.memory_space<vmem>>, vector<16xf32>,
          %get3A_571 = arith.index_cast %squeeze3A_562 : i32 to index
          %get3A_572 = arith.constant 0 : index
          %get3A_573 = tpu.vector_load %arg9[%get3A_571, %get3A_572] {strides = array<i32>} : memref<320x128xf32, #tpu.memory_space<vmem>>, vector<16xf32>,
          %max3A_574 = arith.maximumf %get3A_573, %get3A_567 : vector<16xf32>
          %swap3A_575 = arith.index_cast %squeeze3A_562 : i32 to index
          %swap3A_576 = arith.constant 0 : index
          %swap3A_577 = tpu.vector_load %arg9[%swap3A_575, %swap3A_576] {strides = array<i32>} : memref<320x128xf32, #tpu.memory_space<vmem>>, vector<16xf32>,
          tpu.vector_store %arg9[%swap3A_575, %swap3A_576], %max3A_574 {strides = array<i32>} : memref<320x128xf32, #tpu.memory_space<vmem>>, vector<16xf32>,
          %get3A_578 = arith.index_cast %squeeze3A_562 : i32 to index
          %get3A_579 = arith.constant 0 : index
          %get3A_580 = tpu.vector_load %arg10[%get3A_578, %get3A_579] {strides = array<i32>} : memref<320x128xf32, #tpu.memory_space<vmem>>, vector<16xf32>,
          %min3A_581 = arith.minimumf %get3A_580, %get3A_567 : vector<16xf32>
          %swap3A_582 = arith.index_cast %squeeze3A_562 : i32 to index
          %swap3A_583 = arith.constant 0 : index
          %swap3A_584 = tpu.vector_load %arg10[%swap3A_582, %swap3A_583] {strides = array<i32>} : memref<320x128xf32, #tpu.memory_space<vmem>>, vector<16xf32>,
          tpu.vector_store %arg10[%swap3A_582, %swap3A_583], %min3A_581 {strides = array<i32>} : memref<320x128xf32, #tpu.memory_space<vmem>>, vector<16xf32>,
        } else {
        }
        %add3A_176 = arith.constant 1 : i32
        %add3A_177 = arith.addi %while3A_158, %add3A_176 : i32
        %select_n3A_178 = arith.select %lt3A_172, %add3A_177, %while3A_158 : i32
        scf.yield %select_n3A_169, %select_n3A_178 : i32, i32
      }
      scf.yield %scan3A_126, %while3A_156#0, %while3A_156#1 : i32, i32, i32
    }
    %scan3A_75 = arith.constant 625 : i32
    %add3A_76 = arith.constant 15 : i32
    %add3A_77 = arith.addi %scan3A_74#0, %add3A_76 : i32
    %jit3A = arith.constant 16 : i32
    %div3A = arith.divsi %add3A_77, %jit3A : i32
    %sign3A = arith.constant 0 : i32
    %sign3A_78 = arith.cmpi sgt, %add3A_77, %sign3A : i32
    %sign3A_79 = arith.extui %sign3A_78 : i1 to i32
    %sign3A_80 = arith.constant 0 : i32
    %sign3A_81 = arith.cmpi slt, %add3A_77, %sign3A_80 : i32
    %sign3A_82 = arith.extui %sign3A_81 : i1 to i32
    %sign3A_83 = arith.subi %sign3A_79, %sign3A_82 : i32
    %sign3A_84 = arith.constant 0 : i32
    %sign3A_85 = arith.cmpi sgt, %jit3A, %sign3A_84 : i32
    %sign3A_86 = arith.extui %sign3A_85 : i1 to i32
    %sign3A_87 = arith.constant 0 : i32
    %sign3A_88 = arith.cmpi slt, %jit3A, %sign3A_87 : i32
    %sign3A_89 = arith.extui %sign3A_88 : i1 to i32
    %sign3A_90 = arith.subi %sign3A_86, %sign3A_89 : i32
    %ne3A = arith.cmpi ne, %sign3A_83, %sign3A_90 : i32
    %rem3A_91 = arith.remsi %add3A_77, %jit3A : i32
    %ne3A_92 = arith.constant 0 : i32
    %ne3A_93 = arith.cmpi ne, %rem3A_91, %ne3A_92 : i32
    %and3A = arith.andi %ne3A, %ne3A_93 : i1
    %sub3A = arith.constant 1 : i32
    %sub3A_94 = arith.subi %div3A, %sub3A : i32
    %select_n3A = arith.select %and3A, %sub3A_94, %div3A : i32
    %while3A:2 = scf.while (%while3A_95 = %scan3A_74#1, %while3A_96 = %scan3A_74#2) : (i32, i32) -> (i32, i32) {
      %lt3A = arith.cmpi slt, %while3A_95, %select_n3A : i32
      %add3A_97 = arith.constant 2 : i32
      %add3A_98 = arith.addi %while3A_96, %add3A_97 : i32
      %lt3A_99 = arith.cmpi slt, %while3A_95, %add3A_98 : i32
      %and3A_100 = arith.andi %lt3A, %lt3A_99 : i1
      %add3A_101 = arith.constant 0 : i32
      %add3A_102 = arith.addi %while3A_96, %add3A_101 : i32
      %lt3A_103 = arith.cmpi slt, %add3A_102, %while3A_95 : i32
      %or3A = arith.ori %and3A_100, %lt3A_103 : i1
      scf.condition(%or3A) %while3A_95, %while3A_96 : i32, i32
    } do {
    ^bb0(%while3A_95: i32, %while3A_96: i32):
      %lt3A = arith.cmpi slt, %while3A_95, %select_n3A : i32
      %add3A_97 = arith.constant 2 : i32
      %add3A_98 = arith.addi %while3A_96, %add3A_97 : i32
      %lt3A_99 = arith.cmpi slt, %while3A_95, %add3A_98 : i32
      %and3A_100 = arith.andi %lt3A, %lt3A_99 : i1
      %convert_element_type3A = arith.extui %and3A_100 : i1 to i32
      %cond3A = arith.constant 0 : i32
      %cond3A_101 = arith.cmpi ne, %convert_element_type3A, %cond3A : i32
      scf.if %cond3A_101 {
        %rem3A_114 = arith.constant 2 : i32
        %rem3A_115 = arith.remsi %while3A_95, %rem3A_114 : i32
        %mul3A_116 = arith.constant 16 : i32
        %mul3A_117 = arith.muli %while3A_95, %mul3A_116 : i32
        %rem3A_118 = arith.constant 544 : i32
        %rem3A_119 = arith.remsi %mul3A_117, %rem3A_118 : i32
        %get3A = arith.index_cast %rem3A_119 : i32 to index
        %get3A_120 = tpu.vector_load %arg13[%get3A] {strides = array<i32>} : memref<544xi32, #tpu.memory_space<vmem>>, vector<16xi32>,
        %and3A_121 = arith.constant 16383 : i32
        %and3A_122 = vector.broadcast %and3A_121 : i32 to vector<16xi32>
        %and3A_123 = arith.andi %get3A_120, %and3A_122 : vector<16xi32>
        %mul3A_124 = arith.constant 16 : i32
        %mul3A_125 = arith.muli %rem3A_115, %mul3A_124 : i32
        %swap3A = arith.index_cast %mul3A_125 : i32 to index
        %swap3A_126 = tpu.vector_load %arg14[%swap3A] {strides = array<i32>} : memref<32xi32, #tpu.memory_space<vmem>>, vector<16xi32>,
        tpu.vector_store %arg14[%swap3A], %and3A_123 {strides = array<i32>} : memref<32xi32, #tpu.memory_space<vmem>>, vector<16xi32>,
        %mul3A_127 = arith.constant 16 : i32
        %mul3A_128 = arith.muli %rem3A_115, %mul3A_127 : i32
        %dma_start3A_129 = arith.constant 0 : i32
        %dma_start3A_130 = arith.constant 0 : i32
        %dma_start3A_131 = tpu.memref_slice %arg15[%rem3A_115, %dma_start3A_129, %dma_start3A_130] : memref<2x16x128xf32, #tpu.memory_space<vmem>> -> memref<1x16x128xf32, #tpu.memory_space<vmem>>
        %dma_start3A_132 = tpu.memref_squeeze %dma_start3A_131 : memref<1x16x128xf32, #tpu.memory_space<vmem>> -> memref<16x128xf32, #tpu.memory_space<vmem>>
        %dma_start3A_133 = tpu.memref_slice %arg14[%mul3A_128] : memref<32xi32, #tpu.memory_space<vmem>> -> memref<16xi32, #tpu.memory_space<vmem>>
        %dma_start3A_134 = arith.constant 0 : i32
        %dma_start3A_135 = arith.constant 0 : i32
        %dma_start3A_136 = tpu.memref_slice %arg4[%dma_start3A_134, %dma_start3A_135] : memref<10000x128xf32, #tpu.memory_space<hbm>> -> memref<10000x128xf32, #tpu.memory_space<hbm>>
        %dma_start3A_137 = tpu.memref_slice %arg17[%rem3A_115] : memref<2x!tpu.dma_semaphore, #tpu.memory_space<semaphore_mem>> -> memref<1x!tpu.dma_semaphore, #tpu.memory_space<semaphore_mem>>
        %dma_start3A_138 = tpu.memref_squeeze %dma_start3A_137 : memref<1x!tpu.dma_semaphore, #tpu.memory_space<semaphore_mem>> -> memref<!tpu.dma_semaphore, #tpu.memory_space<semaphore_mem>>
        tpu.enqueue_indirect_dma source(%dma_start3A_136 : memref<10000x128xf32, #tpu.memory_space<hbm>>) target(%dma_start3A_132 : memref<16x128xf32, #tpu.memory_space<vmem>>) offsets(%dma_start3A_133 : memref<16xi32, #tpu.memory_space<vmem>>) semaphore(%dma_start3A_138 : memref<!tpu.dma_semaphore, #tpu.memory_space<semaphore_mem>>)
      } else {
      }
      %add3A_102 = arith.constant 1 : i32
      %add3A_103 = arith.addi %while3A_95, %add3A_102 : i32
      %select_n3A_104 = arith.select %and3A_100, %add3A_103, %while3A_95 : i32
      %add3A_105 = arith.constant 0 : i32
      %add3A_106 = arith.addi %while3A_96, %add3A_105 : i32
      %lt3A_107 = arith.cmpi slt, %add3A_106, %select_n3A_104 : i32
      %convert_element_type3A_108 = arith.extui %lt3A_107 : i1 to i32
      %cond3A_109 = arith.constant 0 : i32
      %cond3A_110 = arith.cmpi ne, %convert_element_type3A_108, %cond3A_109 : i32
      scf.if %cond3A_110 {
        %rem3A_114 = arith.constant 2 : i32
        %rem3A_115 = arith.remsi %while3A_96, %rem3A_114 : i32
        %dma_wait3A = arith.constant 0 : i32
        %dma_wait3A_116 = arith.constant 0 : i32
        %dma_wait3A_117 = tpu.memref_slice %arg15[%rem3A_115, %dma_wait3A, %dma_wait3A_116] : memref<2x16x128xf32, #tpu.memory_space<vmem>> -> memref<1x16x128xf32, #tpu.memory_space<vmem>>
        %dma_wait3A_118 = tpu.memref_squeeze %dma_wait3A_117 : memref<1x16x128xf32, #tpu.memory_space<vmem>> -> memref<16x128xf32, #tpu.memory_space<vmem>>
        %dma_wait3A_119 = arith.constant 0 : i32
        %dma_wait3A_120 = arith.constant 0 : i32
        %dma_wait3A_121 = tpu.memref_slice %arg4[%dma_wait3A_119, %dma_wait3A_120] : memref<10000x128xf32, #tpu.memory_space<hbm>> -> memref<16x128xf32, #tpu.memory_space<hbm>>
        %dma_wait3A_122 = tpu.memref_slice %arg17[%rem3A_115] : memref<2x!tpu.dma_semaphore, #tpu.memory_space<semaphore_mem>> -> memref<1x!tpu.dma_semaphore, #tpu.memory_space<semaphore_mem>>
        %dma_wait3A_123 = tpu.memref_squeeze %dma_wait3A_122 : memref<1x!tpu.dma_semaphore, #tpu.memory_space<semaphore_mem>> -> memref<!tpu.dma_semaphore, #tpu.memory_space<semaphore_mem>>
        %dma_wait3A_124 = arith.constant 0 : i32
        %dma_wait3A_125 = arith.constant 0 : i32
        %dma_wait3A_126 = tpu.memref_slice %arg15[%rem3A_115, %dma_wait3A_124, %dma_wait3A_125] : memref<2x16x128xf32, #tpu.memory_space<vmem>> -> memref<1x16x128xf32, #tpu.memory_space<vmem>>
        %dma_wait3A_127 = tpu.memref_squeeze %dma_wait3A_126 : memref<1x16x128xf32, #tpu.memory_space<vmem>> -> memref<16x128xf32, #tpu.memory_space<vmem>>
        %dma_wait3A_128 = arith.constant 0 : i32
        %dma_wait3A_129 = arith.constant 0 : i32
        %dma_wait3A_130 = tpu.memref_slice %arg4[%dma_wait3A_128, %dma_wait3A_129] : memref<10000x128xf32, #tpu.memory_space<hbm>> -> memref<16x128xf32, #tpu.memory_space<hbm>>
        tpu.wait_dma2 semaphore(%dma_wait3A_123 : memref<!tpu.dma_semaphore, #tpu.memory_space<semaphore_mem>>) src(%dma_wait3A_130 : memref<16x128xf32, #tpu.memory_space<hbm>>) dst(%dma_wait3A_127 : memref<16x128xf32, #tpu.memory_space<vmem>>)
        %mul3A_131 = arith.constant 16 : i32
        %mul3A_132 = arith.muli %while3A_96, %mul3A_131 : i32
        %sub3A_133 = arith.subi %scan3A_74#0, %mul3A_132 : i32
        %rem3A_134 = arith.constant 2 : i32
        %rem3A_135 = arith.remsi %while3A_96, %rem3A_134 : i32
        %mul3A_136 = arith.constant 16 : i32
        %mul3A_137 = arith.muli %while3A_96, %mul3A_136 : i32
        %rem3A_138 = arith.constant 544 : i32
        %rem3A_139 = arith.remsi %mul3A_137, %rem3A_138 : i32
        %get3A = arith.index_cast %rem3A_139 : i32 to index
        %get3A_140 = tpu.vector_load %arg13[%get3A] {strides = array<i32>} : memref<544xi32, #tpu.memory_space<vmem>>, vector<16xi32>,
        %shift_right_arithmetic3A = arith.constant 14 : i32
        %shift_right_arithmetic3A_141 = vector.broadcast %shift_right_arithmetic3A : i32 to vector<16xi32>
        %shift_right_arithmetic3A_142 = arith.shrsi %get3A_140, %shift_right_arithmetic3A_141 : vector<16xi32>
        %slice3A = vector.extract_strided_slice %shift_right_arithmetic3A_142 {offsets = [0], sizes = [1], strides = [1]} : vector<16xi32> to vector<1xi32>
        %squeeze3A = vector.extract %slice3A[0] : i32 from vector<1xi32>
        %gt3A = arith.constant 0 : i32
        %gt3A_143 = arith.cmpi sgt, %sub3A_133, %gt3A : i32
        %convert_element_type3A_144 = arith.extui %gt3A_143 : i1 to i32
        %cond3A_145 = arith.constant 0 : i32
        %cond3A_146 = arith.cmpi ne, %convert_element_type3A_144, %cond3A_145 : i32
        scf.if %cond3A_146 {
          %get3A_252 = arith.constant 0 : i32
          %get3A_253 = arith.index_cast %rem3A_135 : i32 to index
          %get3A_254 = arith.index_cast %get3A_252 : i32 to index
          %get3A_255 = arith.constant 0 : index
          %get3A_256 = tpu.vector_load %arg15[%get3A_253, %get3A_254, %get3A_255] {strides = array<i32>} : memref<2x16x128xf32, #tpu.memory_space<vmem>>, vector<16xf32>,
          %swap3A = arith.index_cast %squeeze3A : i32 to index
          %swap3A_257 = arith.constant 0 : index
          %swap3A_258 = tpu.vector_load %arg8[%swap3A, %swap3A_257] {strides = array<i32>} : memref<320x128xf32, #tpu.memory_space<vmem>>, vector<16xf32>,
          tpu.vector_store %arg8[%swap3A, %swap3A_257], %get3A_256 {add = true, strides = array<i32>} : memref<320x128xf32, #tpu.memory_space<vmem>>, vector<16xf32>,
          %get3A_259 = arith.index_cast %squeeze3A : i32 to index
          %get3A_260 = arith.constant 0 : index
          %get3A_261 = tpu.vector_load %arg9[%get3A_259, %get3A_260] {strides = array<i32>} : memref<320x128xf32, #tpu.memory_space<vmem>>, vector<16xf32>,
          %max3A = arith.maximumf %get3A_261, %get3A_256 : vector<16xf32>
          %swap3A_262 = arith.index_cast %squeeze3A : i32 to index
          %swap3A_263 = arith.constant 0 : index
          %swap3A_264 = tpu.vector_load %arg9[%swap3A_262, %swap3A_263] {strides = array<i32>} : memref<320x128xf32, #tpu.memory_space<vmem>>, vector<16xf32>,
          tpu.vector_store %arg9[%swap3A_262, %swap3A_263], %max3A {strides = array<i32>} : memref<320x128xf32, #tpu.memory_space<vmem>>, vector<16xf32>,
          %get3A_265 = arith.index_cast %squeeze3A : i32 to index
          %get3A_266 = arith.constant 0 : index
          %get3A_267 = tpu.vector_load %arg10[%get3A_265, %get3A_266] {strides = array<i32>} : memref<320x128xf32, #tpu.memory_space<vmem>>, vector<16xf32>,
          %min3A = arith.minimumf %get3A_267, %get3A_256 : vector<16xf32>
          %swap3A_268 = arith.index_cast %squeeze3A : i32 to index
          %swap3A_269 = arith.constant 0 : index
          %swap3A_270 = tpu.vector_load %arg10[%swap3A_268, %swap3A_269] {strides = array<i32>} : memref<320x128xf32, #tpu.memory_space<vmem>>, vector<16xf32>,
          tpu.vector_store %arg10[%swap3A_268, %swap3A_269], %min3A {strides = array<i32>} : memref<320x128xf32, #tpu.memory_space<vmem>>, vector<16xf32>,
        } else {
        }
        %slice3A_147 = vector.extract_strided_slice %shift_right_arithmetic3A_142 {offsets = [1], sizes = [1], strides = [1]} : vector<16xi32> to vector<1xi32>
        %squeeze3A_148 = vector.extract %slice3A_147[0] : i32 from vector<1xi32>
        %gt3A_149 = arith.constant 1 : i32
        %gt3A_150 = arith.cmpi sgt, %sub3A_133, %gt3A_149 : i32
        %convert_element_type3A_151 = arith.extui %gt3A_150 : i1 to i32
        %cond3A_152 = arith.constant 0 : i32
        %cond3A_153 = arith.cmpi ne, %convert_element_type3A_151, %cond3A_152 : i32
        scf.if %cond3A_153 {
          %get3A_252 = arith.constant 1 : i32
          %get3A_253 = arith.index_cast %rem3A_135 : i32 to index
          %get3A_254 = arith.index_cast %get3A_252 : i32 to index
          %get3A_255 = arith.constant 0 : index
          %get3A_256 = tpu.vector_load %arg15[%get3A_253, %get3A_254, %get3A_255] {strides = array<i32>} : memref<2x16x128xf32, #tpu.memory_space<vmem>>, vector<16xf32>,
          %swap3A = arith.index_cast %squeeze3A_148 : i32 to index
          %swap3A_257 = arith.constant 0 : index
          %swap3A_258 = tpu.vector_load %arg8[%swap3A, %swap3A_257] {strides = array<i32>} : memref<320x128xf32, #tpu.memory_space<vmem>>, vector<16xf32>,
          tpu.vector_store %arg8[%swap3A, %swap3A_257], %get3A_256 {add = true, strides = array<i32>} : memref<320x128xf32, #tpu.memory_space<vmem>>, vector<16xf32>,
          %get3A_259 = arith.index_cast %squeeze3A_148 : i32 to index
          %get3A_260 = arith.constant 0 : index
          %get3A_261 = tpu.vector_load %arg9[%get3A_259, %get3A_260] {strides = array<i32>} : memref<320x128xf32, #tpu.memory_space<vmem>>, vector<16xf32>,
          %max3A = arith.maximumf %get3A_261, %get3A_256 : vector<16xf32>
          %swap3A_262 = arith.index_cast %squeeze3A_148 : i32 to index
          %swap3A_263 = arith.constant 0 : index
          %swap3A_264 = tpu.vector_load %arg9[%swap3A_262, %swap3A_263] {strides = array<i32>} : memref<320x128xf32, #tpu.memory_space<vmem>>, vector<16xf32>,
          tpu.vector_store %arg9[%swap3A_262, %swap3A_263], %max3A {strides = array<i32>} : memref<320x128xf32, #tpu.memory_space<vmem>>, vector<16xf32>,
          %get3A_265 = arith.index_cast %squeeze3A_148 : i32 to index
          %get3A_266 = arith.constant 0 : index
          %get3A_267 = tpu.vector_load %arg10[%get3A_265, %get3A_266] {strides = array<i32>} : memref<320x128xf32, #tpu.memory_space<vmem>>, vector<16xf32>,
          %min3A = arith.minimumf %get3A_267, %get3A_256 : vector<16xf32>
          %swap3A_268 = arith.index_cast %squeeze3A_148 : i32 to index
          %swap3A_269 = arith.constant 0 : index
          %swap3A_270 = tpu.vector_load %arg10[%swap3A_268, %swap3A_269] {strides = array<i32>} : memref<320x128xf32, #tpu.memory_space<vmem>>, vector<16xf32>,
          tpu.vector_store %arg10[%swap3A_268, %swap3A_269], %min3A {strides = array<i32>} : memref<320x128xf32, #tpu.memory_space<vmem>>, vector<16xf32>,
        } else {
        }
        %slice3A_154 = vector.extract_strided_slice %shift_right_arithmetic3A_142 {offsets = [2], sizes = [1], strides = [1]} : vector<16xi32> to vector<1xi32>
        %squeeze3A_155 = vector.extract %slice3A_154[0] : i32 from vector<1xi32>
        %gt3A_156 = arith.constant 2 : i32
        %gt3A_157 = arith.cmpi sgt, %sub3A_133, %gt3A_156 : i32
        %convert_element_type3A_158 = arith.extui %gt3A_157 : i1 to i32
        %cond3A_159 = arith.constant 0 : i32
        %cond3A_160 = arith.cmpi ne, %convert_element_type3A_158, %cond3A_159 : i32
        scf.if %cond3A_160 {
          %get3A_252 = arith.constant 2 : i32
          %get3A_253 = arith.index_cast %rem3A_135 : i32 to index
          %get3A_254 = arith.index_cast %get3A_252 : i32 to index
          %get3A_255 = arith.constant 0 : index
          %get3A_256 = tpu.vector_load %arg15[%get3A_253, %get3A_254, %get3A_255] {strides = array<i32>} : memref<2x16x128xf32, #tpu.memory_space<vmem>>, vector<16xf32>,
          %swap3A = arith.index_cast %squeeze3A_155 : i32 to index
          %swap3A_257 = arith.constant 0 : index
          %swap3A_258 = tpu.vector_load %arg8[%swap3A, %swap3A_257] {strides = array<i32>} : memref<320x128xf32, #tpu.memory_space<vmem>>, vector<16xf32>,
          tpu.vector_store %arg8[%swap3A, %swap3A_257], %get3A_256 {add = true, strides = array<i32>} : memref<320x128xf32, #tpu.memory_space<vmem>>, vector<16xf32>,
          %get3A_259 = arith.index_cast %squeeze3A_155 : i32 to index
          %get3A_260 = arith.constant 0 : index
          %get3A_261 = tpu.vector_load %arg9[%get3A_259, %get3A_260] {strides = array<i32>} : memref<320x128xf32, #tpu.memory_space<vmem>>, vector<16xf32>,
          %max3A = arith.maximumf %get3A_261, %get3A_256 : vector<16xf32>
          %swap3A_262 = arith.index_cast %squeeze3A_155 : i32 to index
          %swap3A_263 = arith.constant 0 : index
          %swap3A_264 = tpu.vector_load %arg9[%swap3A_262, %swap3A_263] {strides = array<i32>} : memref<320x128xf32, #tpu.memory_space<vmem>>, vector<16xf32>,
          tpu.vector_store %arg9[%swap3A_262, %swap3A_263], %max3A {strides = array<i32>} : memref<320x128xf32, #tpu.memory_space<vmem>>, vector<16xf32>,
          %get3A_265 = arith.index_cast %squeeze3A_155 : i32 to index
          %get3A_266 = arith.constant 0 : index
          %get3A_267 = tpu.vector_load %arg10[%get3A_265, %get3A_266] {strides = array<i32>} : memref<320x128xf32, #tpu.memory_space<vmem>>, vector<16xf32>,
          %min3A = arith.minimumf %get3A_267, %get3A_256 : vector<16xf32>
          %swap3A_268 = arith.index_cast %squeeze3A_155 : i32 to index
          %swap3A_269 = arith.constant 0 : index
          %swap3A_270 = tpu.vector_load %arg10[%swap3A_268, %swap3A_269] {strides = array<i32>} : memref<320x128xf32, #tpu.memory_space<vmem>>, vector<16xf32>,
          tpu.vector_store %arg10[%swap3A_268, %swap3A_269], %min3A {strides = array<i32>} : memref<320x128xf32, #tpu.memory_space<vmem>>, vector<16xf32>,
        } else {
        }
        %slice3A_161 = vector.extract_strided_slice %shift_right_arithmetic3A_142 {offsets = [3], sizes = [1], strides = [1]} : vector<16xi32> to vector<1xi32>
        %squeeze3A_162 = vector.extract %slice3A_161[0] : i32 from vector<1xi32>
        %gt3A_163 = arith.constant 3 : i32
        %gt3A_164 = arith.cmpi sgt, %sub3A_133, %gt3A_163 : i32
        %convert_element_type3A_165 = arith.extui %gt3A_164 : i1 to i32
        %cond3A_166 = arith.constant 0 : i32
        %cond3A_167 = arith.cmpi ne, %convert_element_type3A_165, %cond3A_166 : i32
        scf.if %cond3A_167 {
          %get3A_252 = arith.constant 3 : i32
          %get3A_253 = arith.index_cast %rem3A_135 : i32 to index
          %get3A_254 = arith.index_cast %get3A_252 : i32 to index
          %get3A_255 = arith.constant 0 : index
          %get3A_256 = tpu.vector_load %arg15[%get3A_253, %get3A_254, %get3A_255] {strides = array<i32>} : memref<2x16x128xf32, #tpu.memory_space<vmem>>, vector<16xf32>,
          %swap3A = arith.index_cast %squeeze3A_162 : i32 to index
          %swap3A_257 = arith.constant 0 : index
          %swap3A_258 = tpu.vector_load %arg8[%swap3A, %swap3A_257] {strides = array<i32>} : memref<320x128xf32, #tpu.memory_space<vmem>>, vector<16xf32>,
          tpu.vector_store %arg8[%swap3A, %swap3A_257], %get3A_256 {add = true, strides = array<i32>} : memref<320x128xf32, #tpu.memory_space<vmem>>, vector<16xf32>,
          %get3A_259 = arith.index_cast %squeeze3A_162 : i32 to index
          %get3A_260 = arith.constant 0 : index
          %get3A_261 = tpu.vector_load %arg9[%get3A_259, %get3A_260] {strides = array<i32>} : memref<320x128xf32, #tpu.memory_space<vmem>>, vector<16xf32>,
          %max3A = arith.maximumf %get3A_261, %get3A_256 : vector<16xf32>
          %swap3A_262 = arith.index_cast %squeeze3A_162 : i32 to index
          %swap3A_263 = arith.constant 0 : index
          %swap3A_264 = tpu.vector_load %arg9[%swap3A_262, %swap3A_263] {strides = array<i32>} : memref<320x128xf32, #tpu.memory_space<vmem>>, vector<16xf32>,
          tpu.vector_store %arg9[%swap3A_262, %swap3A_263], %max3A {strides = array<i32>} : memref<320x128xf32, #tpu.memory_space<vmem>>, vector<16xf32>,
          %get3A_265 = arith.index_cast %squeeze3A_162 : i32 to index
          %get3A_266 = arith.constant 0 : index
          %get3A_267 = tpu.vector_load %arg10[%get3A_265, %get3A_266] {strides = array<i32>} : memref<320x128xf32, #tpu.memory_space<vmem>>, vector<16xf32>,
          %min3A = arith.minimumf %get3A_267, %get3A_256 : vector<16xf32>
          %swap3A_268 = arith.index_cast %squeeze3A_162 : i32 to index
          %swap3A_269 = arith.constant 0 : index
          %swap3A_270 = tpu.vector_load %arg10[%swap3A_268, %swap3A_269] {strides = array<i32>} : memref<320x128xf32, #tpu.memory_space<vmem>>, vector<16xf32>,
          tpu.vector_store %arg10[%swap3A_268, %swap3A_269], %min3A {strides = array<i32>} : memref<320x128xf32, #tpu.memory_space<vmem>>, vector<16xf32>,
        } else {
        }
        %slice3A_168 = vector.extract_strided_slice %shift_right_arithmetic3A_142 {offsets = [4], sizes = [1], strides = [1]} : vector<16xi32> to vector<1xi32>
        %squeeze3A_169 = vector.extract %slice3A_168[0] : i32 from vector<1xi32>
        %gt3A_170 = arith.constant 4 : i32
        %gt3A_171 = arith.cmpi sgt, %sub3A_133, %gt3A_170 : i32
        %convert_element_type3A_172 = arith.extui %gt3A_171 : i1 to i32
        %cond3A_173 = arith.constant 0 : i32
        %cond3A_174 = arith.cmpi ne, %convert_element_type3A_172, %cond3A_173 : i32
        scf.if %cond3A_174 {
          %get3A_252 = arith.constant 4 : i32
          %get3A_253 = arith.index_cast %rem3A_135 : i32 to index
          %get3A_254 = arith.index_cast %get3A_252 : i32 to index
          %get3A_255 = arith.constant 0 : index
          %get3A_256 = tpu.vector_load %arg15[%get3A_253, %get3A_254, %get3A_255] {strides = array<i32>} : memref<2x16x128xf32, #tpu.memory_space<vmem>>, vector<16xf32>,
          %swap3A = arith.index_cast %squeeze3A_169 : i32 to index
          %swap3A_257 = arith.constant 0 : index
          %swap3A_258 = tpu.vector_load %arg8[%swap3A, %swap3A_257] {strides = array<i32>} : memref<320x128xf32, #tpu.memory_space<vmem>>, vector<16xf32>,
          tpu.vector_store %arg8[%swap3A, %swap3A_257], %get3A_256 {add = true, strides = array<i32>} : memref<320x128xf32, #tpu.memory_space<vmem>>, vector<16xf32>,
          %get3A_259 = arith.index_cast %squeeze3A_169 : i32 to index
          %get3A_260 = arith.constant 0 : index
          %get3A_261 = tpu.vector_load %arg9[%get3A_259, %get3A_260] {strides = array<i32>} : memref<320x128xf32, #tpu.memory_space<vmem>>, vector<16xf32>,
          %max3A = arith.maximumf %get3A_261, %get3A_256 : vector<16xf32>
          %swap3A_262 = arith.index_cast %squeeze3A_169 : i32 to index
          %swap3A_263 = arith.constant 0 : index
          %swap3A_264 = tpu.vector_load %arg9[%swap3A_262, %swap3A_263] {strides = array<i32>} : memref<320x128xf32, #tpu.memory_space<vmem>>, vector<16xf32>,
          tpu.vector_store %arg9[%swap3A_262, %swap3A_263], %max3A {strides = array<i32>} : memref<320x128xf32, #tpu.memory_space<vmem>>, vector<16xf32>,
          %get3A_265 = arith.index_cast %squeeze3A_169 : i32 to index
          %get3A_266 = arith.constant 0 : index
          %get3A_267 = tpu.vector_load %arg10[%get3A_265, %get3A_266] {strides = array<i32>} : memref<320x128xf32, #tpu.memory_space<vmem>>, vector<16xf32>,
          %min3A = arith.minimumf %get3A_267, %get3A_256 : vector<16xf32>
          %swap3A_268 = arith.index_cast %squeeze3A_169 : i32 to index
          %swap3A_269 = arith.constant 0 : index
          %swap3A_270 = tpu.vector_load %arg10[%swap3A_268, %swap3A_269] {strides = array<i32>} : memref<320x128xf32, #tpu.memory_space<vmem>>, vector<16xf32>,
          tpu.vector_store %arg10[%swap3A_268, %swap3A_269], %min3A {strides = array<i32>} : memref<320x128xf32, #tpu.memory_space<vmem>>, vector<16xf32>,
        } else {
        }
        %slice3A_175 = vector.extract_strided_slice %shift_right_arithmetic3A_142 {offsets = [5], sizes = [1], strides = [1]} : vector<16xi32> to vector<1xi32>
        %squeeze3A_176 = vector.extract %slice3A_175[0] : i32 from vector<1xi32>
        %gt3A_177 = arith.constant 5 : i32
        %gt3A_178 = arith.cmpi sgt, %sub3A_133, %gt3A_177 : i32
        %convert_element_type3A_179 = arith.extui %gt3A_178 : i1 to i32
        %cond3A_180 = arith.constant 0 : i32
        %cond3A_181 = arith.cmpi ne, %convert_element_type3A_179, %cond3A_180 : i32
        scf.if %cond3A_181 {
          %get3A_252 = arith.constant 5 : i32
          %get3A_253 = arith.index_cast %rem3A_135 : i32 to index
          %get3A_254 = arith.index_cast %get3A_252 : i32 to index
          %get3A_255 = arith.constant 0 : index
          %get3A_256 = tpu.vector_load %arg15[%get3A_253, %get3A_254, %get3A_255] {strides = array<i32>} : memref<2x16x128xf32, #tpu.memory_space<vmem>>, vector<16xf32>,
          %swap3A = arith.index_cast %squeeze3A_176 : i32 to index
          %swap3A_257 = arith.constant 0 : index
          %swap3A_258 = tpu.vector_load %arg8[%swap3A, %swap3A_257] {strides = array<i32>} : memref<320x128xf32, #tpu.memory_space<vmem>>, vector<16xf32>,
          tpu.vector_store %arg8[%swap3A, %swap3A_257], %get3A_256 {add = true, strides = array<i32>} : memref<320x128xf32, #tpu.memory_space<vmem>>, vector<16xf32>,
          %get3A_259 = arith.index_cast %squeeze3A_176 : i32 to index
          %get3A_260 = arith.constant 0 : index
          %get3A_261 = tpu.vector_load %arg9[%get3A_259, %get3A_260] {strides = array<i32>} : memref<320x128xf32, #tpu.memory_space<vmem>>, vector<16xf32>,
          %max3A = arith.maximumf %get3A_261, %get3A_256 : vector<16xf32>
          %swap3A_262 = arith.index_cast %squeeze3A_176 : i32 to index
          %swap3A_263 = arith.constant 0 : index
          %swap3A_264 = tpu.vector_load %arg9[%swap3A_262, %swap3A_263] {strides = array<i32>} : memref<320x128xf32, #tpu.memory_space<vmem>>, vector<16xf32>,
          tpu.vector_store %arg9[%swap3A_262, %swap3A_263], %max3A {strides = array<i32>} : memref<320x128xf32, #tpu.memory_space<vmem>>, vector<16xf32>,
          %get3A_265 = arith.index_cast %squeeze3A_176 : i32 to index
          %get3A_266 = arith.constant 0 : index
          %get3A_267 = tpu.vector_load %arg10[%get3A_265, %get3A_266] {strides = array<i32>} : memref<320x128xf32, #tpu.memory_space<vmem>>, vector<16xf32>,
          %min3A = arith.minimumf %get3A_267, %get3A_256 : vector<16xf32>
          %swap3A_268 = arith.index_cast %squeeze3A_176 : i32 to index
          %swap3A_269 = arith.constant 0 : index
          %swap3A_270 = tpu.vector_load %arg10[%swap3A_268, %swap3A_269] {strides = array<i32>} : memref<320x128xf32, #tpu.memory_space<vmem>>, vector<16xf32>,
          tpu.vector_store %arg10[%swap3A_268, %swap3A_269], %min3A {strides = array<i32>} : memref<320x128xf32, #tpu.memory_space<vmem>>, vector<16xf32>,
        } else {
        }
        %slice3A_182 = vector.extract_strided_slice %shift_right_arithmetic3A_142 {offsets = [6], sizes = [1], strides = [1]} : vector<16xi32> to vector<1xi32>
        %squeeze3A_183 = vector.extract %slice3A_182[0] : i32 from vector<1xi32>
        %gt3A_184 = arith.constant 6 : i32
        %gt3A_185 = arith.cmpi sgt, %sub3A_133, %gt3A_184 : i32
        %convert_element_type3A_186 = arith.extui %gt3A_185 : i1 to i32
        %cond3A_187 = arith.constant 0 : i32
        %cond3A_188 = arith.cmpi ne, %convert_element_type3A_186, %cond3A_187 : i32
        scf.if %cond3A_188 {
          %get3A_252 = arith.constant 6 : i32
          %get3A_253 = arith.index_cast %rem3A_135 : i32 to index
          %get3A_254 = arith.index_cast %get3A_252 : i32 to index
          %get3A_255 = arith.constant 0 : index
          %get3A_256 = tpu.vector_load %arg15[%get3A_253, %get3A_254, %get3A_255] {strides = array<i32>} : memref<2x16x128xf32, #tpu.memory_space<vmem>>, vector<16xf32>,
          %swap3A = arith.index_cast %squeeze3A_183 : i32 to index
          %swap3A_257 = arith.constant 0 : index
          %swap3A_258 = tpu.vector_load %arg8[%swap3A, %swap3A_257] {strides = array<i32>} : memref<320x128xf32, #tpu.memory_space<vmem>>, vector<16xf32>,
          tpu.vector_store %arg8[%swap3A, %swap3A_257], %get3A_256 {add = true, strides = array<i32>} : memref<320x128xf32, #tpu.memory_space<vmem>>, vector<16xf32>,
          %get3A_259 = arith.index_cast %squeeze3A_183 : i32 to index
          %get3A_260 = arith.constant 0 : index
          %get3A_261 = tpu.vector_load %arg9[%get3A_259, %get3A_260] {strides = array<i32>} : memref<320x128xf32, #tpu.memory_space<vmem>>, vector<16xf32>,
          %max3A = arith.maximumf %get3A_261, %get3A_256 : vector<16xf32>
          %swap3A_262 = arith.index_cast %squeeze3A_183 : i32 to index
          %swap3A_263 = arith.constant 0 : index
          %swap3A_264 = tpu.vector_load %arg9[%swap3A_262, %swap3A_263] {strides = array<i32>} : memref<320x128xf32, #tpu.memory_space<vmem>>, vector<16xf32>,
          tpu.vector_store %arg9[%swap3A_262, %swap3A_263], %max3A {strides = array<i32>} : memref<320x128xf32, #tpu.memory_space<vmem>>, vector<16xf32>,
          %get3A_265 = arith.index_cast %squeeze3A_183 : i32 to index
          %get3A_266 = arith.constant 0 : index
          %get3A_267 = tpu.vector_load %arg10[%get3A_265, %get3A_266] {strides = array<i32>} : memref<320x128xf32, #tpu.memory_space<vmem>>, vector<16xf32>,
          %min3A = arith.minimumf %get3A_267, %get3A_256 : vector<16xf32>
          %swap3A_268 = arith.index_cast %squeeze3A_183 : i32 to index
          %swap3A_269 = arith.constant 0 : index
          %swap3A_270 = tpu.vector_load %arg10[%swap3A_268, %swap3A_269] {strides = array<i32>} : memref<320x128xf32, #tpu.memory_space<vmem>>, vector<16xf32>,
          tpu.vector_store %arg10[%swap3A_268, %swap3A_269], %min3A {strides = array<i32>} : memref<320x128xf32, #tpu.memory_space<vmem>>, vector<16xf32>,
        } else {
        }
        %slice3A_189 = vector.extract_strided_slice %shift_right_arithmetic3A_142 {offsets = [7], sizes = [1], strides = [1]} : vector<16xi32> to vector<1xi32>
        %squeeze3A_190 = vector.extract %slice3A_189[0] : i32 from vector<1xi32>
        %gt3A_191 = arith.constant 7 : i32
        %gt3A_192 = arith.cmpi sgt, %sub3A_133, %gt3A_191 : i32
        %convert_element_type3A_193 = arith.extui %gt3A_192 : i1 to i32
        %cond3A_194 = arith.constant 0 : i32
        %cond3A_195 = arith.cmpi ne, %convert_element_type3A_193, %cond3A_194 : i32
        scf.if %cond3A_195 {
          %get3A_252 = arith.constant 7 : i32
          %get3A_253 = arith.index_cast %rem3A_135 : i32 to index
          %get3A_254 = arith.index_cast %get3A_252 : i32 to index
          %get3A_255 = arith.constant 0 : index
          %get3A_256 = tpu.vector_load %arg15[%get3A_253, %get3A_254, %get3A_255] {strides = array<i32>} : memref<2x16x128xf32, #tpu.memory_space<vmem>>, vector<16xf32>,
          %swap3A = arith.index_cast %squeeze3A_190 : i32 to index
          %swap3A_257 = arith.constant 0 : index
          %swap3A_258 = tpu.vector_load %arg8[%swap3A, %swap3A_257] {strides = array<i32>} : memref<320x128xf32, #tpu.memory_space<vmem>>, vector<16xf32>,
          tpu.vector_store %arg8[%swap3A, %swap3A_257], %get3A_256 {add = true, strides = array<i32>} : memref<320x128xf32, #tpu.memory_space<vmem>>, vector<16xf32>,
          %get3A_259 = arith.index_cast %squeeze3A_190 : i32 to index
          %get3A_260 = arith.constant 0 : index
          %get3A_261 = tpu.vector_load %arg9[%get3A_259, %get3A_260] {strides = array<i32>} : memref<320x128xf32, #tpu.memory_space<vmem>>, vector<16xf32>,
          %max3A = arith.maximumf %get3A_261, %get3A_256 : vector<16xf32>
          %swap3A_262 = arith.index_cast %squeeze3A_190 : i32 to index
          %swap3A_263 = arith.constant 0 : index
          %swap3A_264 = tpu.vector_load %arg9[%swap3A_262, %swap3A_263] {strides = array<i32>} : memref<320x128xf32, #tpu.memory_space<vmem>>, vector<16xf32>,
          tpu.vector_store %arg9[%swap3A_262, %swap3A_263], %max3A {strides = array<i32>} : memref<320x128xf32, #tpu.memory_space<vmem>>, vector<16xf32>,
          %get3A_265 = arith.index_cast %squeeze3A_190 : i32 to index
          %get3A_266 = arith.constant 0 : index
          %get3A_267 = tpu.vector_load %arg10[%get3A_265, %get3A_266] {strides = array<i32>} : memref<320x128xf32, #tpu.memory_space<vmem>>, vector<16xf32>,
          %min3A = arith.minimumf %get3A_267, %get3A_256 : vector<16xf32>
          %swap3A_268 = arith.index_cast %squeeze3A_190 : i32 to index
          %swap3A_269 = arith.constant 0 : index
          %swap3A_270 = tpu.vector_load %arg10[%swap3A_268, %swap3A_269] {strides = array<i32>} : memref<320x128xf32, #tpu.memory_space<vmem>>, vector<16xf32>,
          tpu.vector_store %arg10[%swap3A_268, %swap3A_269], %min3A {strides = array<i32>} : memref<320x128xf32, #tpu.memory_space<vmem>>, vector<16xf32>,
        } else {
        }
        %slice3A_196 = vector.extract_strided_slice %shift_right_arithmetic3A_142 {offsets = [8], sizes = [1], strides = [1]} : vector<16xi32> to vector<1xi32>
        %squeeze3A_197 = vector.extract %slice3A_196[0] : i32 from vector<1xi32>
        %gt3A_198 = arith.constant 8 : i32
        %gt3A_199 = arith.cmpi sgt, %sub3A_133, %gt3A_198 : i32
        %convert_element_type3A_200 = arith.extui %gt3A_199 : i1 to i32
        %cond3A_201 = arith.constant 0 : i32
        %cond3A_202 = arith.cmpi ne, %convert_element_type3A_200, %cond3A_201 : i32
        scf.if %cond3A_202 {
          %get3A_252 = arith.constant 8 : i32
          %get3A_253 = arith.index_cast %rem3A_135 : i32 to index
          %get3A_254 = arith.index_cast %get3A_252 : i32 to index
          %get3A_255 = arith.constant 0 : index
          %get3A_256 = tpu.vector_load %arg15[%get3A_253, %get3A_254, %get3A_255] {strides = array<i32>} : memref<2x16x128xf32, #tpu.memory_space<vmem>>, vector<16xf32>,
          %swap3A = arith.index_cast %squeeze3A_197 : i32 to index
          %swap3A_257 = arith.constant 0 : index
          %swap3A_258 = tpu.vector_load %arg8[%swap3A, %swap3A_257] {strides = array<i32>} : memref<320x128xf32, #tpu.memory_space<vmem>>, vector<16xf32>,
          tpu.vector_store %arg8[%swap3A, %swap3A_257], %get3A_256 {add = true, strides = array<i32>} : memref<320x128xf32, #tpu.memory_space<vmem>>, vector<16xf32>,
          %get3A_259 = arith.index_cast %squeeze3A_197 : i32 to index
          %get3A_260 = arith.constant 0 : index
          %get3A_261 = tpu.vector_load %arg9[%get3A_259, %get3A_260] {strides = array<i32>} : memref<320x128xf32, #tpu.memory_space<vmem>>, vector<16xf32>,
          %max3A = arith.maximumf %get3A_261, %get3A_256 : vector<16xf32>
          %swap3A_262 = arith.index_cast %squeeze3A_197 : i32 to index
          %swap3A_263 = arith.constant 0 : index
          %swap3A_264 = tpu.vector_load %arg9[%swap3A_262, %swap3A_263] {strides = array<i32>} : memref<320x128xf32, #tpu.memory_space<vmem>>, vector<16xf32>,
          tpu.vector_store %arg9[%swap3A_262, %swap3A_263], %max3A {strides = array<i32>} : memref<320x128xf32, #tpu.memory_space<vmem>>, vector<16xf32>,
          %get3A_265 = arith.index_cast %squeeze3A_197 : i32 to index
          %get3A_266 = arith.constant 0 : index
          %get3A_267 = tpu.vector_load %arg10[%get3A_265, %get3A_266] {strides = array<i32>} : memref<320x128xf32, #tpu.memory_space<vmem>>, vector<16xf32>,
          %min3A = arith.minimumf %get3A_267, %get3A_256 : vector<16xf32>
          %swap3A_268 = arith.index_cast %squeeze3A_197 : i32 to index
          %swap3A_269 = arith.constant 0 : index
          %swap3A_270 = tpu.vector_load %arg10[%swap3A_268, %swap3A_269] {strides = array<i32>} : memref<320x128xf32, #tpu.memory_space<vmem>>, vector<16xf32>,
          tpu.vector_store %arg10[%swap3A_268, %swap3A_269], %min3A {strides = array<i32>} : memref<320x128xf32, #tpu.memory_space<vmem>>, vector<16xf32>,
        } else {
        }
        %slice3A_203 = vector.extract_strided_slice %shift_right_arithmetic3A_142 {offsets = [9], sizes = [1], strides = [1]} : vector<16xi32> to vector<1xi32>
        %squeeze3A_204 = vector.extract %slice3A_203[0] : i32 from vector<1xi32>
        %gt3A_205 = arith.constant 9 : i32
        %gt3A_206 = arith.cmpi sgt, %sub3A_133, %gt3A_205 : i32
        %convert_element_type3A_207 = arith.extui %gt3A_206 : i1 to i32
        %cond3A_208 = arith.constant 0 : i32
        %cond3A_209 = arith.cmpi ne, %convert_element_type3A_207, %cond3A_208 : i32
        scf.if %cond3A_209 {
          %get3A_252 = arith.constant 9 : i32
          %get3A_253 = arith.index_cast %rem3A_135 : i32 to index
          %get3A_254 = arith.index_cast %get3A_252 : i32 to index
          %get3A_255 = arith.constant 0 : index
          %get3A_256 = tpu.vector_load %arg15[%get3A_253, %get3A_254, %get3A_255] {strides = array<i32>} : memref<2x16x128xf32, #tpu.memory_space<vmem>>, vector<16xf32>,
          %swap3A = arith.index_cast %squeeze3A_204 : i32 to index
          %swap3A_257 = arith.constant 0 : index
          %swap3A_258 = tpu.vector_load %arg8[%swap3A, %swap3A_257] {strides = array<i32>} : memref<320x128xf32, #tpu.memory_space<vmem>>, vector<16xf32>,
          tpu.vector_store %arg8[%swap3A, %swap3A_257], %get3A_256 {add = true, strides = array<i32>} : memref<320x128xf32, #tpu.memory_space<vmem>>, vector<16xf32>,
          %get3A_259 = arith.index_cast %squeeze3A_204 : i32 to index
          %get3A_260 = arith.constant 0 : index
          %get3A_261 = tpu.vector_load %arg9[%get3A_259, %get3A_260] {strides = array<i32>} : memref<320x128xf32, #tpu.memory_space<vmem>>, vector<16xf32>,
          %max3A = arith.maximumf %get3A_261, %get3A_256 : vector<16xf32>
          %swap3A_262 = arith.index_cast %squeeze3A_204 : i32 to index
          %swap3A_263 = arith.constant 0 : index
          %swap3A_264 = tpu.vector_load %arg9[%swap3A_262, %swap3A_263] {strides = array<i32>} : memref<320x128xf32, #tpu.memory_space<vmem>>, vector<16xf32>,
          tpu.vector_store %arg9[%swap3A_262, %swap3A_263], %max3A {strides = array<i32>} : memref<320x128xf32, #tpu.memory_space<vmem>>, vector<16xf32>,
          %get3A_265 = arith.index_cast %squeeze3A_204 : i32 to index
          %get3A_266 = arith.constant 0 : index
          %get3A_267 = tpu.vector_load %arg10[%get3A_265, %get3A_266] {strides = array<i32>} : memref<320x128xf32, #tpu.memory_space<vmem>>, vector<16xf32>,
          %min3A = arith.minimumf %get3A_267, %get3A_256 : vector<16xf32>
          %swap3A_268 = arith.index_cast %squeeze3A_204 : i32 to index
          %swap3A_269 = arith.constant 0 : index
          %swap3A_270 = tpu.vector_load %arg10[%swap3A_268, %swap3A_269] {strides = array<i32>} : memref<320x128xf32, #tpu.memory_space<vmem>>, vector<16xf32>,
          tpu.vector_store %arg10[%swap3A_268, %swap3A_269], %min3A {strides = array<i32>} : memref<320x128xf32, #tpu.memory_space<vmem>>, vector<16xf32>,
        } else {
        }
        %slice3A_210 = vector.extract_strided_slice %shift_right_arithmetic3A_142 {offsets = [10], sizes = [1], strides = [1]} : vector<16xi32> to vector<1xi32>
        %squeeze3A_211 = vector.extract %slice3A_210[0] : i32 from vector<1xi32>
        %gt3A_212 = arith.constant 10 : i32
        %gt3A_213 = arith.cmpi sgt, %sub3A_133, %gt3A_212 : i32
        %convert_element_type3A_214 = arith.extui %gt3A_213 : i1 to i32
        %cond3A_215 = arith.constant 0 : i32
        %cond3A_216 = arith.cmpi ne, %convert_element_type3A_214, %cond3A_215 : i32
        scf.if %cond3A_216 {
          %get3A_252 = arith.constant 10 : i32
          %get3A_253 = arith.index_cast %rem3A_135 : i32 to index
          %get3A_254 = arith.index_cast %get3A_252 : i32 to index
          %get3A_255 = arith.constant 0 : index
          %get3A_256 = tpu.vector_load %arg15[%get3A_253, %get3A_254, %get3A_255] {strides = array<i32>} : memref<2x16x128xf32, #tpu.memory_space<vmem>>, vector<16xf32>,
          %swap3A = arith.index_cast %squeeze3A_211 : i32 to index
          %swap3A_257 = arith.constant 0 : index
          %swap3A_258 = tpu.vector_load %arg8[%swap3A, %swap3A_257] {strides = array<i32>} : memref<320x128xf32, #tpu.memory_space<vmem>>, vector<16xf32>,
          tpu.vector_store %arg8[%swap3A, %swap3A_257], %get3A_256 {add = true, strides = array<i32>} : memref<320x128xf32, #tpu.memory_space<vmem>>, vector<16xf32>,
          %get3A_259 = arith.index_cast %squeeze3A_211 : i32 to index
          %get3A_260 = arith.constant 0 : index
          %get3A_261 = tpu.vector_load %arg9[%get3A_259, %get3A_260] {strides = array<i32>} : memref<320x128xf32, #tpu.memory_space<vmem>>, vector<16xf32>,
          %max3A = arith.maximumf %get3A_261, %get3A_256 : vector<16xf32>
          %swap3A_262 = arith.index_cast %squeeze3A_211 : i32 to index
          %swap3A_263 = arith.constant 0 : index
          %swap3A_264 = tpu.vector_load %arg9[%swap3A_262, %swap3A_263] {strides = array<i32>} : memref<320x128xf32, #tpu.memory_space<vmem>>, vector<16xf32>,
          tpu.vector_store %arg9[%swap3A_262, %swap3A_263], %max3A {strides = array<i32>} : memref<320x128xf32, #tpu.memory_space<vmem>>, vector<16xf32>,
          %get3A_265 = arith.index_cast %squeeze3A_211 : i32 to index
          %get3A_266 = arith.constant 0 : index
          %get3A_267 = tpu.vector_load %arg10[%get3A_265, %get3A_266] {strides = array<i32>} : memref<320x128xf32, #tpu.memory_space<vmem>>, vector<16xf32>,
          %min3A = arith.minimumf %get3A_267, %get3A_256 : vector<16xf32>
          %swap3A_268 = arith.index_cast %squeeze3A_211 : i32 to index
          %swap3A_269 = arith.constant 0 : index
          %swap3A_270 = tpu.vector_load %arg10[%swap3A_268, %swap3A_269] {strides = array<i32>} : memref<320x128xf32, #tpu.memory_space<vmem>>, vector<16xf32>,
          tpu.vector_store %arg10[%swap3A_268, %swap3A_269], %min3A {strides = array<i32>} : memref<320x128xf32, #tpu.memory_space<vmem>>, vector<16xf32>,
        } else {
        }
        %slice3A_217 = vector.extract_strided_slice %shift_right_arithmetic3A_142 {offsets = [11], sizes = [1], strides = [1]} : vector<16xi32> to vector<1xi32>
        %squeeze3A_218 = vector.extract %slice3A_217[0] : i32 from vector<1xi32>
        %gt3A_219 = arith.constant 11 : i32
        %gt3A_220 = arith.cmpi sgt, %sub3A_133, %gt3A_219 : i32
        %convert_element_type3A_221 = arith.extui %gt3A_220 : i1 to i32
        %cond3A_222 = arith.constant 0 : i32
        %cond3A_223 = arith.cmpi ne, %convert_element_type3A_221, %cond3A_222 : i32
        scf.if %cond3A_223 {
          %get3A_252 = arith.constant 11 : i32
          %get3A_253 = arith.index_cast %rem3A_135 : i32 to index
          %get3A_254 = arith.index_cast %get3A_252 : i32 to index
          %get3A_255 = arith.constant 0 : index
          %get3A_256 = tpu.vector_load %arg15[%get3A_253, %get3A_254, %get3A_255] {strides = array<i32>} : memref<2x16x128xf32, #tpu.memory_space<vmem>>, vector<16xf32>,
          %swap3A = arith.index_cast %squeeze3A_218 : i32 to index
          %swap3A_257 = arith.constant 0 : index
          %swap3A_258 = tpu.vector_load %arg8[%swap3A, %swap3A_257] {strides = array<i32>} : memref<320x128xf32, #tpu.memory_space<vmem>>, vector<16xf32>,
          tpu.vector_store %arg8[%swap3A, %swap3A_257], %get3A_256 {add = true, strides = array<i32>} : memref<320x128xf32, #tpu.memory_space<vmem>>, vector<16xf32>,
          %get3A_259 = arith.index_cast %squeeze3A_218 : i32 to index
          %get3A_260 = arith.constant 0 : index
          %get3A_261 = tpu.vector_load %arg9[%get3A_259, %get3A_260] {strides = array<i32>} : memref<320x128xf32, #tpu.memory_space<vmem>>, vector<16xf32>,
          %max3A = arith.maximumf %get3A_261, %get3A_256 : vector<16xf32>
          %swap3A_262 = arith.index_cast %squeeze3A_218 : i32 to index
          %swap3A_263 = arith.constant 0 : index
          %swap3A_264 = tpu.vector_load %arg9[%swap3A_262, %swap3A_263] {strides = array<i32>} : memref<320x128xf32, #tpu.memory_space<vmem>>, vector<16xf32>,
          tpu.vector_store %arg9[%swap3A_262, %swap3A_263], %max3A {strides = array<i32>} : memref<320x128xf32, #tpu.memory_space<vmem>>, vector<16xf32>,
          %get3A_265 = arith.index_cast %squeeze3A_218 : i32 to index
          %get3A_266 = arith.constant 0 : index
          %get3A_267 = tpu.vector_load %arg10[%get3A_265, %get3A_266] {strides = array<i32>} : memref<320x128xf32, #tpu.memory_space<vmem>>, vector<16xf32>,
          %min3A = arith.minimumf %get3A_267, %get3A_256 : vector<16xf32>
          %swap3A_268 = arith.index_cast %squeeze3A_218 : i32 to index
          %swap3A_269 = arith.constant 0 : index
          %swap3A_270 = tpu.vector_load %arg10[%swap3A_268, %swap3A_269] {strides = array<i32>} : memref<320x128xf32, #tpu.memory_space<vmem>>, vector<16xf32>,
          tpu.vector_store %arg10[%swap3A_268, %swap3A_269], %min3A {strides = array<i32>} : memref<320x128xf32, #tpu.memory_space<vmem>>, vector<16xf32>,
        } else {
        }
        %slice3A_224 = vector.extract_strided_slice %shift_right_arithmetic3A_142 {offsets = [12], sizes = [1], strides = [1]} : vector<16xi32> to vector<1xi32>
        %squeeze3A_225 = vector.extract %slice3A_224[0] : i32 from vector<1xi32>
        %gt3A_226 = arith.constant 12 : i32
        %gt3A_227 = arith.cmpi sgt, %sub3A_133, %gt3A_226 : i32
        %convert_element_type3A_228 = arith.extui %gt3A_227 : i1 to i32
        %cond3A_229 = arith.constant 0 : i32
        %cond3A_230 = arith.cmpi ne, %convert_element_type3A_228, %cond3A_229 : i32
        scf.if %cond3A_230 {
          %get3A_252 = arith.constant 12 : i32
          %get3A_253 = arith.index_cast %rem3A_135 : i32 to index
          %get3A_254 = arith.index_cast %get3A_252 : i32 to index
          %get3A_255 = arith.constant 0 : index
          %get3A_256 = tpu.vector_load %arg15[%get3A_253, %get3A_254, %get3A_255] {strides = array<i32>} : memref<2x16x128xf32, #tpu.memory_space<vmem>>, vector<16xf32>,
          %swap3A = arith.index_cast %squeeze3A_225 : i32 to index
          %swap3A_257 = arith.constant 0 : index
          %swap3A_258 = tpu.vector_load %arg8[%swap3A, %swap3A_257] {strides = array<i32>} : memref<320x128xf32, #tpu.memory_space<vmem>>, vector<16xf32>,
          tpu.vector_store %arg8[%swap3A, %swap3A_257], %get3A_256 {add = true, strides = array<i32>} : memref<320x128xf32, #tpu.memory_space<vmem>>, vector<16xf32>,
          %get3A_259 = arith.index_cast %squeeze3A_225 : i32 to index
          %get3A_260 = arith.constant 0 : index
          %get3A_261 = tpu.vector_load %arg9[%get3A_259, %get3A_260] {strides = array<i32>} : memref<320x128xf32, #tpu.memory_space<vmem>>, vector<16xf32>,
          %max3A = arith.maximumf %get3A_261, %get3A_256 : vector<16xf32>
          %swap3A_262 = arith.index_cast %squeeze3A_225 : i32 to index
          %swap3A_263 = arith.constant 0 : index
          %swap3A_264 = tpu.vector_load %arg9[%swap3A_262, %swap3A_263] {strides = array<i32>} : memref<320x128xf32, #tpu.memory_space<vmem>>, vector<16xf32>,
          tpu.vector_store %arg9[%swap3A_262, %swap3A_263], %max3A {strides = array<i32>} : memref<320x128xf32, #tpu.memory_space<vmem>>, vector<16xf32>,
          %get3A_265 = arith.index_cast %squeeze3A_225 : i32 to index
          %get3A_266 = arith.constant 0 : index
          %get3A_267 = tpu.vector_load %arg10[%get3A_265, %get3A_266] {strides = array<i32>} : memref<320x128xf32, #tpu.memory_space<vmem>>, vector<16xf32>,
          %min3A = arith.minimumf %get3A_267, %get3A_256 : vector<16xf32>
          %swap3A_268 = arith.index_cast %squeeze3A_225 : i32 to index
          %swap3A_269 = arith.constant 0 : index
          %swap3A_270 = tpu.vector_load %arg10[%swap3A_268, %swap3A_269] {strides = array<i32>} : memref<320x128xf32, #tpu.memory_space<vmem>>, vector<16xf32>,
          tpu.vector_store %arg10[%swap3A_268, %swap3A_269], %min3A {strides = array<i32>} : memref<320x128xf32, #tpu.memory_space<vmem>>, vector<16xf32>,
        } else {
        }
        %slice3A_231 = vector.extract_strided_slice %shift_right_arithmetic3A_142 {offsets = [13], sizes = [1], strides = [1]} : vector<16xi32> to vector<1xi32>
        %squeeze3A_232 = vector.extract %slice3A_231[0] : i32 from vector<1xi32>
        %gt3A_233 = arith.constant 13 : i32
        %gt3A_234 = arith.cmpi sgt, %sub3A_133, %gt3A_233 : i32
        %convert_element_type3A_235 = arith.extui %gt3A_234 : i1 to i32
        %cond3A_236 = arith.constant 0 : i32
        %cond3A_237 = arith.cmpi ne, %convert_element_type3A_235, %cond3A_236 : i32
        scf.if %cond3A_237 {
          %get3A_252 = arith.constant 13 : i32
          %get3A_253 = arith.index_cast %rem3A_135 : i32 to index
          %get3A_254 = arith.index_cast %get3A_252 : i32 to index
          %get3A_255 = arith.constant 0 : index
          %get3A_256 = tpu.vector_load %arg15[%get3A_253, %get3A_254, %get3A_255] {strides = array<i32>} : memref<2x16x128xf32, #tpu.memory_space<vmem>>, vector<16xf32>,
          %swap3A = arith.index_cast %squeeze3A_232 : i32 to index
          %swap3A_257 = arith.constant 0 : index
          %swap3A_258 = tpu.vector_load %arg8[%swap3A, %swap3A_257] {strides = array<i32>} : memref<320x128xf32, #tpu.memory_space<vmem>>, vector<16xf32>,
          tpu.vector_store %arg8[%swap3A, %swap3A_257], %get3A_256 {add = true, strides = array<i32>} : memref<320x128xf32, #tpu.memory_space<vmem>>, vector<16xf32>,
          %get3A_259 = arith.index_cast %squeeze3A_232 : i32 to index
          %get3A_260 = arith.constant 0 : index
          %get3A_261 = tpu.vector_load %arg9[%get3A_259, %get3A_260] {strides = array<i32>} : memref<320x128xf32, #tpu.memory_space<vmem>>, vector<16xf32>,
          %max3A = arith.maximumf %get3A_261, %get3A_256 : vector<16xf32>
          %swap3A_262 = arith.index_cast %squeeze3A_232 : i32 to index
          %swap3A_263 = arith.constant 0 : index
          %swap3A_264 = tpu.vector_load %arg9[%swap3A_262, %swap3A_263] {strides = array<i32>} : memref<320x128xf32, #tpu.memory_space<vmem>>, vector<16xf32>,
          tpu.vector_store %arg9[%swap3A_262, %swap3A_263], %max3A {strides = array<i32>} : memref<320x128xf32, #tpu.memory_space<vmem>>, vector<16xf32>,
          %get3A_265 = arith.index_cast %squeeze3A_232 : i32 to index
          %get3A_266 = arith.constant 0 : index
          %get3A_267 = tpu.vector_load %arg10[%get3A_265, %get3A_266] {strides = array<i32>} : memref<320x128xf32, #tpu.memory_space<vmem>>, vector<16xf32>,
          %min3A = arith.minimumf %get3A_267, %get3A_256 : vector<16xf32>
          %swap3A_268 = arith.index_cast %squeeze3A_232 : i32 to index
          %swap3A_269 = arith.constant 0 : index
          %swap3A_270 = tpu.vector_load %arg10[%swap3A_268, %swap3A_269] {strides = array<i32>} : memref<320x128xf32, #tpu.memory_space<vmem>>, vector<16xf32>,
          tpu.vector_store %arg10[%swap3A_268, %swap3A_269], %min3A {strides = array<i32>} : memref<320x128xf32, #tpu.memory_space<vmem>>, vector<16xf32>,
        } else {
        }
        %slice3A_238 = vector.extract_strided_slice %shift_right_arithmetic3A_142 {offsets = [14], sizes = [1], strides = [1]} : vector<16xi32> to vector<1xi32>
        %squeeze3A_239 = vector.extract %slice3A_238[0] : i32 from vector<1xi32>
        %gt3A_240 = arith.constant 14 : i32
        %gt3A_241 = arith.cmpi sgt, %sub3A_133, %gt3A_240 : i32
        %convert_element_type3A_242 = arith.extui %gt3A_241 : i1 to i32
        %cond3A_243 = arith.constant 0 : i32
        %cond3A_244 = arith.cmpi ne, %convert_element_type3A_242, %cond3A_243 : i32
        scf.if %cond3A_244 {
          %get3A_252 = arith.constant 14 : i32
          %get3A_253 = arith.index_cast %rem3A_135 : i32 to index
          %get3A_254 = arith.index_cast %get3A_252 : i32 to index
          %get3A_255 = arith.constant 0 : index
          %get3A_256 = tpu.vector_load %arg15[%get3A_253, %get3A_254, %get3A_255] {strides = array<i32>} : memref<2x16x128xf32, #tpu.memory_space<vmem>>, vector<16xf32>,
          %swap3A = arith.index_cast %squeeze3A_239 : i32 to index
          %swap3A_257 = arith.constant 0 : index
          %swap3A_258 = tpu.vector_load %arg8[%swap3A, %swap3A_257] {strides = array<i32>} : memref<320x128xf32, #tpu.memory_space<vmem>>, vector<16xf32>,
          tpu.vector_store %arg8[%swap3A, %swap3A_257], %get3A_256 {add = true, strides = array<i32>} : memref<320x128xf32, #tpu.memory_space<vmem>>, vector<16xf32>,
          %get3A_259 = arith.index_cast %squeeze3A_239 : i32 to index
          %get3A_260 = arith.constant 0 : index
          %get3A_261 = tpu.vector_load %arg9[%get3A_259, %get3A_260] {strides = array<i32>} : memref<320x128xf32, #tpu.memory_space<vmem>>, vector<16xf32>,
          %max3A = arith.maximumf %get3A_261, %get3A_256 : vector<16xf32>
          %swap3A_262 = arith.index_cast %squeeze3A_239 : i32 to index
          %swap3A_263 = arith.constant 0 : index
          %swap3A_264 = tpu.vector_load %arg9[%swap3A_262, %swap3A_263] {strides = array<i32>} : memref<320x128xf32, #tpu.memory_space<vmem>>, vector<16xf32>,
          tpu.vector_store %arg9[%swap3A_262, %swap3A_263], %max3A {strides = array<i32>} : memref<320x128xf32, #tpu.memory_space<vmem>>, vector<16xf32>,
          %get3A_265 = arith.index_cast %squeeze3A_239 : i32 to index
          %get3A_266 = arith.constant 0 : index
          %get3A_267 = tpu.vector_load %arg10[%get3A_265, %get3A_266] {strides = array<i32>} : memref<320x128xf32, #tpu.memory_space<vmem>>, vector<16xf32>,
          %min3A = arith.minimumf %get3A_267, %get3A_256 : vector<16xf32>
          %swap3A_268 = arith.index_cast %squeeze3A_239 : i32 to index
          %swap3A_269 = arith.constant 0 : index
          %swap3A_270 = tpu.vector_load %arg10[%swap3A_268, %swap3A_269] {strides = array<i32>} : memref<320x128xf32, #tpu.memory_space<vmem>>, vector<16xf32>,
          tpu.vector_store %arg10[%swap3A_268, %swap3A_269], %min3A {strides = array<i32>} : memref<320x128xf32, #tpu.memory_space<vmem>>, vector<16xf32>,
        } else {
        }
        %slice3A_245 = vector.extract_strided_slice %shift_right_arithmetic3A_142 {offsets = [15], sizes = [1], strides = [1]} : vector<16xi32> to vector<1xi32>
        %squeeze3A_246 = vector.extract %slice3A_245[0] : i32 from vector<1xi32>
        %gt3A_247 = arith.constant 15 : i32
        %gt3A_248 = arith.cmpi sgt, %sub3A_133, %gt3A_247 : i32
        %convert_element_type3A_249 = arith.extui %gt3A_248 : i1 to i32
        %cond3A_250 = arith.constant 0 : i32
        %cond3A_251 = arith.cmpi ne, %convert_element_type3A_249, %cond3A_250 : i32
        scf.if %cond3A_251 {
          %get3A_252 = arith.constant 15 : i32
          %get3A_253 = arith.index_cast %rem3A_135 : i32 to index
          %get3A_254 = arith.index_cast %get3A_252 : i32 to index
          %get3A_255 = arith.constant 0 : index
          %get3A_256 = tpu.vector_load %arg15[%get3A_253, %get3A_254, %get3A_255] {strides = array<i32>} : memref<2x16x128xf32, #tpu.memory_space<vmem>>, vector<16xf32>,
          %swap3A = arith.index_cast %squeeze3A_246 : i32 to index
          %swap3A_257 = arith.constant 0 : index
          %swap3A_258 = tpu.vector_load %arg8[%swap3A, %swap3A_257] {strides = array<i32>} : memref<320x128xf32, #tpu.memory_space<vmem>>, vector<16xf32>,
          tpu.vector_store %arg8[%swap3A, %swap3A_257], %get3A_256 {add = true, strides = array<i32>} : memref<320x128xf32, #tpu.memory_space<vmem>>, vector<16xf32>,
          %get3A_259 = arith.index_cast %squeeze3A_246 : i32 to index
          %get3A_260 = arith.constant 0 : index
          %get3A_261 = tpu.vector_load %arg9[%get3A_259, %get3A_260] {strides = array<i32>} : memref<320x128xf32, #tpu.memory_space<vmem>>, vector<16xf32>,
          %max3A = arith.maximumf %get3A_261, %get3A_256 : vector<16xf32>
          %swap3A_262 = arith.index_cast %squeeze3A_246 : i32 to index
          %swap3A_263 = arith.constant 0 : index
          %swap3A_264 = tpu.vector_load %arg9[%swap3A_262, %swap3A_263] {strides = array<i32>} : memref<320x128xf32, #tpu.memory_space<vmem>>, vector<16xf32>,
          tpu.vector_store %arg9[%swap3A_262, %swap3A_263], %max3A {strides = array<i32>} : memref<320x128xf32, #tpu.memory_space<vmem>>, vector<16xf32>,
          %get3A_265 = arith.index_cast %squeeze3A_246 : i32 to index
          %get3A_266 = arith.constant 0 : index
          %get3A_267 = tpu.vector_load %arg10[%get3A_265, %get3A_266] {strides = array<i32>} : memref<320x128xf32, #tpu.memory_space<vmem>>, vector<16xf32>,
          %min3A = arith.minimumf %get3A_267, %get3A_256 : vector<16xf32>
          %swap3A_268 = arith.index_cast %squeeze3A_246 : i32 to index
          %swap3A_269 = arith.constant 0 : index
          %swap3A_270 = tpu.vector_load %arg10[%swap3A_268, %swap3A_269] {strides = array<i32>} : memref<320x128xf32, #tpu.memory_space<vmem>>, vector<16xf32>,
          tpu.vector_store %arg10[%swap3A_268, %swap3A_269], %min3A {strides = array<i32>} : memref<320x128xf32, #tpu.memory_space<vmem>>, vector<16xf32>,
        } else {
        }
      } else {
      }
      %add3A_111 = arith.constant 1 : i32
      %add3A_112 = arith.addi %while3A_96, %add3A_111 : i32
      %select_n3A_113 = arith.select %lt3A_107, %add3A_112, %while3A_96 : i32
      scf.yield %select_n3A_104, %select_n3A_113 : i32, i32
    }
    "tpu.region"() ({
      %run_scoped3A = tpu.sem_alloc : memref<!tpu.dma_semaphore, #tpu.memory_space<semaphore_mem>>
      %dma_start3A_95 = arith.constant 0 : i32
      %dma_start3A_96 = tpu.memref_slice %arg5[%mul3A_2, %dma_start3A_95] : memref<10240x128xf32, #tpu.memory_space<hbm>> -> memref<320x128xf32, #tpu.memory_space<hbm>>
      %dma_start3A_97 = arith.constant 0 : i32
      %dma_start3A_98 = tpu.memref_slice %arg5[%mul3A_2, %dma_start3A_97] : memref<10240x128xf32, #tpu.memory_space<hbm>> -> memref<320x128xf32, #tpu.memory_space<hbm>>
      tpu.enqueue_dma source(%arg8 : memref<320x128xf32, #tpu.memory_space<vmem>>) target(%dma_start3A_98 : memref<320x128xf32, #tpu.memory_space<hbm>>) target_semaphore(%run_scoped3A : memref<!tpu.dma_semaphore, #tpu.memory_space<semaphore_mem>>)
      %dma_wait3A = arith.constant 0 : i32
      %dma_wait3A_99 = tpu.memref_slice %arg5[%mul3A_2, %dma_wait3A] : memref<10240x128xf32, #tpu.memory_space<hbm>> -> memref<320x128xf32, #tpu.memory_space<hbm>>
      %dma_wait3A_100 = arith.constant 0 : i32
      %dma_wait3A_101 = tpu.memref_slice %arg5[%mul3A_2, %dma_wait3A_100] : memref<10240x128xf32, #tpu.memory_space<hbm>> -> memref<320x128xf32, #tpu.memory_space<hbm>>
      tpu.wait_dma2 semaphore(%run_scoped3A : memref<!tpu.dma_semaphore, #tpu.memory_space<semaphore_mem>>) src(%arg8 : memref<320x128xf32, #tpu.memory_space<vmem>>) dst(%dma_wait3A_101 : memref<320x128xf32, #tpu.memory_space<hbm>>)
      tpu.yield
    }) : () -> ()
    "tpu.region"() ({
      %run_scoped3A = tpu.sem_alloc : memref<!tpu.dma_semaphore, #tpu.memory_space<semaphore_mem>>
      %dma_start3A_95 = arith.constant 0 : i32
      %dma_start3A_96 = tpu.memref_slice %arg6[%mul3A_2, %dma_start3A_95] : memref<10240x128xf32, #tpu.memory_space<hbm>> -> memref<320x128xf32, #tpu.memory_space<hbm>>
      %dma_start3A_97 = arith.constant 0 : i32
      %dma_start3A_98 = tpu.memref_slice %arg6[%mul3A_2, %dma_start3A_97] : memref<10240x128xf32, #tpu.memory_space<hbm>> -> memref<320x128xf32, #tpu.memory_space<hbm>>
      tpu.enqueue_dma source(%arg9 : memref<320x128xf32, #tpu.memory_space<vmem>>) target(%dma_start3A_98 : memref<320x128xf32, #tpu.memory_space<hbm>>) target_semaphore(%run_scoped3A : memref<!tpu.dma_semaphore, #tpu.memory_space<semaphore_mem>>)
      %dma_wait3A = arith.constant 0 : i32
      %dma_wait3A_99 = tpu.memref_slice %arg6[%mul3A_2, %dma_wait3A] : memref<10240x128xf32, #tpu.memory_space<hbm>> -> memref<320x128xf32, #tpu.memory_space<hbm>>
      %dma_wait3A_100 = arith.constant 0 : i32
      %dma_wait3A_101 = tpu.memref_slice %arg6[%mul3A_2, %dma_wait3A_100] : memref<10240x128xf32, #tpu.memory_space<hbm>> -> memref<320x128xf32, #tpu.memory_space<hbm>>
      tpu.wait_dma2 semaphore(%run_scoped3A : memref<!tpu.dma_semaphore, #tpu.memory_space<semaphore_mem>>) src(%arg9 : memref<320x128xf32, #tpu.memory_space<vmem>>) dst(%dma_wait3A_101 : memref<320x128xf32, #tpu.memory_space<hbm>>)
      tpu.yield
    }) : () -> ()
    "tpu.region"() ({
      %run_scoped3A = tpu.sem_alloc : memref<!tpu.dma_semaphore, #tpu.memory_space<semaphore_mem>>
      %dma_start3A_95 = arith.constant 0 : i32
      %dma_start3A_96 = tpu.memref_slice %arg7[%mul3A_2, %dma_start3A_95] : memref<10240x128xf32, #tpu.memory_space<hbm>> -> memref<320x128xf32, #tpu.memory_space<hbm>>
      %dma_start3A_97 = arith.constant 0 : i32
      %dma_start3A_98 = tpu.memref_slice %arg7[%mul3A_2, %dma_start3A_97] : memref<10240x128xf32, #tpu.memory_space<hbm>> -> memref<320x128xf32, #tpu.memory_space<hbm>>
      tpu.enqueue_dma source(%arg10 : memref<320x128xf32, #tpu.memory_space<vmem>>) target(%dma_start3A_98 : memref<320x128xf32, #tpu.memory_space<hbm>>) target_semaphore(%run_scoped3A : memref<!tpu.dma_semaphore, #tpu.memory_space<semaphore_mem>>)
      %dma_wait3A = arith.constant 0 : i32
      %dma_wait3A_99 = tpu.memref_slice %arg7[%mul3A_2, %dma_wait3A] : memref<10240x128xf32, #tpu.memory_space<hbm>> -> memref<320x128xf32, #tpu.memory_space<hbm>>
      %dma_wait3A_100 = arith.constant 0 : i32
      %dma_wait3A_101 = tpu.memref_slice %arg7[%mul3A_2, %dma_wait3A_100] : memref<10240x128xf32, #tpu.memory_space<hbm>> -> memref<320x128xf32, #tpu.memory_space<hbm>>
      tpu.wait_dma2 semaphore(%run_scoped3A : memref<!tpu.dma_semaphore, #tpu.memory_space<semaphore_mem>>) src(%arg10 : memref<320x128xf32, #tpu.memory_space<vmem>>) dst(%dma_wait3A_101 : memref<320x128xf32, #tpu.memory_space<hbm>>)
      tpu.yield
    }) : () -> ()
    return
  }
}

module attributes {stable_mosaic.version = 14 : i64} {
  func.func @_mlp_body(%arg0: i32, %arg1: memref<512x128xf32, #tpu.memory_space<vmem>>, %arg2: memref<512x128xf32, #tpu.memory_space<vmem>>, %arg3: memref<512x128xf32, #tpu.memory_space<vmem>>, %arg4: memref<128x128xf32, #tpu.memory_space<vmem>>, %arg5: memref<128x128xf32, #tpu.memory_space<vmem>>, %arg6: memref<128x128xf32, #tpu.memory_space<vmem>>, %arg7: memref<1x128xf32, #tpu.memory_space<vmem>>, %arg8: memref<512x128xf32, #tpu.memory_space<vmem>>) attributes {dimension_semantics = [#tpu.dimension_semantics<arbitrary>], iteration_bounds = array<i64: 20>, scalar_prefetch = 0 : i64, scratch_operands = 0 : i64, tpu.core_type = #tpu.core_type<tc>, window_params = [{transform_indices = @transform_0, window_bounds = array<i64: 512, 128>}, {transform_indices = @transform_1, window_bounds = array<i64: 512, 128>}, {transform_indices = @transform_2, window_bounds = array<i64: 512, 128>}, {pipeline_mode = #tpu.pipeline_mode<synchronous>, transform_indices = @transform_3, window_bounds = array<i64: 128, 128>}, {pipeline_mode = #tpu.pipeline_mode<synchronous>, transform_indices = @transform_4, window_bounds = array<i64: 128, 128>}, {pipeline_mode = #tpu.pipeline_mode<synchronous>, transform_indices = @transform_5, window_bounds = array<i64: 128, 128>}, {pipeline_mode = #tpu.pipeline_mode<synchronous>, transform_indices = @transform_6, window_bounds = array<i64: 1, 128>}, {transform_indices = @transform_7, window_bounds = array<i64: 512, 128>}]} {
    %get3A = arith.constant 0 : index
    %get3A_0 = arith.constant 0 : index
    %get3A_1 = vector.load %arg1[%get3A, %get3A_0] : memref<512x128xf32, #tpu.memory_space<vmem>>, vector<512x128xf32>
    %get3A_2 = arith.constant 0 : index
    %get3A_3 = arith.constant 0 : index
    %get3A_4 = vector.load %arg2[%get3A_2, %get3A_3] : memref<512x128xf32, #tpu.memory_space<vmem>>, vector<512x128xf32>
    %get3A_5 = arith.constant 0 : index
    %get3A_6 = arith.constant 0 : index
    %get3A_7 = vector.load %arg3[%get3A_5, %get3A_6] : memref<512x128xf32, #tpu.memory_space<vmem>>, vector<512x128xf32>
    %is_finite3A = tpu.weird %get3A_4 : vector<512x128xf32> -> vector<512x128xi1>
    %is_finite3A_8 = arith.constant dense<true> : vector<512x128xi1>
    %is_finite3A_9 = arith.xori %is_finite3A, %is_finite3A_8 : vector<512x128xi1>
    %jit3A = arith.constant 0.000000e+00 : f32
    %broadcast_in_dim3A = vector.broadcast %jit3A : f32 to vector<512x128xf32>
    %select_n3A = arith.select %is_finite3A_9, %get3A_4, %broadcast_in_dim3A : vector<512x128xi1>, vector<512x128xf32>
    %is_finite3A_10 = tpu.weird %get3A_7 : vector<512x128xf32> -> vector<512x128xi1>
    %is_finite3A_11 = arith.constant dense<true> : vector<512x128xi1>
    %is_finite3A_12 = arith.xori %is_finite3A_10, %is_finite3A_11 : vector<512x128xi1>
    %jit3A_13 = arith.constant 0.000000e+00 : f32
    %broadcast_in_dim3A_14 = vector.broadcast %jit3A_13 : f32 to vector<512x128xf32>
    %select_n3A_15 = arith.select %is_finite3A_12, %get3A_7, %broadcast_in_dim3A_14 : vector<512x128xi1>, vector<512x128xf32>
    %get3A_16 = arith.constant 0 : index
    %get3A_17 = arith.constant 0 : index
    %get3A_18 = vector.load %arg4[%get3A_16, %get3A_17] : memref<128x128xf32, #tpu.memory_space<vmem>>, vector<128x128xf32>
    %dot_general3A = arith.constant dense<0.000000e+00> : vector<512x128xf32>
    %dot_general3A_19 = tpu.matmul %get3A_1, %get3A_18, %dot_general3A {dimension_numbers = #tpu.dot_dimension_numbers<[1], [0], [0], [1], [0, 0, 1, 1], [], []>, precision = #tpu.contract_precision<fp32>, transpose_lhs_hint = false} : vector<512x128xf32>, vector<128x128xf32>, vector<512x128xf32> -> vector<512x128xf32>
    %get3A_20 = arith.constant 0 : index
    %get3A_21 = arith.constant 0 : index
    %get3A_22 = vector.load %arg5[%get3A_20, %get3A_21] : memref<128x128xf32, #tpu.memory_space<vmem>>, vector<128x128xf32>
    %dot_general3A_23 = arith.constant dense<0.000000e+00> : vector<512x128xf32>
    %dot_general3A_24 = tpu.matmul %select_n3A, %get3A_22, %dot_general3A_23 {dimension_numbers = #tpu.dot_dimension_numbers<[1], [0], [0], [1], [0, 0, 1, 1], [], []>, precision = #tpu.contract_precision<fp32>, transpose_lhs_hint = false} : vector<512x128xf32>, vector<128x128xf32>, vector<512x128xf32> -> vector<512x128xf32>
    %add3A = arith.addf %dot_general3A_19, %dot_general3A_24 : vector<512x128xf32>
    %get3A_25 = arith.constant 0 : index
    %get3A_26 = arith.constant 0 : index
    %get3A_27 = vector.load %arg6[%get3A_25, %get3A_26] : memref<128x128xf32, #tpu.memory_space<vmem>>, vector<128x128xf32>
    %dot_general3A_28 = arith.constant dense<0.000000e+00> : vector<512x128xf32>
    %dot_general3A_29 = tpu.matmul %select_n3A_15, %get3A_27, %dot_general3A_28 {dimension_numbers = #tpu.dot_dimension_numbers<[1], [0], [0], [1], [0, 0, 1, 1], [], []>, precision = #tpu.contract_precision<fp32>, transpose_lhs_hint = false} : vector<512x128xf32>, vector<128x128xf32>, vector<512x128xf32> -> vector<512x128xf32>
    %add3A_30 = arith.addf %add3A, %dot_general3A_29 : vector<512x128xf32>
    %get3A_31 = arith.constant 0 : index
    %get3A_32 = arith.constant 0 : index
    %get3A_33 = vector.load %arg7[%get3A_31, %get3A_32] : memref<1x128xf32, #tpu.memory_space<vmem>>, vector<1x128xf32>
    %add3A_34 = vector.broadcast %get3A_33 : vector<1x128xf32> to vector<512x128xf32>
    %add3A_35 = arith.addf %add3A_30, %add3A_34 : vector<512x128xf32>
    %max3A = arith.constant 0.000000e+00 : f32
    %max3A_36 = vector.broadcast %max3A : f32 to vector<512x128xf32>
    %max3A_37 = arith.maximumf %add3A_35, %max3A_36 : vector<512x128xf32>
    %swap3A = arith.constant 0 : index
    %swap3A_38 = arith.constant 0 : index
    %swap3A_39 = vector.load %arg8[%swap3A, %swap3A_38] : memref<512x128xf32, #tpu.memory_space<vmem>>, vector<512x128xf32>
    tpu.vector_store %arg8[%swap3A, %swap3A_38], %max3A_37 {strides = array<i32>} : memref<512x128xf32, #tpu.memory_space<vmem>>, vector<512x128xf32>,
    return
  }
  func.func @transform_0(%arg0: i32) -> (i32, i32) {
    %c0_i32 = arith.constant 0 : i32
    %c0_i32_0 = arith.constant 0 : i32
    return %arg0, %c0_i32 : i32, i32
  }
  func.func @transform_1(%arg0: i32) -> (i32, i32) {
    %c0_i32 = arith.constant 0 : i32
    %c0_i32_0 = arith.constant 0 : i32
    return %arg0, %c0_i32 : i32, i32
  }
  func.func @transform_2(%arg0: i32) -> (i32, i32) {
    %c0_i32 = arith.constant 0 : i32
    %c0_i32_0 = arith.constant 0 : i32
    return %arg0, %c0_i32 : i32, i32
  }
  func.func @transform_3(%arg0: i32) -> (i32, i32) {
    %c0_i32 = arith.constant 0 : i32
    %c0_i32_0 = arith.constant 0 : i32
    %c0_i32_1 = arith.constant 0 : i32
    return %c0_i32, %c0_i32_0 : i32, i32
  }
  func.func @transform_4(%arg0: i32) -> (i32, i32) {
    %c0_i32 = arith.constant 0 : i32
    %c0_i32_0 = arith.constant 0 : i32
    %c0_i32_1 = arith.constant 0 : i32
    return %c0_i32, %c0_i32_0 : i32, i32
  }
  func.func @transform_5(%arg0: i32) -> (i32, i32) {
    %c0_i32 = arith.constant 0 : i32
    %c0_i32_0 = arith.constant 0 : i32
    %c0_i32_1 = arith.constant 0 : i32
    return %c0_i32, %c0_i32_0 : i32, i32
  }
  func.func @transform_6(%arg0: i32) -> (i32, i32) {
    %c0_i32 = arith.constant 0 : i32
    %c0_i32_0 = arith.constant 0 : i32
    %c0_i32_1 = arith.constant 0 : i32
    return %c0_i32, %c0_i32_0 : i32, i32
  }
  func.func @transform_7(%arg0: i32) -> (i32, i32) {
    %c0_i32 = arith.constant 0 : i32
    %c0_i32_0 = arith.constant 0 : i32
    return %arg0, %c0_i32 : i32, i32
  }
}

</mosaic_0001>

<sc_bundles>
// kernel: kernel.4.cloned.1.call-start
scs
__scs_entry_jumppad:
0x0: {  	(pc) =	sbr.rel $0x88, $3  }
0x1: {  	(tag) =	ssettag $0x0;
	lr =	simm.s32 $0x1  }
0x2: {  	[smem:$0x3F9D] =	sst lr;
	_ =	strace $0xD0000000  }
0x3: {  	_ = 	snop  }
0x4: {  	_ = 	snop  }
0x5: {  	_ = 	snop  }
0x6: {  	_ = 	snop  }
0x7: {  	_ = 	snop  }
__scs_overlays_trampoline_lowered:
0x8: {  	[smem:$0x3FAC] =	sst s0  }
0x9: {  	[smem:$0x3FAD] =	sst s1  }
0xa: {  	[smem:$0x3FAE] =	sst s2  }
0xb: {  	[smem:$0x3FAF] =	sst s3  }
0xc: {  	[smem:$0x3FB0] =	sst s4  }
0xd: {  	[smem:$0x3FB1] =	sst s5  }
0xe: {  	[smem:$0x3FB2] =	sst s6  }
0xf: {  	[smem:$0x3FB3] =	sst s7  }
0x10: {  	[smem:$0x3FB4] =	sst s8  }
0x11: {  	[smem:$0x3FB5] =	sst s9;
	s0 =	simm.s32 @!p0 $0x0  }
0x12: {  	s1 =	sld [smem:$0x3F9B];
	s0 =	simm.s32 @p0 $0x1  }
0x13: {  	[smem:$0x3FB6] =	sst s0;
	s0 =	simm.s32 @!p1 $0x0  }
0x14: {  	s2 =	sld [smem:$0x3F9A];
	s0 =	simm.s32 @p1 $0x1  }
0x15: {  	[smem:$0x3FB7] =	sst s0;
	s0 =	simm.s32 @!p2 $0x0  }
0x16: {  	s3 =	sld [smem:$0x3FDB];
	s0 =	simm.s32 @p2 $0x1  }
0x17: {  	s4 =	simm.s32 $0x1BF5;
	[smem:$0x3FB9] =	sst s0  }
0x18: {  	s0 =	sld [smem:$0x3F9C];
	_ =	swait.ge [sflag:s4], $0x0  }
0x19: {  	s7 =	sld [smem:$0x3F9D]  }
0x1a: {  	s8 =	sadd.s32 $0xFFFFE003, lr  }
0x1b: {  	s9 =	sadd.s32 $0xFFFFFEF7, lr;
	s5 =	simm.s32 $0xFFFFFFFF;
	p2 =	slt.u32 s8, $0xFFFFF086  }
0x1c: {  	p1 =	slt.u32 s9, $0xF7A;
	s5 =	simm.s32 @!p2 $0x0  }
0x1d: {  	s5 =	simm.s32 @p1 $0x1;
	p0 =	seq.s32 s7, s2  }
0x1e: {  	s7 =	smul.u32 @!p0 $0xF7A, s2;
	p2 =	seq.s32 @!p0 s5, $0x0  }
0x1f: {  	s9 =	smul.u32 $0xF7A, s1;
	s8 =	simm.s32 @!p0 $0x1BF5;
	p2 =	por !p2, p0  }
0x20: {  	[sflag:s8] =	ssyncset.s32 @!p0 $0xFFFFF086;
	s6 =	sadd.s32 @!p0 s3, s7;
	s7 =	simm.s32 @!p0 $0x108  }
0x21: {  	s3 =	sadd.s32 s3, s9;
	s6 =	sadd.s32 @!p0 $0x88, s6;
	s7 =	simm.s32 @p2 $0x1082  }
0x22: {  	[simem:s7], [sflag:s8] =	dma.local @!p0 [hbm:s6], $0xF7A  }
0x23: {  	s9 =	sor.u32 $0xD0000000, s2;
	s6 =	simm.s32 $0x108;
	_ =	swait.ge @!p0 [sflag:s8], $0x0  }
0x24: {  	s3 =	sadd.s32 $0x88, s3;
	s6 =	simm.s32 @!p1 $0x1082;
	[sflag:s4] =	ssyncset.s32 $0xFFFFF086  }
0x25: {  	[simem:s6], [sflag:s4] =	dma.local [hbm:s3], $0xF7A  }
0x26: {  	[smem:$0x3F9D] =	sst s1;
	(tag) =	ssettag s2;
	_ =	strace s9  }
0x27: {  	s1 =	sld [smem:$0x3FAD]  }
0x28: {  	s2 =	sld [smem:$0x3FAE]  }
0x29: {  	s4 =	sld [smem:$0x3FB0]  }
0x2a: {  	p0 =	seq.s32 s5, $0x0;
	s5 =	sld [smem:$0x3FB1]  }
0x2b: {  	s6 =	sld [smem:$0x3FB2]  }
0x2c: {  	s7 =	sld [smem:$0x3FB3]  }
0x2d: {  	s3 =	simm.s32 $0x108;
	s8 =	sld [smem:$0x3FB4]  }
0x2e: {  	s3 =	simm.s32 @!p0 $0x1082;
	s9 =	sld [smem:$0x3FB5]  }
0x2f: {  	lr =	sadd.s32 s0, s3;
	s0 =	sld [smem:$0x3FAC]  }
0x30: {  	s3 =	sld [smem:$0x3FAF]  }
0x31: {  	[smem:$0x3FB8] =	sst s10  }
0x32: {  	s10 =	sld [smem:$0x3FB6];
	_ =	sdelay $0x3  }
0x33: {  	p0 =	seq.s32 s10, $0x1;
	s10 =	sld [smem:$0x3FB8];
	_ =	sdelay $0x3  }
0x34: {  	[smem:$0x3FB8] =	sst s10  }
0x35: {  	s10 =	sld [smem:$0x3FB7];
	_ =	sdelay $0x3  }
0x36: {  	p1 =	seq.s32 s10, $0x1;
	s10 =	sld [smem:$0x3FB8];
	_ =	sdelay $0x3  }
0x37: {  	[smem:$0x3FB8] =	sst s10  }
0x38: {  	s10 =	sld [smem:$0x3FB9]  }
0x39: {  	_ = 	snop;
	(pc) =	sbr.ind lr, $3  }
0x3a: {  	_ = 	snop  }
0x3b: {  	_ = 	snop  }
0x3c: {  	p2 =	seq.s32 s10, $0x1;
	s10 =	sld [smem:$0x3FB8]  }
0x3d: {  	_ =	shalt  }
0x3e: {  	_ =	shalt  }
0x3f: {  	_ =	shalt  }
0x40: {  	_ =	shalt  }
0x41: {  	_ =	shalt  }
0x42: {  	_ =	shalt  }
0x43: {  	_ =	shalt  }
0x44: {  	_ =	shalt  }
0x45: {  	_ =	shalt  }
0x46: {  	_ =	shalt  }
0x47: {  	_ =	shalt  }
0x48: {  	_ =	shalt  }
0x49: {  	_ =	shalt  }
0x4a: {  	_ =	shalt  }
0x4b: {  	_ =	shalt  }
0x4c: {  	_ =	shalt  }
0x4d: {  	_ =	shalt  }
0x4e: {  	_ =	shalt  }
0x4f: {  	_ =	shalt  }
0x50: {  	_ =	shalt  }
0x51: {  	_ =	shalt  }
0x52: {  	_ =	shalt  }
0x53: {  	_ =	shalt  }
0x54: {  	_ =	shalt  }
0x55: {  	_ =	shalt  }
0x56: {  	_ =	shalt  }
0x57: {  	_ =	shalt  }
0x58: {  	_ =	shalt  }
0x59: {  	_ =	shalt  }
0x5a: {  	_ =	shalt  }
0x5b: {  	_ =	shalt  }
0x5c: {  	_ =	shalt  }
0x5d: {  	_ =	shalt  }
0x5e: {  	_ =	shalt  }
0x5f: {  	_ =	shalt  }
0x60: {  	_ =	shalt  }
0x61: {  	_ =	shalt  }
0x62: {  	_ =	shalt  }
0x63: {  	_ =	shalt  }
0x64: {  	_ =	shalt  }
0x65: {  	_ =	shalt  }
0x66: {  	_ =	shalt  }
0x67: {  	_ =	shalt  }
0x68: {  	_ =	shalt  }
0x69: {  	_ =	shalt  }
0x6a: {  	_ =	shalt  }
0x6b: {  	_ =	shalt  }
0x6c: {  	_ =	shalt  }
0x6d: {  	_ =	shalt  }
0x6e: {  	_ =	shalt  }
0x6f: {  	_ =	shalt  }
0x70: {  	_ =	shalt  }
0x71: {  	_ =	shalt  }
0x72: {  	_ =	shalt  }
0x73: {  	_ =	shalt  }
0x74: {  	_ =	shalt  }
0x75: {  	_ =	shalt  }
0x76: {  	_ =	shalt  }
0x77: {  	_ =	shalt  }
0x78: {  	_ =	shalt  }
0x79: {  	_ =	shalt  }
0x7a: {  	_ =	shalt  }
0x7b: {  	_ =	shalt  }
0x7c: {  	_ =	shalt  }
0x7d: {  	_ =	shalt  }
0x7e: {  	_ =	shalt  }
0x7f: {  	_ =	shalt  }
0x80: {  	_ =	shalt  }
0x81: {  	_ =	shalt  }
0x82: {  	_ =	shalt  }
0x83: {  	_ =	shalt  }
0x84: {  	_ =	shalt  }
0x85: {  	_ =	shalt  }
0x86: {  	_ =	shalt  }
0x87: {  	_ =	shalt  }
.Lfunc_end0:
.L_simem_size_0:
called_computation_lowered:
.L_overlay_start_0:
0x88: {  	s2 =	sld [smem:$0x3FD9]  }
0x89: {  	s3 =	sld [smem:$0x3FFE];
	_ =	sdelay $0x1  }
0x8a: {  	s1 =	srdreg.scid  }
0x8b: {  	s0 =	sand.u32 $0x1, s1  }
0x8c: {  	s17 =	sshll.u32 s0, $0xA;
	s2 =	sadd.s32 s3, s2  }
0x8d: {  	s2 =	sadd.s32 s2, s17  }
0x8e: {  	[smem:$0x3FC4] =	sst s2  }
0x8f: {  	_ = 	snop  }
0x90: {  	s2 =	sld [smem:$0x3FC8]  }
0x91: {  	s18 =	sld [smem:$0x3FD0];
	(tm) =	ssettm $0x1  }
0x92: {  	s4 =	sld [smem:$0x3FFB];
	_ =	sdelay $0x3  }
0x93: {  	_ =	strace s4  }
0x94: {  	s4 =	sld [smem:$0x3FFC];
	_ =	sdelay $0x3  }
0x95: {  	_ =	strace s4  }
0x96: {  	s4 =	sld [smem:$0x3FFD];
	_ =	sdelay $0x3  }
0x97: {  	_ =	strace s4  }
0x98: {  	_ =	strace $0x8FFFFFFF  }
0x99: {  	s19 =	sld [smem:$0x3FDB];
	_ =	sdelay $0x1  }
0x9a: {  	s5 =	simm.s32 $_scs_section_size  }
0x9b: {  	s6 =	simm.s32 $_size__tile_overlayer_lowered;
	s7 =	simm.s32 $_tile_overlayer_lowered  }
0x9c: {  	s22 =	simm.s32 $0x1BFF;
	s21 =	sshll.u32 s7, $0x1;
	s4 =	sadd.s32 s5, s19  }
0x9d: {  	s8 =	simm.s32 $0x0;
	s20 =	sshll.u32 s6, $0x1;
	s6 =	sadd.s32 s21, s4  }
0x9e: {  	[timem:s8], [sflag:s22] =	dma.local [hbm:s6], s20  }
0x9f: {  	_ =	swait.ge [sflag:s22], s20  }
0xa0: {  	s5 =	ssub.s32 $0x0, s20;
	[sflag:s22] =	ssyncset.done $0x0  }
0xa1: {  	[sflag:s22] =	ssyncadd.s32 s5;
	_ =	sdelay $0x1  }
0xa2: {  	s23 =	simm.s32 $0x1B8B  }
0xa3: {  	_ =	swait.ge [sflag:s23], $0x1  }
0xa4: {  	[sflag:s23] =	ssyncset.done $0x0  }
0xa5: {  	s25 =	simm.s32 $0x1B8E;
	s24 =	sld [smem:$0x3FFE];
	[sflag:s23] =	ssyncadd.s32 $0xFFFFFFFF  }
0xa6: {  	s26 =	simm.s32 $execute0_lowered;
	[smem:$0x3FD2] =	sst s25  }
0xa7: {  	s6 =	sshll.u32 s26, $0x1;
	_ =	strace $0x80000046;
	[dreg:$0x1] =	wrdreg $0xFFFFFFFF  }
0xa8: {  	s28 =	simm.s32 $_size_execute0_lowered;
	s4 =	sadd.s32 s4, s6;
	[dreg:$0x0] =	wrdreg $0x0  }
0xa9: {  	s6 =	sshll.u32 s28, $0x1;
	[dreg:$0x2] =	wrdreg s4  }
0xaa: {  	[dreg:$0x3] =	wrdreg s6  }
0xab: {  	[dreg:$0x4] =	wrdreg $0xC0  }
0xac: {  	_ =	task [dreg:s8], $0x5FFFF  }
0xad: {  	[dreg:$0x1] =	wrdreg $0xFFFFFFFF  }
0xae: {  	[dreg:$0x0] =	wrdreg $0x60  }
0xaf: {  	[dreg:$0x2] =	wrdreg s24  }
0xb0: {  	[dreg:$0x3] =	wrdreg s18  }
0xb1: {  	[dreg:$0x4] =	wrdreg s2  }
0xb2: {  	[dreg:$0x5] =	wrdreg $0x9  }
0xb3: {  	_ =	task.clear_ibuf [dreg:s8], $0x6FFFF;
	_ =	strace $0x90000046  }
0xb4: {  	s29 =	simm.s32 $0x9;
	_ =	strace $0x80000048  }
0xb5: {  	_ =	swait.ge [sflag:s29], $0x1  }
0xb6: {  	[sflag:s29] =	ssyncadd.s32 $0xFFFFFFFF  }
0xb7: {  	_ =	strace $0x90000048  }
0xb8: {  	_ =	sfence  }
0xb9: {  	s30 =	sld [smem:$0x0];
	_ =	sdelay $0x2  }
0xba: {  	s31 =	sshll.u32 s1, $0xD;
	s1 =	sshrl.u32 s1, $0x2  }
0xbb: {  	s3 =	sand.u32 $0x4000, s31;
	s1 =	sadd.s32 s1, s30  }
0xbc: {  	s0 =	sor.u32 s3, s0;
	s1 =	sshll.u32 s1, $0x11  }
0xbd: {  	s0 =	sor.u32 s1, s0  }
0xbe: {  	s0 =	sadd.s32 $0x8F2B, s0  }
0xbf: {  	[sflag:s0] =	ssyncadd.remote.s32 $0x1  }
0xc0: {  	_ =	sfence.sel $0xFFFF  }
0xc1: {  	[dreg:$0x0] =	wrdreg $0xFFFFFFFF;
	(pc) =	sbr.abs _section_cstart, $3  }
0xc2: {  	[dreg:$0x1] =	wrdreg $0xFFFFFFFF  }
0xc3: {  	_ =	task.clear_ibuf [dreg:s8], $0x2FFFF;
	_ =	strace $0x9FFFFFFF  }
0xc4: {  	(tm) =	ssettm $0x7FFFFFFF  }
0xc5: {  	_ =	shalt  }
tec
execute0_lowered:
.L_overlay_start_1:
0x0: {  	(tag) =	ssettag $0x1  }
0x1: {  	s0 =	srdreg.scid;
	s6 =	rddreg [dreg:$0x0]  }
0x2: {  	s1 =	stileid.u32;
	s2 =	rddreg [dreg:$0x1]  }
0x3: {  	s3 =	simm.s32 $0x0;
	s0 =	sand.u32 $0x1, s0;
	s1 =	sshll.u32 s1, $0x1  }
0x4: {  	[smem:$0x7FF] =	sst s3;
	s28 =	sadd.s32 $0xC00, s6;
	s29 =	sadd.s32 $0xC40, s6  }
0x5: {  	s2 =	sadd.s32 $0x40, s2;
	s1 =	sor.u32 s0, s1;
	s0 =	ssub.s32 $0x2, s0  }
0x6: {  	v4 =	vimm.s32 $0xECA86420;
	_ =	strace $0x80000047;
	[dreg:$0x4] =	wrdreg s28;
	s5 =	smul.u32 $0x140, s1  }
0x7: {  	v2 =	vimm.f32 $0.0e+00;
	v3 =	vimm.f32 $-Inf;
	v5 =	vimm.s32 $0x0;
	[dreg:$0x5] =	wrdreg s29;
	s1 =	smul.u32 $0x1400, s1;
	s26 =	sshrl.u32 s0, $0x1  }
0x8: {  	vm3 =	vcmask $0xB08;
	vm1 =	vcmask $0x1310;
	vm4 =	vcmask $0x1B18;
	[dreg:$0x6] =	wrdreg s2;
	s0 =	ssub.s32 s0, s26  }
.Ltmp0:
0x9: {  	vm11 =	vcmask $0x300;
	vm5 =	vcmask $0x2320;
	vm6 =	vcmask $0x2B28;
	s1 =	sadd.s32 s1, s6;
	s0 =	smax.u32 s0, $0x1;
	(pc) =	sbr.rel .LBB2_1-.Ltmp0, $4  }
0xa: {  	vm7 =	vcmask $0x3330;
	vm8 =	vcmask $0x3B38;
	v7 =	vlaneseq.u32;
	s30 =	sadd.s32 $0xAA00, s1;
	[dreg:$0xa] =	wrdreg s0  }
0xb: {  	vm0 =	vmmov $0xff;
	vm14 =	vcmask $0x1714;
	v6 =	vunpack.c.l.s4.s8 v4;
	s31 =	sadd.s32 $0x32A00, s1;
	[dreg:$0x7] =	wrdreg s30  }
0xc: {  	vm15 =	vcmask $0x1F1C;
	v4 =	vimm.f32 $+Inf;
	v7 =	vmul.u32 $0x2, v7;
	s7 =	sadd.s32 $0x140, s5;
	s1 =	sadd.s32 $0x5AA00, s1;
	[dreg:$0x8] =	wrdreg s31  }
0xd: {  	s16 =	simm.s32 $0x1E800;
	v6 =	vunpack.c.0.s8.s32 v6;
	v0 =	vmov s5;
	v1 =	vmov s7;
	[dreg:$0x9] =	wrdreg s1;
	s1 =	simm.s32 $0x0  }
.LBB2_14:
0xe: {  	s0 =	sadd.s32 $0xF, s28  }
0xf: {  	s1 =	sand.u32 $0xF, s0  }
0x10: {  	s30 =	sshra.s32 s0, $0x1F;
	p1 =	slt.s32 s0, $0x1;
	p0 =	sne.s32 s1, $0x0  }
0x11: {  	s1 =	sshrl.u32 s30, $0x1C;
	p0 =	por !p1, !p0  }
0x12: {  	s0 =	sadd.s32 s1, s0;
	s1 =	simm.s32 $0x1;
	p0 =	por !p0, !p0  }
0x13: {  	s0 =	sshra.s32 s0, $0x4;
	s1 =	simm.s32 @!p0 $0x0  }
0x14: {  	s31 =	sadd.s32 $0x2, s7;
	s23 =	ssub.s32 s0, s1  }
0x15: {  	p6 =	slt.s32 s5, s31;
	p5 =	slt.s32 s5, s23  }
0x16: {  	p0 =	por !p5, !p6  }
0x17: {  	p1 =	slt.s32 s7, s5;
	p0 =	por !p0, !p0  }
0x18: {  	p2 =	por p1, p0  }
.Ltmp1:
0x19: {  	_ = 	snop;
	(pc) =	sbr.rel @p2 .LBB2_15-.Ltmp1, $1  }
0x1a: {  	_ =	sdelay $0x3  }
.LBB2_19:
0x1b: {  	s0 =	simm.s32 $0x0;
	s1 =	rddreg [dreg:$0x7];
	s2 =	simm.s32 $0x5  }
0x1c: {  	[hbm4b:s1+s0] =	stream.linear.scatter [tilespmem:s0], [sflag:$0x5], $0xA000, $0x38;
	[tilespmem:$0x1FB00] =	vst v63  }
0x1d: {  	_ =	swait.ge [sflag:s2], $0xA000  }
0x1e: {  	[sflag:s2] =	ssyncset.done $0x0  }
0x1f: {  	s3 =	simm.s32 $0xA000;
	s26 =	rddreg [dreg:$0x8];
	[sflag:s2] =	ssyncadd.s32 $0xFFFF6000  }
0x20: {  	[hbm4b:s26+s0] =	stream.linear.scatter [tilespmem:s3], [sflag:$0x5], $0xA000, $0x38;
	[tilespmem:$0x1FB00] =	vst v63  }
0x21: {  	_ =	swait.ge [sflag:s2], $0xA000  }
0x22: {  	[sflag:s2] =	ssyncset.done $0x0  }
0x23: {  	s29 =	simm.s32 $0x14000;
	s28 =	rddreg [dreg:$0x9];
	[sflag:s2] =	ssyncadd.s32 $0xFFFF6000  }
0x24: {  	[hbm4b:s28+s0] =	stream.linear.scatter [tilespmem:s29], [sflag:$0x5], $0xA000, $0x38;
	[tilespmem:$0x1FB00] =	vst v63  }
0x25: {  	_ =	swait.ge [sflag:s2], $0xA000  }
0x26: {  	s30 =	rddreg [dreg:$0xb]  }
0x27: {  	s31 =	rddreg [dreg:$0xa];
	s1 =	sadd.s32 $0x1, s30  }
0x28: {  	p0 =	sne.s32 s1, s31  }
.Ltmp2:
0x29: {  	_ = 	snop;
	(pc) =	sbr.rel @!p0 .LBB2_20-.Ltmp2, $3  }
0x2a: {  	_ =	sdelay $0x1  }
0x2b: {  	[sflag:s2] =	ssyncset.done $0x0  }
0x2c: {  	[sflag:s2] =	ssyncadd.s32 $0xFFFF6000  }
.LBB2_1:
0x2d: {  	[dreg:$0xb] =	wrdreg s1;
	s0 =	simm.s32 $0x0;
	s1 =	simm.s32 $0x200  }
.LBB2_2:
0x2e: {  	p0 =	sne.s32 s1, $0x27E00;
	[tilespmem:s0+$0x14070] =	vst v4  }
0x2f: {  	[tilespmem:s0+$0x0] =	vst v2  }
0x30: {  	[tilespmem:s0+$0xA000] =	vst v3  }
0x31: {  	[tilespmem:s0+$0x14000] =	vst v4  }
0x32: {  	[tilespmem:s0+$0x10] =	vst v2  }
0x33: {  	[tilespmem:s0+$0xA010] =	vst v3  }
0x34: {  	[tilespmem:s0+$0x14010] =	vst v4  }
0x35: {  	[tilespmem:s0+$0x20] =	vst v2  }
0x36: {  	[tilespmem:s0+$0xA020] =	vst v3  }
0x37: {  	[tilespmem:s0+$0x14020] =	vst v4  }
0x38: {  	[tilespmem:s0+$0x30] =	vst v2  }
0x39: {  	[tilespmem:s0+$0xA030] =	vst v3  }
0x3a: {  	[tilespmem:s0+$0x14030] =	vst v4  }
0x3b: {  	[tilespmem:s0+$0x40] =	vst v2  }
0x3c: {  	[tilespmem:s0+$0xA040] =	vst v3  }
0x3d: {  	[tilespmem:s0+$0x14040] =	vst v4  }
0x3e: {  	[tilespmem:s0+$0x50] =	vst v2  }
0x3f: {  	[tilespmem:s0+$0xA050] =	vst v3  }
0x40: {  	[tilespmem:s0+$0x14050] =	vst v4  }
.Ltmp3:
0x41: {  	[tilespmem:s0+$0x60] =	vst v2;
	(pc) =	sbr.rel @p0 .LBB2_2-.Ltmp3, $4  }
0x42: {  	[tilespmem:s0+$0xA060] =	vst v3  }
0x43: {  	[tilespmem:s0+$0x14060] =	vst v4  }
0x44: {  	[tilespmem:s0+$0x70] =	vst v2  }
0x45: {  	[tilespmem:s0+$0xA070] =	vst v3;
	s0 =	sshra.s32 s1, $0x2;
	s1 =	sadd.s32 $0x200, s1  }
0x46: {  	[tilespmem:s0+$0x14070] =	vst v4  }
0x47: {  	[tilespmem:s0+$0x0] =	vst v2  }
0x48: {  	[tilespmem:s0+$0xA000] =	vst v3  }
0x49: {  	[tilespmem:s0+$0x14000] =	vst v4  }
0x4a: {  	[tilespmem:s0+$0x10] =	vst v2  }
0x4b: {  	[tilespmem:s0+$0xA010] =	vst v3  }
0x4c: {  	[tilespmem:s0+$0x14010] =	vst v4  }
0x4d: {  	[tilespmem:s0+$0x20] =	vst v2  }
0x4e: {  	[tilespmem:s0+$0xA020] =	vst v3  }
0x4f: {  	[tilespmem:s0+$0x14020] =	vst v4  }
0x50: {  	[tilespmem:s0+$0x30] =	vst v2  }
0x51: {  	[tilespmem:s0+$0xA030] =	vst v3  }
0x52: {  	[tilespmem:s0+$0x14030] =	vst v4  }
0x53: {  	[tilespmem:s0+$0x40] =	vst v2  }
0x54: {  	[tilespmem:s0+$0xA040] =	vst v3  }
0x55: {  	[tilespmem:s0+$0x14040] =	vst v4  }
0x56: {  	[tilespmem:s0+$0x50] =	vst v2  }
0x57: {  	[tilespmem:s0+$0xA050] =	vst v3  }
0x58: {  	[tilespmem:s0+$0x14050] =	vst v4  }
0x59: {  	[tilespmem:s0+$0x60] =	vst v2  }
0x5a: {  	[tilespmem:s0+$0xA060] =	vst v3  }
0x5b: {  	[tilespmem:s0+$0x14060] =	vst v4  }
0x5c: {  	[tilespmem:s0+$0x70] =	vst v2  }
0x5d: {  	[tilespmem:s0+$0xA070] =	vst v3  }
0x5e: {  	[tilespmem:$0x1E800] =	vst v5  }
0x5f: {  	[tilespmem:$0x1E810] =	vst v5  }
0x60: {  	[tilespmem:$0x1E820] =	vst v5  }
0x61: {  	[tilespmem:$0x1E830] =	vst v5  }
0x62: {  	[tilespmem:$0x1E840] =	vst v5  }
0x63: {  	[tilespmem:$0x1E850] =	vst v5  }
0x64: {  	[tilespmem:$0x1E860] =	vst v5  }
0x65: {  	[tilespmem:$0x1E870] =	vst v5  }
0x66: {  	[tilespmem:$0x1E880] =	vst v5  }
0x67: {  	[tilespmem:$0x1E890] =	vst v5  }
0x68: {  	[tilespmem:$0x1E8A0] =	vst v5  }
0x69: {  	[tilespmem:$0x1E8B0] =	vst v5  }
0x6a: {  	[tilespmem:$0x1E8C0] =	vst v5  }
0x6b: {  	[tilespmem:$0x1E8D0] =	vst v5  }
0x6c: {  	[tilespmem:$0x1E8E0] =	vst v5  }
0x6d: {  	[tilespmem:$0x1E8F0] =	vst v5  }
0x6e: {  	[tilespmem:$0x1E900] =	vst v5  }
0x6f: {  	[tilespmem:$0x1E910] =	vst v5  }
0x70: {  	[tilespmem:$0x1E920] =	vst v5  }
0x71: {  	[tilespmem:$0x1E930] =	vst v5  }
0x72: {  	[tilespmem:$0x1E940] =	vst v5  }
0x73: {  	[tilespmem:$0x1E950] =	vst v5  }
0x74: {  	[tilespmem:$0x1E960] =	vst v5  }
0x75: {  	[tilespmem:$0x1E970] =	vst v5  }
0x76: {  	[tilespmem:$0x1E980] =	vst v5  }
0x77: {  	[tilespmem:$0x1E990] =	vst v5  }
0x78: {  	[tilespmem:$0x1E9A0] =	vst v5  }
0x79: {  	[tilespmem:$0x1E9B0] =	vst v5  }
0x7a: {  	[tilespmem:$0x1E9C0] =	vst v5  }
0x7b: {  	[tilespmem:$0x1E9D0] =	vst v5  }
0x7c: {  	[tilespmem:$0x1E9E0] =	vst v5  }
0x7d: {  	[tilespmem:$0x1E9F0] =	vst v5  }
0x7e: {  	[tilespmem:$0x1EA00] =	vst v5  }
0x7f: {  	s7 =	simm.s32 $0x0;
	s23 =	rddreg [dreg:$0x4];
	s1 =	simm.s32 $0x1E000;
	[tilespmem:$0x1EA10] =	vst v5  }
0x80: {  	[tilespmem:s1], [sflag:$0x1] =	stream.linear.gather [hbm4b:s23+s7], $0x200, $0x38;
	[tilespmem:$0x1FB00] =	vst v63  }
0x81: {  	s24 =	rddreg [dreg:$0x1];
	s25 =	simm.s32 $0x1E400  }
0x82: {  	[tilespmem:s25], [sflag:$0x1] =	stream.linear.gather [hbm4b:s24+s7], $0x200, $0x38;
	[tilespmem:$0x1FB00] =	vst v63  }
.Ltmp4:
0x83: {  	s26 =	rddreg [dreg:$0x5];
	s29 =	simm.s32 $0x1E200;
	(pc) =	sbr.rel .LBB2_4-.Ltmp4, $4  }
0x84: {  	s30 =	rddreg [dreg:$0x6];
	s31 =	simm.s32 $0x1E600;
	p0 =	por $0x0, $0x0  }
0x85: {  	[tilespmem:s29], [sflag:$0x2] =	stream.linear.gather [hbm4b:s26+s7], $0x200, $0x38;
	[tilespmem:$0x1FB00] =	vst v63  }
0x86: {  	s5 =	simm.s32 $0x0;
	s28 =	simm.s32 $0x0;
	s8 =	simm.s32 $0x0  }
0x87: {  	[tilespmem:s31], [sflag:$0x2] =	stream.linear.gather [hbm4b:s30+s7], $0x200, $0x38;
	[tilespmem:$0x1FB00] =	vst v63  }
.LBB2_7:
0x88: {  	s6 =	rddreg [dreg:$0x2]  }
.LBB2_13:
0x89: {  	s8 =	sadd.s32 $0x1, s8  }
0x8a: {  	p1 =	sne.s32 s8, $0x271  }
.Ltmp5:
0x8b: {  	_ = 	snop;
	(pc) =	sbr.rel @!p1 .LBB2_14-.Ltmp5, $2  }
0x8c: {  	_ =	sdelay $0x2  }
0x8d: {  	p0 =	por !p0, !p0  }
.LBB2_4:
0x8e: {  	[dreg:$0xd] =	wrdreg s7  }
0x8f: {  	[dreg:$0xc] =	wrdreg s5;
	s0 =	sand.u32 $0x1, s8;
	s1 =	simm.s32 $0x1  }
0x90: {  	[dreg:$0xe] =	wrdreg s8;
	s2 =	sadd.s32 $0x1, s0;
	s1 =	simm.s32 @!p0 $0x0  }
0x91: {  	_ =	swait.ge [sflag:s2], $0x200;
	s1 =	sshll.u32 s1, $0x9  }
0x92: {  	[sflag:s2] =	ssyncset.done $0x0;
	s12 =	sor.u32 $0x1E020, s1  }
0x93: {  	[sflag:s2] =	ssyncadd.s32 $0xFFFFFE00;
	v8 =	vmov s12  }
0x94: {  	s0 =	sshll.u32 s0, $0x9;
	_ =	swait.ge [sflag:s2], $0x200  }
0x95: {  	s1 =	sor.u32 $0x1E430, s1;
	[dreg:$0x10] =	wrdreg s0;
	[sflag:s2] =	ssyncset.done $0x0  }
0x96: {  	s26 =	simm.s32 $0x0;
	v9 =	vmov s1;
	[dreg:$0xf] =	wrdreg s2;
	[sflag:s2] =	ssyncadd.s32 $0xFFFFFE00  }
.LBB2_5:
0x97: {  	s29 =	sshra.s32 s26, $0x2  }
0x98: {  	v10 =	vld.idx.msk [tilespmem:v8+s29+$0xFFFFFFE0 ss:$0x1], $0xffff;
	_ =	sdelay $0x4  }
0x99: {  	vm9 =	vge.s32 v10, v0;
	vm10 =	vlt.s32 v10, v1  }
0x9a: {  	vm9 =	vmand vm9, vm10  }
0x9b: {  	v11 =	vsel vm9, $0x1, v5  }
0x9c: {  	(xrf0) =	vadd.scan.msk.s32 $0xffff, v11;
	_ =	sdelay $0x2  }
0x9d: {  	v11 =	vmov s28  }
0x9e: {  	v11 =	vadd.s32 $0xFFFFFFFF, v11  }
0x9f: {  	v11 =	vbroadcast v11, $0x0  }
0xa0: {  	v12, _, _ =	vpop (xrf0)  }
0xa1: {  	v11 =	vadd.s32 v12, v11  }
0xa2: {  	(v2sf) =	vpush v11, $0xD;
	_ =	sdelay $0x1  }
0xa3: {  	(v2sf) =	vpush v11, $0xC;
	_ =	sdelay $0x1  }
0xa4: {  	(v2sf) =	vpush v11, $0xE;
	_ =	sdelay $0x1  }
0xa5: {  	(v2sf) =	vpush v11, $0xF;
	_ =	sdelay $0x1  }
0xa6: {  	(v2sf) =	vpush v11, $0x9  }
0xa7: {  	(v2sf) =	vpush v11, $0x8;
	_ =	sdelay $0x1  }
0xa8: {  	(v2sf) =	vpush v11, $0xA;
	_ =	sdelay $0x2  }
0xa9: {  	(v2sf) =	vpush v11, $0xB  }
0xaa: {  	s0 =	spop (v2sf)  }
0xab: {  	(v2sf) =	vpush v11, $0x0;
	s1 =	smulhi.u32 $0x78787879, s0;
	s0 =	sshra.s32 s0, $0x1F  }
0xac: {  	s12 =	spop (v2sf);
	(v2sf) =	vpush v11, $0x1;
	s0 =	smul.u32 $0x78787879, s0  }
0xad: {  	s13 =	smulhi.u32 $0x78787879, s12;
	s12 =	sshra.s32 s12, $0x1F;
	(v2sf) =	vpush v11, $0x2  }
0xae: {  	s14 =	spop (v2sf);
	s12 =	smul.u32 $0x78787879, s12;
	(v2sf) =	vpush v11, $0x3  }
0xaf: {  	s15 =	smulhi.u32 $0x78787879, s14;
	s14 =	sshra.s32 s14, $0x1F;
	(v2sf) =	vpush v11, $0x4  }
0xb0: {  	s18 =	spop (v2sf);
	s14 =	smul.u32 $0x78787879, s14;
	(v2sf) =	vpush v11, $0x5  }
0xb1: {  	s6 =	smulhi.u32 $0x78787879, s18;
	s18 =	sshra.s32 s18, $0x1F;
	(v2sf) =	vpush v11, $0x6  }
0xb2: {  	s19 =	spop (v2sf);
	s30 =	sadd.s32 s0, s1;
	s18 =	smul.u32 $0x78787879, s18;
	(v2sf) =	vpush v11, $0x7  }
0xb3: {  	s7 =	smulhi.u32 $0x78787879, s19;
	s19 =	sshra.s32 s19, $0x1F;
	s1 =	spop (v2sf)  }
0xb4: {  	s0 =	sadd.s32 s12, s13;
	s8 =	smul.u32 $0x78787879, s19;
	s19 =	sshrl.u32 s30, $0x1F  }
0xb5: {  	s9 =	smulhi.u32 $0x78787879, s1;
	s2 =	sshra.s32 s1, $0x1F;
	s5 =	spop (v2sf)  }
0xb6: {  	s10 =	sshrl.u32 s0, $0x1F;
	s31 =	sadd.s32 s14, s15;
	s3 =	smul.u32 $0x78787879, s2  }
0xb7: {  	s0 =	sshra.s32 s0, $0x8;
	s11 =	smulhi.u32 $0x78787879, s5;
	s1 =	sshra.s32 s5, $0x1F  }
0xb8: {  	s12 =	spop (v2sf);
	s4 =	sshrl.u32 s31, $0x1F;
	s14 =	smul.u32 $0x78787879, s1  }
0xb9: {  	s15 =	smulhi.u32 $0x78787879, s12;
	s17 =	sshra.s32 s12, $0x1F;
	s1 =	sadd.s32 s18, s6  }
0xba: {  	s12 =	sadd.s32 s8, s7;
	s6 =	smul.u32 $0x78787879, s17;
	s18 =	spop (v2sf)  }
0xbb: {  	s20 =	smulhi.u32 $0x78787879, s18;
	s21 =	sshra.s32 s18, $0x1F;
	s23 =	spop (v2sf)  }
0xbc: {  	s17 =	sshrl.u32 s1, $0x1F;
	s22 =	smul.u32 $0x78787879, s21;
	s5 =	spop (v2sf)  }
0xbd: {  	s2 =	smulhi.u32 $0x78787879, s23;
	s8 =	sshra.s32 s23, $0x1F;
	s24 =	spop (v2sf)  }
0xbe: {  	s13 =	sadd.s32 s14, s11;
	s8 =	smul.u32 $0x78787879, s8;
	s25 =	spop (v2sf)  }
0xbf: {  	s18 =	sadd.s32 s3, s9;
	s3 =	smulhi.u32 $0x78787879, s5;
	s11 =	spop (v2sf)  }
0xc0: {  	s23 =	smulhi.u32 $0x78787879, s24;
	s9 =	sshra.s32 s24, $0x1F;
	s24 =	spop (v2sf)  }
0xc1: {  	s14 =	sadd.s32 s6, s15;
	s15 =	smul.u32 $0x78787879, s9;
	s21 =	spop (v2sf)  }
0xc2: {  	s7 =	sadd.s32 s22, s20;
	s22 =	smulhi.u32 $0x78787879, s21;
	s9 =	sshra.s32 s21, $0x1F  }
0xc3: {  	v13 =	vmov s10;
	s10 =	sshrl.u32 s14, $0x1F;
	s5 =	sshra.s32 s5, $0x1F;
	s9 =	smul.u32 $0x78787879, s9  }
0xc4: {  	s5 =	smul.u32 $0x78787879, s5;
	s2 =	sadd.s32 s8, s2;
	s8 =	sshrl.u32 s12, $0x1F  }
0xc5: {  	s20 =	smulhi.u32 $0x78787879, s25;
	s6 =	sadd.s32 s15, s23;
	s15 =	sadd.s32 s9, s22  }
0xc6: {  	vm12 =	vcmask $0x704;
	vm13 =	vcmask $0xF0C;
	vm2 =	vmmov vm1;
	s3 =	sadd.s32 s5, s3;
	s5 =	sshrl.u32 s7, $0x1F;
	s22 =	sshra.s32 s15, $0x1F  }
0xc7: {  	v13 =	vsel vm3, s19, v13;
	s23 =	sshra.s32 s7, $0x8;
	s7 =	sshra.s32 s7, $0x1F;
	v14 =	vmov s5;
	s5 =	sshra.s32 s11, $0x1F;
	v33 =	vmov s22  }
0xc8: {  	vm10 =	vcmask $0x3734;
	v13 =	vsel vm1, s4, v13;
	s21 =	sshra.s32 s25, $0x1F;
	s25 =	sshrl.u32 s18, $0x1F;
	s4 =	smul.u32 $0x78787879, s5;
	v12 =	vsel vm11, s23, v33  }
0xc9: {  	v34 =	vmov s0;
	s19 =	sshra.s32 s2, $0x8;
	v15 =	vmov s25;
	s9 =	smul.u32 $0x78787879, s21;
	s21 =	sshrl.u32 s13, $0x1F;
	v12 =	vsel vm12, s7, v12  }
0xca: {  	v14 =	vnsel vm11, $0x0, v14;
	v15 =	vsel vm3, s8, v15;
	s22 =	smulhi.u32 $0x78787879, s11;
	s23 =	sshrl.u32 s2, $0x1F;
	s2 =	sshra.s32 s2, $0x1F;
	v12 =	vsel vm3, s19, v12  }
0xcb: {  	v15 =	vsel vm1, s21, v15;
	s11 =	smulhi.u32 $0x78787879, s24;
	v14 =	vsel vm3, s23, v14;
	s23 =	sshra.s32 s24, $0x1F;
	s24 =	sshra.s32 s3, $0x8;
	v12 =	vsel vm13, s2, v12  }
0xcc: {  	v13 =	vsel vm4, s17, v13;
	s17 =	sshra.s32 s6, $0x8;
	v15 =	vsel vm4, s10, v15;
	s7 =	sshrl.u32 s3, $0x1F;
	s3 =	sshra.s32 s3, $0x1F;
	v12 =	vsel vm1, s24, v12  }
0xcd: {  	s21 =	sshra.s32 s6, $0x1F;
	v13 =	vcombine.low v15, v13;
	s19 =	sshrl.u32 s6, $0x1F;
	v14 =	vsel vm1, s7, v14;
	s7 =	sadd.s32 s9, s20;
	v12 =	vsel vm14, s3, v12  }
0xce: {  	s4 =	sadd.s32 s4, s22;
	vm12 =	vcmask $0x2F2C;
	s25 =	smul.u32 $0x78787879, s23;
	v14 =	vsel vm4, s19, v14;
	s8 =	sshrl.u32 s7, $0x1F;
	v12 =	vsel vm4, s17, v12  }
0xcf: {  	s30 =	sshra.s32 s30, $0x8;
	s19 =	sshrl.u32 s4, $0x1F;
	s23 =	sshra.s32 s7, $0x8;
	v14 =	vsel vm5, s8, v14;
	vm1 =	vmmov vm3;
	v12 =	vsel vm15, s21, v12  }
0xd0: {  	s20 =	sadd.s32 s25, s11;
	s24 =	sshra.s32 s18, $0x8;
	s25 =	sshra.s32 s7, $0x1F;
	vm3 =	vcmask $0x2724;
	v14 =	vsel vm6, s19, v14;
	v12 =	vsel vm5, s23, v12  }
0xd1: {  	s7 =	sshra.s32 s12, $0x8;
	s8 =	sshra.s32 s4, $0x8;
	s22 =	sshrl.u32 s20, $0x1F;
	v16 =	vmov s24;
	v15 =	vsel vm1, s30, v34;
	v12 =	vsel vm3, s25, v12  }
0xd2: {  	s10 =	sshra.s32 s13, $0x8;
	s9 =	sshra.s32 s31, $0x8;
	s11 =	sshra.s32 s4, $0x1F;
	v14 =	vsel vm7, s22, v14;
	v16 =	vsel vm1, s7, v16;
	v12 =	vsel vm6, s8, v12  }
0xd3: {  	s1 =	sshra.s32 s1, $0x8;
	s12 =	sshra.s32 s14, $0x8;
	s13 =	sshra.s32 s20, $0x8;
	v15 =	vsel vm2, s9, v15;
	v16 =	vsel vm2, s10, v16;
	v12 =	vsel vm12, s11, v12  }
0xd4: {  	s14 =	sshrl.u32 s15, $0x1F;
	s17 =	sshra.s32 s20, $0x1F;
	v15 =	vsel vm4, s1, v15;
	v16 =	vsel vm4, s12, v16;
	v12 =	vsel vm7, s13, v12  }
0xd5: {  	s18 =	sshra.s32 s15, $0x8;
	v14 =	vsel vm8, s14, v14;
	v15 =	vcombine.low v16, v15;
	v12 =	vsel vm10, s17, v12  }
0xd6: {  	v13 =	vperm.xlane v13, v6;
	v14 =	vperm.xlane v14, v7;
	v12 =	vsel vm8, s18, v12  }
0xd7: {  	v15 =	vperm.xlane v15, v6;
	v12 =	vperm.xlane v12, v7;
	_ =	sdelay $0x1  }
0xd8: {  	v13 =	vsel vm0, v14, v13;
	v12 =	vsel vm0, v12, v15  }
0xd9: {  	v12 =	vadd.s32 v13, v12  }
0xda: {  	v35 =	vmpcnt.ones.xlane vm9;
	v12 =	vmul.u32 $0x220, v12  }
0xdb: {  	v36 =	vld.idx.msk [tilespmem:v9+s29+$0xFFFFFFD0 ss:$0x1], $0xffff  }
0xdc: {  	(v2sf) =	vpush v35, $0x0;
	v11 =	vsub.s32 v11, v12;
	_ =	sdelay $0x1  }
0xdd: {  	v10 =	vsub.s32 v10, v0  }
0xde: {  	v10 =	vshll.u32 v10, $0xE  }
0xdf: {  	v10 =	vor.u32 v36, v10  }
0xe0: {  	[tilespmem:v11+s16+$0x0] =	vst.idx.msk vm9, v10  }
0xe1: {  	v10 =	vld.idx.msk [tilespmem:v8+s29+$0xFFFFFFF0 ss:$0x1], $0xffff;
	_ =	sdelay $0x4  }
0xe2: {  	vm9 =	vge.s32 v10, v0;
	vm10 =	vlt.s32 v10, v1  }
0xe3: {  	vm9 =	vmand vm9, vm10  }
0xe4: {  	v11 =	vsel vm9, $0x1, v5  }
0xe5: {  	(xrf0) =	vadd.scan.msk.s32 $0xffff, v11  }
0xe6: {  	s19 =	spop (v2sf)  }
0xe7: {  	s28 =	sadd.s32 s28, s19  }
0xe8: {  	v11 =	vmov s28  }
0xe9: {  	v11 =	vadd.s32 $0xFFFFFFFF, v11  }
0xea: {  	v11 =	vbroadcast v11, $0x0  }
0xeb: {  	v37, _, _ =	vpop (xrf0)  }
0xec: {  	v11 =	vadd.s32 v37, v11  }
0xed: {  	(v2sf) =	vpush v11, $0xD;
	_ =	sdelay $0x1  }
0xee: {  	(v2sf) =	vpush v11, $0xC;
	_ =	sdelay $0x1  }
0xef: {  	(v2sf) =	vpush v11, $0xE;
	_ =	sdelay $0x1  }
0xf0: {  	(v2sf) =	vpush v11, $0xF;
	_ =	sdelay $0x1  }
0xf1: {  	(v2sf) =	vpush v11, $0x9;
	_ =	sdelay $0x1  }
0xf2: {  	(v2sf) =	vpush v11, $0x8;
	_ =	sdelay $0x1  }
0xf3: {  	(v2sf) =	vpush v11, $0xA;
	_ =	sdelay $0x1  }
0xf4: {  	(v2sf) =	vpush v11, $0xB  }
0xf5: {  	s20 =	spop (v2sf)  }
0xf6: {  	(v2sf) =	vpush v11, $0x0;
	s21 =	smulhi.u32 $0x78787879, s20;
	s0 =	sshra.s32 s20, $0x1F  }
0xf7: {  	s22 =	spop (v2sf);
	s0 =	smul.u32 $0x78787879, s0  }
0xf8: {  	(v2sf) =	vpush v11, $0x1;
	s23 =	smulhi.u32 $0x78787879, s22;
	s2 =	sshra.s32 s22, $0x1F  }
0xf9: {  	(v2sf) =	vpush v11, $0x2;
	s24 =	spop (v2sf);
	s2 =	smul.u32 $0x78787879, s2  }
0xfa: {  	(v2sf) =	vpush v11, $0x3;
	s25 =	smulhi.u32 $0x78787879, s24;
	s4 =	sshra.s32 s24, $0x1F  }
0xfb: {  	(v2sf) =	vpush v11, $0x4;
	s30 =	spop (v2sf);
	s4 =	smul.u32 $0x78787879, s4  }
0xfc: {  	(v2sf) =	vpush v11, $0x5;
	s31 =	smulhi.u32 $0x78787879, s30;
	s6 =	sshra.s32 s30, $0x1F  }
0xfd: {  	(v2sf) =	vpush v11, $0x6;
	s9 =	spop (v2sf);
	s6 =	smul.u32 $0x78787879, s6  }
0xfe: {  	(v2sf) =	vpush v11, $0x7;
	s10 =	smulhi.u32 $0x78787879, s9;
	s8 =	sshra.s32 s9, $0x1F  }
0xff: {  	s17 =	spop (v2sf);
	s8 =	smul.u32 $0x78787879, s8  }
0x100: {  	s30 =	sadd.s32 s0, s21;
	s18 =	smulhi.u32 $0x78787879, s17;
	s22 =	sshra.s32 s17, $0x1F  }
0x101: {  	s0 =	sadd.s32 s2, s23;
	s12 =	spop (v2sf);
	s23 =	smul.u32 $0x78787879, s22  }
0x102: {  	s19 =	sshrl.u32 s30, $0x1F;
	s11 =	smulhi.u32 $0x78787879, s12;
	s13 =	sshra.s32 s12, $0x1F  }
0x103: {  	s30 =	sshra.s32 s30, $0x8;
	s24 =	spop (v2sf);
	s14 =	smul.u32 $0x78787879, s13  }
0x104: {  	s1 =	sadd.s32 s4, s25;
	s25 =	smulhi.u32 $0x78787879, s24;
	s5 =	sshra.s32 s24, $0x1F  }
0x105: {  	s3 =	sshrl.u32 s0, $0x1F;
	s20 =	spop (v2sf);
	s5 =	smul.u32 $0x78787879, s5  }
0x106: {  	s31 =	sadd.s32 s6, s31;
	s15 =	smulhi.u32 $0x78787879, s20;
	s6 =	sshra.s32 s20, $0x1F  }
0x107: {  	s12 =	sadd.s32 s8, s10;
	s21 =	spop (v2sf);
	s6 =	smul.u32 $0x78787879, s6  }
0x108: {  	s9 =	smulhi.u32 $0x78787879, s21;
	s8 =	sshra.s32 s21, $0x1F;
	s22 =	spop (v2sf)  }
0x109: {  	s18 =	sadd.s32 s23, s18;
	s2 =	smul.u32 $0x78787879, s8;
	s23 =	spop (v2sf)  }
0x10a: {  	s10 =	smulhi.u32 $0x78787879, s22;
	s24 =	sshra.s32 s22, $0x1F;
	s21 =	spop (v2sf)  }
0x10b: {  	s13 =	sadd.s32 s14, s11;
	s4 =	smul.u32 $0x78787879, s24;
	s11 =	spop (v2sf)  }
0x10c: {  	s20 =	smulhi.u32 $0x78787879, s23;
	s8 =	sshra.s32 s23, $0x1F;
	s22 =	spop (v2sf)  }
0x10d: {  	s14 =	sadd.s32 s5, s25;
	s25 =	smul.u32 $0x78787879, s8;
	s23 =	spop (v2sf)  }
0x10e: {  	s0 =	sshra.s32 s0, $0x8;
	s24 =	smulhi.u32 $0x78787879, s23;
	s8 =	sshra.s32 s23, $0x1F  }
0x10f: {  	s17 =	sshrl.u32 s1, $0x1F;
	s1 =	sshra.s32 s1, $0x8;
	s8 =	smul.u32 $0x78787879, s8  }
0x110: {  	v39 =	vmov s3;
	s7 =	sshrl.u32 s31, $0x1F;
	s6 =	sadd.s32 s6, s15;
	s3 =	sshrl.u32 s14, $0x1F  }
0x111: {  	s2 =	sadd.s32 s2, s9;
	s5 =	sadd.s32 s25, s20;
	s15 =	sadd.s32 s8, s24  }
0x112: {  	s20 =	smulhi.u32 $0x78787879, s21;
	s21 =	sshra.s32 s21, $0x1F;
	s25 =	sshra.s32 s15, $0x1F  }
0x113: {  	vm3 =	vcmask $0x704;
	v13 =	vsel vm1, s19, v39;
	s9 =	sshrl.u32 s12, $0x1F;
	s8 =	smul.u32 $0x78787879, s21;
	s21 =	sshra.s32 s6, $0x8;
	v38 =	vmov s25  }
0x114: {  	vm12 =	vcmask $0x2724;
	v13 =	vsel vm2, s17, v13;
	s4 =	sadd.s32 s4, s10;
	s10 =	sshrl.u32 s6, $0x1F;
	s6 =	sshra.s32 s6, $0x1F;
	v12 =	vsel vm11, s21, v38  }
0x115: {  	v13 =	vsel vm4, s7, v13;
	s19 =	sshra.s32 s2, $0x8;
	v40 =	vmov s10;
	s10 =	sshrl.u32 s4, $0x1F;
	s7 =	smulhi.u32 $0x78787879, s22;
	v12 =	vsel vm3, s6, v12  }
0x116: {  	vm10 =	vcmask $0x3734;
	v14 =	vnsel vm11, $0x0, v40;
	s23 =	sshrl.u32 s18, $0x1F;
	s21 =	sshrl.u32 s2, $0x1F;
	s2 =	sshra.s32 s2, $0x1F;
	v12 =	vsel vm1, s19, v12  }
0x117: {  	v41 =	vmov s23;
	s24 =	sshrl.u32 s13, $0x1F;
	v14 =	vsel vm1, s21, v14;
	s21 =	sshra.s32 s22, $0x1F;
	s22 =	sshra.s32 s4, $0x8;
	v12 =	vsel vm13, s2, v12  }
0x118: {  	v15 =	vsel vm1, s9, v41;
	s25 =	smulhi.u32 $0x78787879, s11;
	s4 =	sshra.s32 s4, $0x1F;
	s19 =	sshrl.u32 s5, $0x1F;
	v14 =	vsel vm2, s10, v14;
	v12 =	vsel vm2, s22, v12  }
0x119: {  	v15 =	vsel vm2, s24, v15;
	s6 =	sshra.s32 s11, $0x1F;
	s23 =	smul.u32 $0x78787879, s21;
	v14 =	vsel vm4, s19, v14;
	s19 =	sshra.s32 s5, $0x8;
	v12 =	vsel vm14, s4, v12  }
0x11a: {  	v42 =	vmov s0;
	s8 =	sadd.s32 s8, s20;
	v15 =	vsel vm4, s3, v15;
	s6 =	smul.u32 $0x78787879, s6;
	s21 =	sshra.s32 s5, $0x1F;
	v12 =	vsel vm4, s19, v12  }
0x11b: {  	s24 =	sshra.s32 s18, $0x8;
	v13 =	vcombine.low v15, v13;
	v15 =	vsel vm1, s30, v42;
	s7 =	sadd.s32 s23, s7;
	s23 =	sshra.s32 s8, $0x8;
	v12 =	vsel vm15, s21, v12  }
0x11c: {  	v43 =	vmov s24;
	v15 =	vsel vm2, s1, v15;
	s11 =	sshra.s32 s31, $0x8;
	s6 =	sadd.s32 s6, s25;
	s25 =	sshra.s32 s8, $0x1F;
	v12 =	vsel vm5, s23, v12  }
0x11d: {  	s17 =	sshrl.u32 s8, $0x1F;
	v15 =	vsel vm4, s11, v15;
	s5 =	sshra.s32 s12, $0x8;
	vm13 =	vcmask $0x2F2C;
	s8 =	sshra.s32 s6, $0x8;
	v12 =	vsel vm12, s25, v12  }
0x11e: {  	s9 =	sshra.s32 s13, $0x8;
	v14 =	vsel vm5, s17, v14;
	v16 =	vsel vm1, s5, v43;
	s20 =	sshrl.u32 s6, $0x1F;
	s10 =	sshra.s32 s6, $0x1F;
	v12 =	vsel vm6, s8, v12  }
0x11f: {  	s12 =	sshra.s32 s14, $0x8;
	s22 =	sshrl.u32 s7, $0x1F;
	v16 =	vsel vm2, s9, v16;
	s13 =	sshra.s32 s7, $0x8;
	v14 =	vsel vm6, s20, v14;
	v12 =	vsel vm13, s10, v12  }
0x120: {  	s14 =	sshrl.u32 s15, $0x1F;
	s17 =	sshra.s32 s7, $0x1F;
	v16 =	vsel vm4, s12, v16;
	v14 =	vsel vm7, s22, v14;
	v12 =	vsel vm7, s13, v12  }
0x121: {  	s18 =	sshra.s32 s15, $0x8;
	v15 =	vcombine.low v16, v15;
	v14 =	vsel vm8, s14, v14;
	v12 =	vsel vm10, s17, v12  }
0x122: {  	v13 =	vperm.xlane v13, v6;
	v14 =	vperm.xlane v14, v7;
	v12 =	vsel vm8, s18, v12  }
0x123: {  	v15 =	vperm.xlane v15, v6;
	v12 =	vperm.xlane v12, v7;
	_ =	sdelay $0x1  }
0x124: {  	v13 =	vsel vm0, v14, v13;
	v12 =	vsel vm0, v12, v15  }
0x125: {  	v12 =	vadd.s32 v13, v12  }
0x126: {  	v44 =	vmpcnt.ones.xlane vm9;
	v12 =	vmul.u32 $0x220, v12  }
0x127: {  	v45 =	vld.idx.msk [tilespmem:v9+s29+$0xFFFFFFE0 ss:$0x1], $0xffff  }
0x128: {  	(v2sf) =	vpush v44, $0x0;
	v11 =	vsub.s32 v11, v12;
	_ =	sdelay $0x1  }
0x129: {  	v10 =	vsub.s32 v10, v0  }
0x12a: {  	v10 =	vshll.u32 v10, $0xE  }
0x12b: {  	v10 =	vor.u32 v45, v10  }
0x12c: {  	[tilespmem:v11+s16+$0x0] =	vst.idx.msk vm9, v10  }
0x12d: {  	v10 =	vld.idx.msk [tilespmem:v8+s29+$0x0 ss:$0x1], $0xffff;
	_ =	sdelay $0x4  }
0x12e: {  	vm9 =	vge.s32 v10, v0;
	vm10 =	vlt.s32 v10, v1  }
0x12f: {  	vm9 =	vmand vm9, vm10  }
0x130: {  	v11 =	vsel vm9, $0x1, v5  }
0x131: {  	(xrf0) =	vadd.scan.msk.s32 $0xffff, v11  }
0x132: {  	s19 =	spop (v2sf)  }
0x133: {  	s28 =	sadd.s32 s28, s19  }
0x134: {  	v11 =	vmov s28  }
0x135: {  	v11 =	vadd.s32 $0xFFFFFFFF, v11  }
0x136: {  	v11 =	vbroadcast v11, $0x0  }
0x137: {  	v46, _, _ =	vpop (xrf0)  }
0x138: {  	v11 =	vadd.s32 v46, v11  }
0x139: {  	(v2sf) =	vpush v11, $0xD;
	_ =	sdelay $0x1  }
0x13a: {  	(v2sf) =	vpush v11, $0xC;
	_ =	sdelay $0x1  }
0x13b: {  	(v2sf) =	vpush v11, $0xE;
	_ =	sdelay $0x1  }
0x13c: {  	(v2sf) =	vpush v11, $0xF;
	_ =	sdelay $0x1  }
0x13d: {  	(v2sf) =	vpush v11, $0x9;
	_ =	sdelay $0x1  }
0x13e: {  	(v2sf) =	vpush v11, $0x8;
	_ =	sdelay $0x1  }
0x13f: {  	(v2sf) =	vpush v11, $0xA;
	_ =	sdelay $0x1  }
0x140: {  	(v2sf) =	vpush v11, $0xB  }
0x141: {  	s20 =	spop (v2sf)  }
0x142: {  	(v2sf) =	vpush v11, $0x0;
	s21 =	smulhi.u32 $0x78787879, s20;
	s0 =	sshra.s32 s20, $0x1F  }
0x143: {  	s22 =	spop (v2sf);
	s0 =	smul.u32 $0x78787879, s0  }
0x144: {  	(v2sf) =	vpush v11, $0x1;
	s23 =	smulhi.u32 $0x78787879, s22;
	s2 =	sshra.s32 s22, $0x1F  }
0x145: {  	(v2sf) =	vpush v11, $0x2;
	s24 =	spop (v2sf);
	s2 =	smul.u32 $0x78787879, s2  }
0x146: {  	(v2sf) =	vpush v11, $0x3;
	s25 =	smulhi.u32 $0x78787879, s24;
	s4 =	sshra.s32 s24, $0x1F  }
0x147: {  	s30 =	spop (v2sf);
	(v2sf) =	vpush v11, $0x4;
	s4 =	smul.u32 $0x78787879, s4  }
0x148: {  	s31 =	smulhi.u32 $0x78787879, s30;
	s6 =	sshra.s32 s30, $0x1F;
	(v2sf) =	vpush v11, $0x5  }
0x149: {  	s9 =	spop (v2sf);
	s6 =	smul.u32 $0x78787879, s6;
	(v2sf) =	vpush v11, $0x6  }
0x14a: {  	s10 =	smulhi.u32 $0x78787879, s9;
	s8 =	sshra.s32 s9, $0x1F;
	(v2sf) =	vpush v11, $0x7  }
0x14b: {  	s17 =	spop (v2sf);
	s8 =	smul.u32 $0x78787879, s8  }
0x14c: {  	s30 =	sadd.s32 s0, s21;
	s18 =	smulhi.u32 $0x78787879, s17;
	s22 =	sshra.s32 s17, $0x1F  }
0x14d: {  	s0 =	sadd.s32 s2, s23;
	s12 =	spop (v2sf);
	s23 =	smul.u32 $0x78787879, s22  }
0x14e: {  	s19 =	sshrl.u32 s30, $0x1F;
	s11 =	smulhi.u32 $0x78787879, s12;
	s13 =	sshra.s32 s12, $0x1F  }
0x14f: {  	s3 =	sshrl.u32 s0, $0x1F;
	s24 =	spop (v2sf);
	s14 =	smul.u32 $0x78787879, s13  }
0x150: {  	s1 =	sadd.s32 s4, s25;
	s25 =	smulhi.u32 $0x78787879, s24;
	s5 =	sshra.s32 s24, $0x1F  }
0x151: {  	s0 =	sshra.s32 s0, $0x8;
	s20 =	spop (v2sf);
	s5 =	smul.u32 $0x78787879, s5  }
0x152: {  	s31 =	sadd.s32 s6, s31;
	s15 =	smulhi.u32 $0x78787879, s20;
	s6 =	sshra.s32 s20, $0x1F  }
0x153: {  	s12 =	sadd.s32 s8, s10;
	s21 =	spop (v2sf);
	s6 =	smul.u32 $0x78787879, s6  }
0x154: {  	s9 =	smulhi.u32 $0x78787879, s21;
	s8 =	sshra.s32 s21, $0x1F;
	s22 =	spop (v2sf)  }
0x155: {  	s18 =	sadd.s32 s23, s18;
	s2 =	smul.u32 $0x78787879, s8;
	s23 =	spop (v2sf)  }
0x156: {  	s10 =	smulhi.u32 $0x78787879, s22;
	s24 =	sshra.s32 s22, $0x1F;
	s21 =	spop (v2sf)  }
0x157: {  	s13 =	sadd.s32 s14, s11;
	s4 =	smul.u32 $0x78787879, s24;
	s11 =	spop (v2sf)  }
0x158: {  	s20 =	smulhi.u32 $0x78787879, s23;
	s8 =	sshra.s32 s23, $0x1F;
	s22 =	spop (v2sf)  }
0x159: {  	s14 =	sadd.s32 s5, s25;
	s25 =	smul.u32 $0x78787879, s8;
	s23 =	spop (v2sf)  }
0x15a: {  	s17 =	sshrl.u32 s1, $0x1F;
	v48 =	vmov s3;
	s24 =	smulhi.u32 $0x78787879, s23;
	s8 =	sshra.s32 s23, $0x1F  }
0x15b: {  	s1 =	sshra.s32 s1, $0x8;
	s7 =	sshrl.u32 s31, $0x1F;
	v13 =	vsel vm1, s19, v48;
	s8 =	smul.u32 $0x78787879, s8  }
0x15c: {  	v13 =	vsel vm2, s17, v13;
	s17 =	sshra.s32 s30, $0x8;
	s6 =	sadd.s32 s6, s15;
	s3 =	sshrl.u32 s14, $0x1F  }
0x15d: {  	s2 =	sadd.s32 s2, s9;
	s5 =	sadd.s32 s25, s20;
	s15 =	sadd.s32 s8, s24  }
0x15e: {  	s20 =	smulhi.u32 $0x78787879, s21;
	s21 =	sshra.s32 s21, $0x1F;
	s25 =	sshra.s32 s15, $0x1F  }
0x15f: {  	s9 =	sshrl.u32 s12, $0x1F;
	s8 =	smul.u32 $0x78787879, s21;
	s21 =	sshra.s32 s6, $0x8;
	v47 =	vmov s25  }
0x160: {  	s4 =	sadd.s32 s4, s10;
	s10 =	sshrl.u32 s6, $0x1F;
	s6 =	sshra.s32 s6, $0x1F;
	v12 =	vsel vm11, s21, v47  }
0x161: {  	v13 =	vsel vm4, s7, v13;
	s19 =	sshra.s32 s2, $0x8;
	v49 =	vmov s10;
	s7 =	smulhi.u32 $0x78787879, s22;
	s23 =	sshrl.u32 s18, $0x1F;
	v12 =	vsel vm3, s6, v12  }
0x162: {  	v50 =	vmov s23;
	s24 =	sshrl.u32 s13, $0x1F;
	s21 =	sshrl.u32 s2, $0x1F;
	s2 =	sshra.s32 s2, $0x1F;
	vm3 =	vcmask $0xF0C;
	v12 =	vsel vm1, s19, v12  }
0x163: {  	v14 =	vnsel vm11, $0x0, v49;
	v15 =	vsel vm1, s9, v50;
	s25 =	smulhi.u32 $0x78787879, s11;
	s6 =	sshra.s32 s11, $0x1F;
	s19 =	sshra.s32 s4, $0x8;
	v12 =	vsel vm3, s2, v12  }
0x164: {  	s10 =	sshrl.u32 s4, $0x1F;
	v15 =	vsel vm2, s24, v15;
	v14 =	vsel vm1, s21, v14;
	s21 =	sshra.s32 s4, $0x1F;
	s6 =	smul.u32 $0x78787879, s6;
	v12 =	vsel vm2, s19, v12  }
0x165: {  	vm10 =	vcmask $0x3734;
	s22 =	sshra.s32 s22, $0x1F;
	s23 =	sshra.s32 s5, $0x8;
	s8 =	sadd.s32 s8, s20;
	v15 =	vsel vm4, s3, v15;
	v12 =	vsel vm14, s21, v12  }
0x166: {  	v51 =	vmov s0;
	s20 =	smul.u32 $0x78787879, s22;
	v13 =	vcombine.low v15, v13;
	s6 =	sadd.s32 s6, s25;
	s25 =	sshra.s32 s5, $0x1F;
	v12 =	vsel vm4, s23, v12  }
0x167: {  	s9 =	sshra.s32 s8, $0x8;
	v15 =	vsel vm1, s17, v51;
	s11 =	sshrl.u32 s5, $0x1F;
	v14 =	vsel vm2, s10, v14;
	s10 =	sshra.s32 s18, $0x8;
	v12 =	vsel vm15, s25, v12  }
0x168: {  	s22 =	sshrl.u32 s8, $0x1F;
	s18 =	sshra.s32 s12, $0x8;
	v14 =	vsel vm4, s11, v14;
	s11 =	sshra.s32 s8, $0x1F;
	v52 =	vmov s10;
	v12 =	vsel vm5, s9, v12  }
0x169: {  	s7 =	sadd.s32 s20, s7;
	s20 =	sshra.s32 s13, $0x8;
	v15 =	vsel vm2, s1, v15;
	v16 =	vsel vm1, s18, v52;
	s19 =	sshra.s32 s6, $0x8;
	v12 =	vsel vm12, s11, v12  }
0x16a: {  	v14 =	vsel vm5, s22, v14;
	s22 =	sshra.s32 s31, $0x8;
	s24 =	sshrl.u32 s6, $0x1F;
	s21 =	sshra.s32 s6, $0x1F;
	v16 =	vsel vm2, s20, v16;
	v12 =	vsel vm6, s19, v12  }
0x16b: {  	s5 =	sshrl.u32 s7, $0x1F;
	v15 =	vsel vm4, s22, v15;
	v14 =	vsel vm6, s24, v14;
	s23 =	sshra.s32 s14, $0x8;
	s24 =	sshra.s32 s7, $0x8;
	v12 =	vsel vm13, s21, v12  }
0x16c: {  	s30 =	sshra.s32 s7, $0x1F;
	v14 =	vsel vm7, s5, v14;
	s25 =	sshrl.u32 s15, $0x1F;
	v16 =	vsel vm4, s23, v16;
	v12 =	vsel vm7, s24, v12  }
0x16d: {  	s31 =	sshra.s32 s15, $0x8;
	v14 =	vsel vm8, s25, v14;
	v15 =	vcombine.low v16, v15;
	v12 =	vsel vm10, s30, v12  }
0x16e: {  	v13 =	vperm.xlane v13, v6;
	v14 =	vperm.xlane v14, v7;
	v12 =	vsel vm8, s31, v12  }
0x16f: {  	v15 =	vperm.xlane v15, v6;
	v12 =	vperm.xlane v12, v7;
	_ =	sdelay $0x1  }
0x170: {  	v13 =	vsel vm0, v14, v13;
	v12 =	vsel vm0, v12, v15  }
0x171: {  	v12 =	vadd.s32 v13, v12  }
0x172: {  	v53 =	vmpcnt.ones.xlane vm9;
	v12 =	vmul.u32 $0x220, v12  }
0x173: {  	v54 =	vld.idx.msk [tilespmem:v9+s29+$0xFFFFFFF0 ss:$0x1], $0xffff  }
0x174: {  	(v2sf) =	vpush v53, $0x0;
	v11 =	vsub.s32 v11, v12;
	_ =	sdelay $0x1  }
0x175: {  	v10 =	vsub.s32 v10, v0  }
0x176: {  	v10 =	vshll.u32 v10, $0xE  }
0x177: {  	v10 =	vor.u32 v54, v10  }
0x178: {  	[tilespmem:v11+s16+$0x0] =	vst.idx.msk vm9, v10  }
0x179: {  	v10 =	vld.idx.msk [tilespmem:v8+s29+$0x10 ss:$0x1], $0xffff;
	_ =	sdelay $0x4  }
0x17a: {  	vm9 =	vge.s32 v10, v0;
	vm10 =	vlt.s32 v10, v1  }
0x17b: {  	vm9 =	vmand vm9, vm10  }
0x17c: {  	v11 =	vsel vm9, $0x1, v5  }
0x17d: {  	(xrf0) =	vadd.scan.msk.s32 $0xffff, v11  }
0x17e: {  	s1 =	spop (v2sf)  }
0x17f: {  	s28 =	sadd.s32 s28, s1  }
0x180: {  	v11 =	vmov s28  }
0x181: {  	v11 =	vadd.s32 $0xFFFFFFFF, v11  }
0x182: {  	v11 =	vbroadcast v11, $0x0  }
0x183: {  	v55, _, _ =	vpop (xrf0)  }
0x184: {  	v11 =	vadd.s32 v55, v11  }
0x185: {  	(v2sf) =	vpush v11, $0xD;
	_ =	sdelay $0x1  }
0x186: {  	(v2sf) =	vpush v11, $0xC;
	_ =	sdelay $0x1  }
0x187: {  	(v2sf) =	vpush v11, $0xE;
	_ =	sdelay $0x1  }
0x188: {  	(v2sf) =	vpush v11, $0xF;
	_ =	sdelay $0x1  }
0x189: {  	(v2sf) =	vpush v11, $0x9;
	_ =	sdelay $0x1  }
0x18a: {  	(v2sf) =	vpush v11, $0x8;
	_ =	sdelay $0x1  }
0x18b: {  	(v2sf) =	vpush v11, $0xA;
	_ =	sdelay $0x1  }
0x18c: {  	(v2sf) =	vpush v11, $0xB  }
0x18d: {  	s2 =	spop (v2sf)  }
0x18e: {  	(v2sf) =	vpush v11, $0x0;
	s3 =	smulhi.u32 $0x78787879, s2;
	s0 =	sshra.s32 s2, $0x1F  }
0x18f: {  	s13 =	spop (v2sf);
	s0 =	smul.u32 $0x78787879, s0  }
0x190: {  	(v2sf) =	vpush v11, $0x1;
	s14 =	smulhi.u32 $0x78787879, s13;
	s2 =	sshra.s32 s13, $0x1F  }
0x191: {  	(v2sf) =	vpush v11, $0x2;
	s21 =	spop (v2sf);
	s2 =	smul.u32 $0x78787879, s2  }
0x192: {  	(v2sf) =	vpush v11, $0x3;
	s6 =	smulhi.u32 $0x78787879, s21;
	s4 =	sshra.s32 s21, $0x1F  }
0x193: {  	s22 =	spop (v2sf);
	s4 =	smul.u32 $0x78787879, s4  }
0x194: {  	(v2sf) =	vpush v11, $0x4;
	s9 =	smulhi.u32 $0x78787879, s22;
	s5 =	sshra.s32 s22, $0x1F  }
0x195: {  	(v2sf) =	vpush v11, $0x5;
	s23 =	spop (v2sf);
	s5 =	smul.u32 $0x78787879, s5  }
0x196: {  	(v2sf) =	vpush v11, $0x6;
	s11 =	smulhi.u32 $0x78787879, s23;
	s7 =	sshra.s32 s23, $0x1F  }
0x197: {  	(v2sf) =	vpush v11, $0x7;
	s24 =	spop (v2sf);
	s7 =	smul.u32 $0x78787879, s7  }
0x198: {  	s17 =	smulhi.u32 $0x78787879, s24;
	s8 =	sshra.s32 s24, $0x1F  }
0x199: {  	s25 =	spop (v2sf);
	s8 =	smul.u32 $0x78787879, s8  }
0x19a: {  	s1 =	sadd.s32 s0, s3;
	s21 =	smulhi.u32 $0x78787879, s25;
	s10 =	sshra.s32 s25, $0x1F  }
0x19b: {  	s13 =	sadd.s32 s2, s14;
	s30 =	spop (v2sf);
	s10 =	smul.u32 $0x78787879, s10  }
0x19c: {  	s3 =	sshrl.u32 s1, $0x1F;
	s24 =	smulhi.u32 $0x78787879, s30;
	s12 =	sshra.s32 s30, $0x1F  }
0x19d: {  	s25 =	sshrl.u32 s13, $0x1F;
	s31 =	spop (v2sf);
	s12 =	smul.u32 $0x78787879, s12  }
0x19e: {  	s0 =	sadd.s32 s5, s9;
	s2 =	smulhi.u32 $0x78787879, s31;
	s14 =	sshra.s32 s31, $0x1F  }
0x19f: {  	s30 =	sadd.s32 s4, s6;
	s15 =	spop (v2sf);
	s31 =	smul.u32 $0x78787879, s14  }
0x1a0: {  	s18 =	spop (v2sf);
	s4 =	smulhi.u32 $0x78787879, s15;
	s15 =	sshra.s32 s15, $0x1F  }
0x1a1: {  	s5 =	sshrl.u32 s30, $0x1F;
	s20 =	spop (v2sf);
	s6 =	smul.u32 $0x78787879, s15  }
0x1a2: {  	s15 =	sadd.s32 s7, s11;
	s7 =	smulhi.u32 $0x78787879, s18;
	s14 =	sshra.s32 s18, $0x1F  }
0x1a3: {  	s18 =	sadd.s32 s8, s17;
	s8 =	sshrl.u32 s0, $0x1F;
	s22 =	spop (v2sf)  }
0x1a4: {  	s9 =	smul.u32 $0x78787879, s14;
	s14 =	sadd.s32 s10, s21;
	s23 =	spop (v2sf)  }
0x1a5: {  	s10 =	smulhi.u32 $0x78787879, s20;
	s17 =	sshra.s32 s20, $0x1F;
	s19 =	spop (v2sf)  }
0x1a6: {  	s12 =	sadd.s32 s12, s24;
	s11 =	smul.u32 $0x78787879, s17;
	s20 =	spop (v2sf)  }
0x1a7: {  	s2 =	sadd.s32 s31, s2;
	s21 =	smulhi.u32 $0x78787879, s20;
	s17 =	sshra.s32 s20, $0x1F  }
0x1a8: {  	s4 =	sadd.s32 s6, s4;
	s6 =	sshrl.u32 s15, $0x1F;
	s17 =	smul.u32 $0x78787879, s17  }
0x1a9: {  	v56 =	vmov s25;
	s24 =	sshra.s32 s22, $0x1F;
	s7 =	sadd.s32 s9, s7;
	s9 =	smulhi.u32 $0x78787879, s22  }
0x1aa: {  	v12 =	vsel vm1, s3, v56;
	s25 =	sshra.s32 s2, $0x8;
	s22 =	smul.u32 $0x78787879, s24;
	s31 =	sadd.s32 s17, s21  }
0x1ab: {  	vm3 =	vmmov vm12;
	vm12 =	vmmov vm13;
	v12 =	vsel vm2, s5, v12;
	s5 =	smulhi.u32 $0x78787879, s23;
	s23 =	sshra.s32 s23, $0x1F;
	s24 =	sshra.s32 s31, $0x1F  }
0x1ac: {  	v60 =	vmpcnt.ones.xlane vm9;
	v12 =	vsel vm4, s8, v12;
	s10 =	sadd.s32 s11, s10;
	s8 =	smul.u32 $0x78787879, s23;
	s3 =	sadd.s32 s22, s9;
	v57 =	vmov s24  }
0x1ad: {  	vm13 =	vcmask $0x704;
	vm10 =	vcmask $0x3734;
	s9 =	sshrl.u32 s12, $0x1F;
	s20 =	sshrl.u32 s2, $0x1F;
	s2 =	sshra.s32 s2, $0x1F;
	v13 =	vsel vm11, s25, v57  }
0x1ae: {  	(v2sf) =	vpush v60, $0x0;
	s22 =	sshrl.u32 s4, $0x1F;
	v58 =	vmov s20;
	s17 =	sshrl.u32 s18, $0x1F;
	s24 =	sshra.s32 s4, $0x8;
	v13 =	vsel vm13, s2, v13  }
0x1af: {  	s23 =	sshrl.u32 s3, $0x1F;
	s5 =	sadd.s32 s8, s5;
	v59 =	vmov s17;
	s4 =	sshra.s32 s4, $0x1F;
	vm13 =	vcmask $0xF0C;
	v13 =	vsel vm1, s24, v13  }
0x1b0: {  	s20 =	sshra.s32 s7, $0x8;
	v14 =	vnsel vm11, $0x0, v58;
	s21 =	sshrl.u32 s14, $0x1F;
	s17 =	smulhi.u32 $0x78787879, s19;
	v15 =	vsel vm1, s6, v59;
	v13 =	vsel vm13, s4, v13  }
0x1b1: {  	v14 =	vsel vm1, s22, v14;
	s19 =	sshra.s32 s19, $0x1F;
	s25 =	sshrl.u32 s7, $0x1F;
	v15 =	vsel vm2, s21, v15;
	s7 =	sshra.s32 s7, $0x1F;
	v13 =	vsel vm2, s20, v13  }
0x1b2: {  	s22 =	smul.u32 $0x78787879, s19;
	s21 =	sshrl.u32 s10, $0x1F;
	v14 =	vsel vm2, s25, v14;
	v15 =	vsel vm4, s9, v15;
	s24 =	sshra.s32 s10, $0x8;
	v13 =	vsel vm14, s7, v13  }
0x1b3: {  	s8 =	sshra.s32 s10, $0x1F;
	s11 =	sshra.s32 s3, $0x8;
	v14 =	vsel vm4, s21, v14;
	v12 =	vcombine.low v15, v12;
	s10 =	sshra.s32 s13, $0x8;
	v13 =	vsel vm4, s24, v13  }
0x1b4: {  	s25 =	sshrl.u32 s5, $0x1F;
	s13 =	sshra.s32 s18, $0x8;
	v14 =	vsel vm5, s23, v14;
	s4 =	sadd.s32 s22, s17;
	v61 =	vmov s10;
	v13 =	vsel vm15, s8, v13  }
0x1b5: {  	s3 =	sshra.s32 s3, $0x1F;
	v62 =	vmov s13;
	v14 =	vsel vm6, s25, v14;
	s9 =	sshrl.u32 s4, $0x1F;
	v13 =	vsel vm5, s11, v13  }
0x1b6: {  	s1 =	sshra.s32 s1, $0x8;
	s18 =	sshra.s32 s5, $0x8;
	s17 =	sshra.s32 s15, $0x8;
	v14 =	vsel vm7, s9, v14;
	v13 =	vsel vm3, s3, v13;
	vm3 =	vmmov vm1  }
0x1b7: {  	s19 =	sshra.s32 s30, $0x8;
	s21 =	sshra.s32 s5, $0x1F;
	s20 =	sshra.s32 s14, $0x8;
	v16 =	vsel vm3, s1, v61;
	v15 =	vsel vm3, s17, v62;
	v13 =	vsel vm6, s18, v13  }
0x1b8: {  	s0 =	sshra.s32 s0, $0x8;
	s22 =	sshra.s32 s12, $0x8;
	s23 =	sshra.s32 s4, $0x8;
	v16 =	vsel vm2, s19, v16;
	v15 =	vsel vm2, s20, v15;
	v13 =	vsel vm12, s21, v13  }
0x1b9: {  	s25 =	sshra.s32 s4, $0x1F;
	s24 =	sshrl.u32 s31, $0x1F;
	v16 =	vsel vm4, s0, v16;
	v15 =	vsel vm4, s22, v15;
	v13 =	vsel vm7, s23, v13  }
0x1ba: {  	s30 =	sshra.s32 s31, $0x8;
	v14 =	vsel vm8, s24, v14;
	v15 =	vcombine.low v15, v16;
	v13 =	vsel vm10, s25, v13  }
0x1bb: {  	v12 =	vperm.xlane v12, v6;
	v14 =	vperm.xlane v14, v7;
	v13 =	vsel vm8, s30, v13  }
0x1bc: {  	v15 =	vperm.xlane v15, v6;
	v13 =	vperm.xlane v13, v7;
	_ =	sdelay $0x1  }
0x1bd: {  	v12 =	vsel vm0, v14, v12;
	v13 =	vsel vm0, v13, v15  }
0x1be: {  	v12 =	vadd.s32 v12, v13  }
0x1bf: {  	v12 =	vmul.u32 $0x220, v12  }
0x1c0: {  	v63 =	vld.idx.msk [tilespmem:v9+s29+$0x0 ss:$0x1], $0xffff  }
0x1c1: {  	p1 =	sne.s32 s26, $0x700;
	v11 =	vsub.s32 v11, v12  }
.Ltmp6:
0x1c2: {  	_ = 	snop;
	(pc) =	sbr.rel @p1 .LBB2_5-.Ltmp6, $4  }
0x1c3: {  	v10 =	vsub.s32 v10, v0  }
0x1c4: {  	v10 =	vshll.u32 v10, $0xE  }
0x1c5: {  	v10 =	vor.u32 v63, v10;
	s31 =	spop (v2sf)  }
0x1c6: {  	s26 =	sadd.s32 $0x100, s26;
	s28 =	sadd.s32 s28, s31;
	vm1 =	vmmov vm2;
	[tilespmem:v11+s16+$0x0] =	vst.idx.msk vm9, v10  }
0x1c7: {  	s8 =	rddreg [dreg:$0xe]  }
0x1c8: {  	s5 =	rddreg [dreg:$0x10];
	p1 =	sgt.u32 s8, $0x26E  }
0x1c9: {  	s2 =	rddreg [dreg:$0x4];
	s0 =	sshll.u32 @!p1 s8, $0x6  }
0x1ca: {  	s4 =	rddreg [dreg:$0xf];
	s26 =	sand.u32 $0xF, s28;
	s0 =	sadd.s32 @!p1 $0x80, s0  }
0x1cb: {  	s1 =	sor.u32 @!p1 $0x1E000, s5;
	s3 =	simm.s32 @!p1 $0x0;
	s2 =	sadd.s32 @!p1 s2, s0  }
0x1cc: {  	[tilespmem:s1], [sflag:s4] =	stream.linear.gather @!p1 [hbm4b:s2+s3], $0x200, $0x38;
	[tilespmem:$0x1FB00] =	vst v63  }
0x1cd: {  	s29 =	sshra.s32 s28, $0x1F;
	p4 =	slt.s32 s28, $0x1;
	s2 =	rddreg [dreg:$0x1]  }
0x1ce: {  	p2 =	sne.s32 s26, $0x0;
	s1 =	sor.u32 @!p1 $0x1E400, s5;
	s0 =	sadd.s32 @!p1 s2, s0  }
0x1cf: {  	[tilespmem:s1], [sflag:s4] =	stream.linear.gather @!p1 [hbm4b:s0+s3], $0x200, $0x38;
	[tilespmem:$0x1FB00] =	vst v63  }
0x1d0: {  	s30 =	sshrl.u32 s29, $0x1C;
	p1 =	por !p4, !p2  }
0x1d1: {  	s0 =	sadd.s32 s30, s28;
	s1 =	simm.s32 $0x1;
	p1 =	por !p1, !p1  }
0x1d2: {  	s7 =	rddreg [dreg:$0xd];
	s0 =	sshra.s32 s0, $0x4;
	s1 =	simm.s32 @!p1 $0x0  }
0x1d3: {  	s31 =	sadd.s32 $0x2, s7;
	s5 =	rddreg [dreg:$0xc];
	s24 =	ssub.s32 s0, s1  }
0x1d4: {  	p6 =	slt.s32 s5, s31;
	p5 =	slt.s32 s5, s24  }
0x1d5: {  	s25 =	sadd.s32 $0x1, s7;
	p1 =	por !p5, !p6  }
0x1d6: {  	p2 =	slt.s32 s25, s5;
	p1 =	por !p1, !p1  }
0x1d7: {  	p3 =	por p2, p1  }
.Ltmp7:
0x1d8: {  	_ = 	snop;
	(pc) =	sbr.rel @!p3 .LBB2_7-.Ltmp7, $1  }
0x1d9: {  	_ =	sdelay $0x3  }
.Ltmp8:
0x1da: {  	(pc) =	sbr.rel .LBB2_9-.Ltmp8, $4  }
0x1db: {  	_ = 	snop  }
0x1dc: {  	s7 =	smov.u32 @p2 s7  }
0x1dd: {  	s5 =	smov.u32 @p2 s5;
	s25 =	smov.u32 @p2 s25;
	p1 =	por @!p2 p1, p1  }
0x1de: {  	s6 =	rddreg [dreg:$0x2];
	s0 =	smov.u32 s7;
	s1 =	smov.u32 s5  }
.LBB2_11:
0x1df: {  	s1 =	sshll.u32 s0, $0x4  }
0x1e0: {  	s2 =	smulhi.u32 $0x78787879, s1;
	s3 =	sshra.s32 s1, $0x1F  }
0x1e1: {  	s4 =	sshrl.u32 s0, $0x1F;
	s3 =	smul.u32 $0x78787879, s3  }
0x1e2: {  	s4 =	sadd.s32 s4, s0  }
0x1e3: {  	s31 =	sand.u32 $0xFFFFFFFE, s4;
	s2 =	sadd.s32 s3, s2  }
0x1e4: {  	s4 =	ssub.s32 s0, s31;
	s7 =	sshrl.u32 s2, $0x1F;
	s2 =	sshra.s32 s2, $0x8  }
0x1e5: {  	s9 =	sadd.s32 $0x3, s4;
	s2 =	sadd.s32 s7, s2  }
0x1e6: {  	_ =	swait.ge [sflag:s9], $0x800;
	s2 =	smul.u32 $0x220, s2  }
0x1e7: {  	[sflag:s9] =	ssyncset.done $0x0  }
0x1e8: {  	[sflag:s9] =	ssyncadd.s32 $0xFFFFF800;
	s1 =	ssub.s32 s1, s2  }
0x1e9: {  	v8 =	vld [tilespmem:s1+$0x1E800];
	_ =	sdelay $0x4  }
0x1ea: {  	v8 =	vshra.s32 v8, $0xE  }
0x1eb: {  	v8 =	vshll.u32 v8, $0x7  }
0x1ec: {  	(v2sf) =	vpush v8, $0x0;
	_ =	sdelay $0x8  }
0x1ed: {  	(v2sf) =	vpush v8, $0x1;
	_ =	sdelay $0x3  }
0x1ee: {  	s0 =	sshll.u32 s4, $0xD  }
0x1ef: {  	s22 =	sshra.s32 s0, $0x2  }
0x1f0: {  	v9 =	vld [tilespmem:s22+$0x1EB00];
	s10 =	spop (v2sf)  }
0x1f1: {  	v10 =	vld [tilespmem:s10+$0xA000]  }
0x1f2: {  	v11 =	vld [tilespmem:s10+$0x14000]  }
0x1f3: {  	(v2sf) =	vpush v8, $0x2;
	_ =	sdelay $0x2  }
0x1f4: {  	[tilespmem:s10+$0x0] =	vst.add.f32.msk $0xffff, v9;
	v10 =	vmax.f32 v10, v9  }
0x1f5: {  	v9 =	vmin.f32 v11, v9;
	[tilespmem:s10+$0xA000] =	vst v10  }
0x1f6: {  	[tilespmem:s10+$0x14000] =	vst v9  }
0x1f7: {  	s11 =	spop (v2sf);
	v9 =	vld [tilespmem:s22+$0x1EB80]  }
0x1f8: {  	v10 =	vld [tilespmem:s11+$0xA000]  }
0x1f9: {  	v48 =	vld [tilespmem:s11+$0x14000]  }
0x1fa: {  	(v2sf) =	vpush v8, $0x3;
	_ =	sdelay $0x2  }
0x1fb: {  	[tilespmem:s11+$0x0] =	vst.add.f32.msk $0xffff, v9;
	v10 =	vmax.f32 v10, v9  }
0x1fc: {  	v9 =	vmin.f32 v48, v9;
	[tilespmem:s11+$0xA000] =	vst v10  }
0x1fd: {  	[tilespmem:s11+$0x14000] =	vst v9  }
0x1fe: {  	v9 =	vld [tilespmem:s22+$0x1EC00];
	s12 =	spop (v2sf)  }
0x1ff: {  	v10 =	vld [tilespmem:s12+$0xA000]  }
0x200: {  	v49 =	vld [tilespmem:s12+$0x14000]  }
0x201: {  	(v2sf) =	vpush v8, $0x4;
	_ =	sdelay $0x2  }
0x202: {  	[tilespmem:s12+$0x0] =	vst.add.f32.msk $0xffff, v9;
	v10 =	vmax.f32 v10, v9  }
0x203: {  	v9 =	vmin.f32 v49, v9;
	[tilespmem:s12+$0xA000] =	vst v10  }
0x204: {  	[tilespmem:s12+$0x14000] =	vst v9  }
0x205: {  	s13 =	spop (v2sf);
	v9 =	vld [tilespmem:s22+$0x1EC80]  }
0x206: {  	v10 =	vld [tilespmem:s13+$0xA000]  }
0x207: {  	v50 =	vld [tilespmem:s13+$0x14000]  }
0x208: {  	(v2sf) =	vpush v8, $0x5;
	_ =	sdelay $0x2  }
0x209: {  	[tilespmem:s13+$0x0] =	vst.add.f32.msk $0xffff, v9;
	v10 =	vmax.f32 v10, v9  }
0x20a: {  	v9 =	vmin.f32 v50, v9;
	[tilespmem:s13+$0xA000] =	vst v10  }
0x20b: {  	[tilespmem:s13+$0x14000] =	vst v9  }
0x20c: {  	v9 =	vld [tilespmem:s22+$0x1ED00];
	s14 =	spop (v2sf)  }
0x20d: {  	v10 =	vld [tilespmem:s14+$0xA000]  }
0x20e: {  	v51 =	vld [tilespmem:s14+$0x14000]  }
0x20f: {  	(v2sf) =	vpush v8, $0x6;
	_ =	sdelay $0x2  }
0x210: {  	[tilespmem:s14+$0x0] =	vst.add.f32.msk $0xffff, v9;
	v10 =	vmax.f32 v10, v9  }
0x211: {  	v9 =	vmin.f32 v51, v9;
	[tilespmem:s14+$0xA000] =	vst v10  }
0x212: {  	[tilespmem:s14+$0x14000] =	vst v9  }
0x213: {  	s15 =	spop (v2sf);
	v9 =	vld [tilespmem:s22+$0x1ED80]  }
0x214: {  	v10 =	vld [tilespmem:s15+$0xA000]  }
0x215: {  	v52 =	vld [tilespmem:s15+$0x14000]  }
0x216: {  	(v2sf) =	vpush v8, $0x7;
	_ =	sdelay $0x2  }
0x217: {  	[tilespmem:s15+$0x0] =	vst.add.f32.msk $0xffff, v9;
	v10 =	vmax.f32 v10, v9  }
0x218: {  	v9 =	vmin.f32 v52, v9;
	[tilespmem:s15+$0xA000] =	vst v10  }
0x219: {  	[tilespmem:s15+$0x14000] =	vst v9  }
0x21a: {  	v9 =	vld [tilespmem:s22+$0x1EE00];
	s17 =	spop (v2sf)  }
0x21b: {  	v10 =	vld [tilespmem:s17+$0xA000]  }
0x21c: {  	v53 =	vld [tilespmem:s17+$0x14000]  }
0x21d: {  	(v2sf) =	vpush v8, $0x8;
	_ =	sdelay $0x2  }
0x21e: {  	[tilespmem:s17+$0x0] =	vst.add.f32.msk $0xffff, v9;
	v10 =	vmax.f32 v10, v9  }
0x21f: {  	v9 =	vmin.f32 v53, v9;
	[tilespmem:s17+$0xA000] =	vst v10  }
0x220: {  	[tilespmem:s17+$0x14000] =	vst v9  }
0x221: {  	s18 =	spop (v2sf);
	v9 =	vld [tilespmem:s22+$0x1EE80]  }
0x222: {  	v10 =	vld [tilespmem:s18+$0xA000]  }
0x223: {  	v54 =	vld [tilespmem:s18+$0x14000]  }
0x224: {  	(v2sf) =	vpush v8, $0x9;
	_ =	sdelay $0x2  }
0x225: {  	[tilespmem:s18+$0x0] =	vst.add.f32.msk $0xffff, v9;
	v10 =	vmax.f32 v10, v9  }
0x226: {  	v9 =	vmin.f32 v54, v9;
	[tilespmem:s18+$0xA000] =	vst v10  }
0x227: {  	[tilespmem:s18+$0x14000] =	vst v9  }
0x228: {  	v9 =	vld [tilespmem:s22+$0x1EF00];
	s19 =	spop (v2sf)  }
0x229: {  	v10 =	vld [tilespmem:s19+$0xA000]  }
0x22a: {  	v55 =	vld [tilespmem:s19+$0x14000]  }
0x22b: {  	(v2sf) =	vpush v8, $0xA;
	_ =	sdelay $0x2  }
0x22c: {  	[tilespmem:s19+$0x0] =	vst.add.f32.msk $0xffff, v9;
	v10 =	vmax.f32 v10, v9  }
0x22d: {  	v9 =	vmin.f32 v55, v9;
	[tilespmem:s19+$0xA000] =	vst v10  }
0x22e: {  	[tilespmem:s19+$0x14000] =	vst v9  }
0x22f: {  	s20 =	spop (v2sf);
	v9 =	vld [tilespmem:s22+$0x1EF80]  }
0x230: {  	v10 =	vld [tilespmem:s20+$0xA000]  }
0x231: {  	v56 =	vld [tilespmem:s20+$0x14000]  }
0x232: {  	(v2sf) =	vpush v8, $0xB;
	_ =	sdelay $0x2  }
0x233: {  	[tilespmem:s20+$0x0] =	vst.add.f32.msk $0xffff, v9;
	v10 =	vmax.f32 v10, v9  }
0x234: {  	v9 =	vmin.f32 v56, v9;
	[tilespmem:s20+$0xA000] =	vst v10  }
0x235: {  	[tilespmem:s20+$0x14000] =	vst v9  }
0x236: {  	v9 =	vld [tilespmem:s22+$0x1F000];
	s21 =	spop (v2sf)  }
0x237: {  	v10 =	vld [tilespmem:s21+$0xA000]  }
0x238: {  	v57 =	vld [tilespmem:s21+$0x14000]  }
0x239: {  	(v2sf) =	vpush v8, $0xC;
	_ =	sdelay $0x2  }
0x23a: {  	[tilespmem:s21+$0x0] =	vst.add.f32.msk $0xffff, v9;
	v10 =	vmax.f32 v10, v9  }
0x23b: {  	v9 =	vmin.f32 v57, v9;
	[tilespmem:s21+$0xA000] =	vst v10  }
0x23c: {  	[tilespmem:s21+$0x14000] =	vst v9  }
0x23d: {  	s23 =	spop (v2sf);
	v9 =	vld [tilespmem:s22+$0x1F080]  }
0x23e: {  	v10 =	vld [tilespmem:s23+$0xA000]  }
0x23f: {  	v58 =	vld [tilespmem:s23+$0x14000]  }
0x240: {  	(v2sf) =	vpush v8, $0xD;
	_ =	sdelay $0x2  }
0x241: {  	[tilespmem:s23+$0x0] =	vst.add.f32.msk $0xffff, v9;
	v10 =	vmax.f32 v10, v9  }
0x242: {  	v9 =	vmin.f32 v58, v9;
	[tilespmem:s23+$0xA000] =	vst v10  }
0x243: {  	[tilespmem:s23+$0x14000] =	vst v9  }
0x244: {  	v9 =	vld [tilespmem:s22+$0x1F100];
	s26 =	spop (v2sf)  }
0x245: {  	v10 =	vld [tilespmem:s26+$0xA000]  }
0x246: {  	v59 =	vld [tilespmem:s26+$0x14000]  }
0x247: {  	(v2sf) =	vpush v8, $0xE;
	_ =	sdelay $0x2  }
0x248: {  	[tilespmem:s26+$0x0] =	vst.add.f32.msk $0xffff, v9;
	v10 =	vmax.f32 v10, v9  }
0x249: {  	v9 =	vmin.f32 v59, v9;
	[tilespmem:s26+$0xA000] =	vst v10  }
0x24a: {  	[tilespmem:s26+$0x14000] =	vst v9  }
0x24b: {  	s29 =	spop (v2sf);
	v9 =	vld [tilespmem:s22+$0x1F180]  }
0x24c: {  	v10 =	vld [tilespmem:s29+$0xA000]  }
0x24d: {  	v60 =	vld [tilespmem:s29+$0x14000]  }
0x24e: {  	(v2sf) =	vpush v8, $0xF;
	_ =	sdelay $0x2  }
0x24f: {  	[tilespmem:s29+$0x0] =	vst.add.f32.msk $0xffff, v9;
	v8 =	vmax.f32 v10, v9  }
0x250: {  	[tilespmem:s29+$0xA000] =	vst v8;
	v8 =	vmin.f32 v60, v9  }
0x251: {  	[tilespmem:s29+$0x14000] =	vst v8  }
0x252: {  	s30 =	spop (v2sf);
	v8 =	vld [tilespmem:s22+$0x1F200]  }
0x253: {  	v61 =	vld [tilespmem:s30+$0xA000]  }
0x254: {  	v62 =	vld [tilespmem:s30+$0x14000];
	_ =	sdelay $0x3  }
0x255: {  	[tilespmem:s30+$0x0] =	vst.add.f32.msk $0xffff, v8;
	v9 =	vmax.f32 v61, v8  }
0x256: {  	v8 =	vmin.f32 v62, v8;
	[tilespmem:s30+$0xA000] =	vst v9  }
0x257: {  	[tilespmem:s30+$0x14000] =	vst v8  }
0x258: {  	s31 =	spop (v2sf);
	v8 =	vld [tilespmem:s22+$0x1F280]  }
0x259: {  	v9 =	vld [tilespmem:s31+$0xA000]  }
0x25a: {  	v63 =	vld [tilespmem:s31+$0x14000];
	_ =	sdelay $0x3  }
0x25b: {  	[tilespmem:s31+$0x0] =	vst.add.f32.msk $0xffff, v8;
	v9 =	vmax.f32 v9, v8  }
0x25c: {  	v8 =	vmin.f32 v63, v8;
	[tilespmem:s31+$0xA000] =	vst v9  }
0x25d: {  	[tilespmem:s31+$0x14000] =	vst v8  }
.LBB2_12:
0x25e: {  	s0 =	sadd.s32 $0x2, s25  }
0x25f: {  	p1 =	slt.s32 s5, s24;
	p2 =	slt.s32 s5, s0  }
0x260: {  	s7 =	smov.u32 s25;
	s25 =	sadd.s32 $0x1, s25;
	p1 =	por !p1, !p2  }
0x261: {  	p2 =	slt.s32 s25, s5;
	p1 =	por !p1, !p1  }
0x262: {  	p3 =	por p2, p1  }
.Ltmp9:
0x263: {  	_ = 	snop;
	(pc) =	sbr.rel @!p3 .LBB2_13-.Ltmp9, $3  }
0x264: {  	_ =	sdelay $0x1  }
0x265: {  	s1 =	smov.u32 s5;
	s0 =	smov.u32 s7;
	s25 =	smov.u32 @p2 s25  }
0x266: {  	s0 =	smov.u32 @p2 s7;
	s1 =	smov.u32 @p2 s5;
	p1 =	por @!p2 p1, p1  }
.LBB2_9:
0x267: {  	s2 =	sshll.u32 @p1 s1, $0x4  }
0x268: {  	s3 =	smulhi.u32 @p1 $0x78787879, s2;
	s4 =	sshra.s32 @p1 s2, $0x1F  }
0x269: {  	s4 =	smul.u32 @p1 $0x78787879, s4;
	_ =	sdelay $0x1  }
0x26a: {  	s3 =	sadd.s32 @p1 s4, s3  }
0x26b: {  	s4 =	sshrl.u32 @p1 s3, $0x1F;
	s3 =	sshra.s32 @p1 s3, $0x8  }
0x26c: {  	s3 =	sadd.s32 @p1 s4, s3  }
0x26d: {  	s3 =	smul.u32 @p1 $0x220, s3;
	_ =	sdelay $0x1  }
0x26e: {  	s2 =	ssub.s32 @p1 s2, s3  }
0x26f: {  	s4 =	sshrl.u32 @p1 s1, $0x1F;
	v8 =	vld @p1 [tilespmem:s2+$0x1E800]  }
0x270: {  	s3 =	sadd.s32 @p1 s4, s1  }
0x271: {  	s2 =	sand.u32 @p1 $0xFFFFFFFE, s3  }
0x272: {  	s2 =	ssub.s32 @p1 s1, s2  }
0x273: {  	s3 =	sshll.u32 @p1 s2, $0x6;
	s4 =	sshll.u32 @p1 s2, $0xD  }
0x274: {  	s2 =	sadd.s32 @p1 $0x3, s2;
	s3 =	sshra.s32 @p1 s3, $0x2;
	s4 =	sshra.s32 @p1 s4, $0x2;
	v8 =	vand.u32 @p1 $0x3FFF, v8  }
0x275: {  	s5 =	sadd.s32 @p1 $0x1EA80, s3;
	[tilespmem:s3+$0x1EA80] =	vst @p1 v8;
	s3 =	sadd.s32 @p1 $0x1EB00, s4;
	s4 =	simm.s32 @p1 $0x10  }
0x276: {  	[tilespmem:s3], [sflag:s2] =	stream.indirect.gather @p1 [hbm4b:s6+s4], $0x80, s5, s4, $0xb8;
	[tilespmem:$0x1FB00] =	vst v63  }
0x277: {  	s2 =	simm.s32 $0x1  }
0x278: {  	s2 =	simm.s32 @!p1 $0x0  }
0x279: {  	s5 =	sadd.s32 s2, s1  }
0x27a: {  	p1 =	sge.s32 s25, s5  }
.Ltmp10:
0x27b: {  	_ = 	snop;
	(pc) =	sbr.rel @!p1 .LBB2_11-.Ltmp10, $1  }
0x27c: {  	_ =	sdelay $0x3  }
.Ltmp11:
0x27d: {  	(pc) =	sbr.rel .LBB2_12-.Ltmp11, $2  }
0x27e: {  	_ =	sdelay $0x2  }
0x27f: {  	s25 =	smov.u32 s0  }
.LBB2_15:
.Ltmp12:
0x280: {  	(pc) =	sbr.rel .LBB2_16-.Ltmp12, $2  }
0x281: {  	_ =	sdelay $0x2  }
0x282: {  	p0 =	por @!p1 p0, p0;
	s7 =	smov.u32 @p1 s7;
	s5 =	smov.u32 @p1 s5  }
.LBB2_18:
0x283: {  	p0 =	slt.s32 s7, s5;
	s0 =	simm.s32 $0x1  }
0x284: {  	s0 =	simm.s32 @!p0 $0x0  }
0x285: {  	s7 =	sadd.s32 s0, s7  }
0x286: {  	s0 =	sadd.s32 $0x2, s7  }
0x287: {  	p6 =	slt.s32 s5, s23;
	p1 =	slt.s32 s5, s0  }
0x288: {  	p0 =	por !p6, !p1  }
0x289: {  	p1 =	slt.s32 s7, s5;
	p0 =	por !p0, !p0  }
0x28a: {  	p2 =	por p1, p0  }
.Ltmp13:
0x28b: {  	_ = 	snop;
	(pc) =	sbr.rel @!p2 .LBB2_19-.Ltmp13, $2  }
0x28c: {  	_ =	sdelay $0x2  }
0x28d: {  	s7 =	smov.u32 @p1 s7;
	s5 =	smov.u32 @p1 s5;
	p0 =	por @!p1 p0, p0  }
.LBB2_16:
0x28e: {  	s0 =	sshll.u32 @p0 s5, $0x4  }
0x28f: {  	s1 =	smulhi.u32 @p0 $0x78787879, s0;
	s2 =	sshra.s32 @p0 s0, $0x1F  }
0x290: {  	s2 =	smul.u32 @p0 $0x78787879, s2;
	_ =	sdelay $0x1  }
0x291: {  	s1 =	sadd.s32 @p0 s2, s1  }
0x292: {  	s2 =	sshrl.u32 @p0 s1, $0x1F;
	s1 =	sshra.s32 @p0 s1, $0x8  }
0x293: {  	s1 =	sadd.s32 @p0 s2, s1  }
0x294: {  	s1 =	smul.u32 @p0 $0x220, s1;
	_ =	sdelay $0x1  }
0x295: {  	s0 =	ssub.s32 @p0 s0, s1  }
0x296: {  	s2 =	sshrl.u32 @p0 s5, $0x1F;
	v8 =	vld @p0 [tilespmem:s0+$0x1E800]  }
0x297: {  	s1 =	sadd.s32 @p0 s2, s5  }
0x298: {  	s0 =	sand.u32 @p0 $0xFFFFFFFE, s1  }
0x299: {  	s0 =	ssub.s32 @p0 s5, s0  }
0x29a: {  	s1 =	sshll.u32 @p0 s0, $0x6;
	s2 =	sshll.u32 @p0 s0, $0xD  }
0x29b: {  	s0 =	sadd.s32 @p0 $0x3, s0;
	s1 =	sshra.s32 @p0 s1, $0x2;
	s2 =	sshra.s32 @p0 s2, $0x2;
	v8 =	vand.u32 @p0 $0x3FFF, v8  }
0x29c: {  	s3 =	sadd.s32 @p0 $0x1EA80, s1;
	[tilespmem:s1+$0x1EA80] =	vst @p0 v8;
	s1 =	sadd.s32 @p0 $0x1EB00, s2;
	s2 =	simm.s32 @p0 $0x10  }
0x29d: {  	[tilespmem:s1], [sflag:s0] =	stream.indirect.gather @p0 [hbm4b:s6+s2], $0x80, s3, s2, $0xb8;
	[tilespmem:$0x1FB00] =	vst v63  }
0x29e: {  	s0 =	simm.s32 $0x1  }
0x29f: {  	s0 =	simm.s32 @!p0 $0x0  }
0x2a0: {  	s5 =	sadd.s32 s0, s5  }
0x2a1: {  	p0 =	sge.s32 s7, s5  }
0x2a2: {  	s0 =	sshll.u32 @!p0 s7, $0x4  }
0x2a3: {  	s1 =	smulhi.u32 @!p0 $0x78787879, s0;
	s2 =	sshra.s32 @!p0 s0, $0x1F  }
0x2a4: {  	s3 =	sshrl.u32 @!p0 s7, $0x1F;
	s2 =	smul.u32 @!p0 $0x78787879, s2  }
0x2a5: {  	s3 =	sadd.s32 @!p0 s3, s7  }
0x2a6: {  	s3 =	sand.u32 @!p0 $0xFFFFFFFE, s3;
	s1 =	sadd.s32 @!p0 s2, s1  }
0x2a7: {  	s2 =	ssub.s32 @!p0 s7, s3;
	s3 =	sshrl.u32 @!p0 s1, $0x1F;
	s1 =	sshra.s32 @!p0 s1, $0x8  }
0x2a8: {  	s4 =	sadd.s32 @!p0 $0x3, s2;
	s1 =	sadd.s32 @!p0 s3, s1  }
0x2a9: {  	_ =	swait.ge @!p0 [sflag:s4], $0x800;
	s1 =	smul.u32 @!p0 $0x220, s1  }
0x2aa: {  	[sflag:s4] =	ssyncset.done @!p0 $0x0  }
0x2ab: {  	[sflag:s4] =	ssyncadd.s32 @!p0 $0xFFFFF800;
	s1 =	ssub.s32 @!p0 s0, s1  }
0x2ac: {  	v8 =	vld @!p0 [tilespmem:s1+$0x1E800];
	_ =	sdelay $0x2  }
0x2ad: {  	s25 =	ssub.s32 @!p0 s28, s0  }
0x2ae: {  	p1 =	slt.s32 @!p0 s25, $0x1  }
0x2af: {  	p1 =	por p0, p1;
	v8 =	vshra.s32 @!p0 v8, $0xE  }
0x2b0: {  	(v2sf) =	vpush @!p1 v8, $0x0;
	_ =	sdelay $0x6  }
0x2b1: {  	p0 =	seq.s32 @!p1 s25, $0x1  }
0x2b2: {  	p2 =	por p1, p0  }
0x2b3: {  	(v2sf) =	vpush @!p2 v8, $0x1;
	_ =	sdelay $0x4  }
0x2b4: {  	s0 =	sshll.u32 @!p1 s2, $0xD  }
0x2b5: {  	s24 =	sshra.s32 @!p1 s0, $0x2;
	s1 =	spop @!p1 (v2sf)  }
0x2b6: {  	v9 =	vld @!p1 [tilespmem:s24+$0x1EB00];
	p0 =	slt.u32 @!p2 s25, $0x3;
	s0 =	sshll.u32 @!p1 s1, $0x7  }
0x2b7: {  	p0 =	por p2, p0;
	v10 =	vld @!p1 [tilespmem:s0+$0xA000]  }
0x2b8: {  	(v2sf) =	vpush @!p0 v8, $0x2;
	v11 =	vld @!p1 [tilespmem:s0+$0x14000];
	_ =	sdelay $0x3  }
0x2b9: {  	[tilespmem:s0+$0x0] =	vst.add.f32.msk @!p1 $0xffff, v9;
	v10 =	vmax.f32 @!p1 v10, v9  }
0x2ba: {  	v9 =	vmin.f32 @!p1 v11, v9;
	[tilespmem:s0+$0xA000] =	vst @!p1 v10  }
0x2bb: {  	[tilespmem:s0+$0x14000] =	vst @!p1 v9;
	s0 =	spop @!p2 (v2sf)  }
0x2bc: {  	p1 =	seq.s32 @!p0 s25, $0x3;
	v9 =	vld @!p2 [tilespmem:s24+$0x1EB80];
	s0 =	sshll.u32 @!p2 s0, $0x7  }
0x2bd: {  	p1 =	por p0, p1;
	v10 =	vld @!p2 [tilespmem:s0+$0xA000]  }
0x2be: {  	v11 =	vld @!p2 [tilespmem:s0+$0x14000];
	(v2sf) =	vpush @!p1 v8, $0x3;
	_ =	sdelay $0x3  }
0x2bf: {  	[tilespmem:s0+$0x0] =	vst.add.f32.msk @!p2 $0xffff, v9;
	v10 =	vmax.f32 @!p2 v10, v9  }
0x2c0: {  	v9 =	vmin.f32 @!p2 v11, v9;
	[tilespmem:s0+$0xA000] =	vst @!p2 v10  }
0x2c1: {  	[tilespmem:s0+$0x14000] =	vst @!p2 v9;
	s0 =	spop @!p0 (v2sf)  }
0x2c2: {  	p2 =	slt.u32 @!p1 s25, $0x5;
	v9 =	vld @!p0 [tilespmem:s24+$0x1EC00];
	s0 =	sshll.u32 @!p0 s0, $0x7  }
0x2c3: {  	p2 =	por p1, p2;
	v10 =	vld @!p0 [tilespmem:s0+$0xA000]  }
0x2c4: {  	v11 =	vld @!p0 [tilespmem:s0+$0x14000];
	(v2sf) =	vpush @!p2 v8, $0x4;
	_ =	sdelay $0x3  }
0x2c5: {  	[tilespmem:s0+$0x0] =	vst.add.f32.msk @!p0 $0xffff, v9;
	v10 =	vmax.f32 @!p0 v10, v9  }
0x2c6: {  	v9 =	vmin.f32 @!p0 v11, v9;
	[tilespmem:s0+$0xA000] =	vst @!p0 v10  }
0x2c7: {  	[tilespmem:s0+$0x14000] =	vst @!p0 v9;
	s0 =	spop @!p1 (v2sf)  }
0x2c8: {  	p0 =	seq.s32 @!p2 s25, $0x5;
	v9 =	vld @!p1 [tilespmem:s24+$0x1EC80];
	s0 =	sshll.u32 @!p1 s0, $0x7  }
0x2c9: {  	p0 =	por p2, p0;
	v10 =	vld @!p1 [tilespmem:s0+$0xA000]  }
0x2ca: {  	(v2sf) =	vpush @!p0 v8, $0x5;
	v11 =	vld @!p1 [tilespmem:s0+$0x14000];
	_ =	sdelay $0x3  }
0x2cb: {  	[tilespmem:s0+$0x0] =	vst.add.f32.msk @!p1 $0xffff, v9;
	v10 =	vmax.f32 @!p1 v10, v9  }
0x2cc: {  	v9 =	vmin.f32 @!p1 v11, v9;
	[tilespmem:s0+$0xA000] =	vst @!p1 v10  }
0x2cd: {  	[tilespmem:s0+$0x14000] =	vst @!p1 v9;
	s0 =	spop @!p2 (v2sf)  }
0x2ce: {  	p1 =	slt.u32 @!p0 s25, $0x7;
	v9 =	vld @!p2 [tilespmem:s24+$0x1ED00];
	s0 =	sshll.u32 @!p2 s0, $0x7  }
0x2cf: {  	p1 =	por p0, p1;
	v10 =	vld @!p2 [tilespmem:s0+$0xA000]  }
0x2d0: {  	v11 =	vld @!p2 [tilespmem:s0+$0x14000];
	(v2sf) =	vpush @!p1 v8, $0x6;
	_ =	sdelay $0x3  }
0x2d1: {  	[tilespmem:s0+$0x0] =	vst.add.f32.msk @!p2 $0xffff, v9;
	v10 =	vmax.f32 @!p2 v10, v9  }
0x2d2: {  	v9 =	vmin.f32 @!p2 v11, v9;
	[tilespmem:s0+$0xA000] =	vst @!p2 v10  }
0x2d3: {  	[tilespmem:s0+$0x14000] =	vst @!p2 v9;
	s0 =	spop @!p0 (v2sf)  }
0x2d4: {  	p2 =	seq.s32 @!p1 s25, $0x7;
	v9 =	vld @!p0 [tilespmem:s24+$0x1ED80];
	s0 =	sshll.u32 @!p0 s0, $0x7  }
0x2d5: {  	p2 =	por p1, p2;
	v10 =	vld @!p0 [tilespmem:s0+$0xA000]  }
0x2d6: {  	v11 =	vld @!p0 [tilespmem:s0+$0x14000];
	(v2sf) =	vpush @!p2 v8, $0x7;
	_ =	sdelay $0x3  }
0x2d7: {  	[tilespmem:s0+$0x0] =	vst.add.f32.msk @!p0 $0xffff, v9;
	v10 =	vmax.f32 @!p0 v10, v9  }
0x2d8: {  	v9 =	vmin.f32 @!p0 v11, v9;
	[tilespmem:s0+$0xA000] =	vst @!p0 v10  }
0x2d9: {  	[tilespmem:s0+$0x14000] =	vst @!p0 v9;
	s0 =	spop @!p1 (v2sf)  }
0x2da: {  	p0 =	slt.u32 @!p2 s25, $0x9;
	v9 =	vld @!p1 [tilespmem:s24+$0x1EE00];
	s0 =	sshll.u32 @!p1 s0, $0x7  }
0x2db: {  	p0 =	por p2, p0;
	v10 =	vld @!p1 [tilespmem:s0+$0xA000]  }
0x2dc: {  	(v2sf) =	vpush @!p0 v8, $0x8;
	v11 =	vld @!p1 [tilespmem:s0+$0x14000];
	_ =	sdelay $0x3  }
0x2dd: {  	[tilespmem:s0+$0x0] =	vst.add.f32.msk @!p1 $0xffff, v9;
	v10 =	vmax.f32 @!p1 v10, v9  }
0x2de: {  	v9 =	vmin.f32 @!p1 v11, v9;
	[tilespmem:s0+$0xA000] =	vst @!p1 v10  }
0x2df: {  	[tilespmem:s0+$0x14000] =	vst @!p1 v9;
	s0 =	spop @!p2 (v2sf)  }
0x2e0: {  	p1 =	seq.s32 @!p0 s25, $0x9;
	v9 =	vld @!p2 [tilespmem:s24+$0x1EE80];
	s0 =	sshll.u32 @!p2 s0, $0x7  }
0x2e1: {  	p1 =	por p0, p1;
	v10 =	vld @!p2 [tilespmem:s0+$0xA000]  }
0x2e2: {  	v11 =	vld @!p2 [tilespmem:s0+$0x14000];
	(v2sf) =	vpush @!p1 v8, $0x9;
	_ =	sdelay $0x3  }
0x2e3: {  	[tilespmem:s0+$0x0] =	vst.add.f32.msk @!p2 $0xffff, v9;
	v10 =	vmax.f32 @!p2 v10, v9  }
0x2e4: {  	v9 =	vmin.f32 @!p2 v11, v9;
	[tilespmem:s0+$0xA000] =	vst @!p2 v10  }
0x2e5: {  	[tilespmem:s0+$0x14000] =	vst @!p2 v9;
	s0 =	spop @!p0 (v2sf)  }
0x2e6: {  	p2 =	slt.u32 @!p1 s25, $0xB;
	v9 =	vld @!p0 [tilespmem:s24+$0x1EF00];
	s0 =	sshll.u32 @!p0 s0, $0x7  }
0x2e7: {  	p2 =	por p1, p2;
	v10 =	vld @!p0 [tilespmem:s0+$0xA000]  }
0x2e8: {  	v11 =	vld @!p0 [tilespmem:s0+$0x14000];
	(v2sf) =	vpush @!p2 v8, $0xA;
	_ =	sdelay $0x3  }
0x2e9: {  	[tilespmem:s0+$0x0] =	vst.add.f32.msk @!p0 $0xffff, v9;
	v10 =	vmax.f32 @!p0 v10, v9  }
0x2ea: {  	v9 =	vmin.f32 @!p0 v11, v9;
	[tilespmem:s0+$0xA000] =	vst @!p0 v10  }
0x2eb: {  	[tilespmem:s0+$0x14000] =	vst @!p0 v9;
	s0 =	spop @!p1 (v2sf)  }
0x2ec: {  	p0 =	seq.s32 @!p2 s25, $0xB;
	v9 =	vld @!p1 [tilespmem:s24+$0x1EF80];
	s0 =	sshll.u32 @!p1 s0, $0x7  }
0x2ed: {  	p0 =	por p2, p0;
	v10 =	vld @!p1 [tilespmem:s0+$0xA000]  }
0x2ee: {  	(v2sf) =	vpush @!p0 v8, $0xB;
	v11 =	vld @!p1 [tilespmem:s0+$0x14000];
	_ =	sdelay $0x3  }
0x2ef: {  	[tilespmem:s0+$0x0] =	vst.add.f32.msk @!p1 $0xffff, v9;
	v10 =	vmax.f32 @!p1 v10, v9  }
0x2f0: {  	v9 =	vmin.f32 @!p1 v11, v9;
	[tilespmem:s0+$0xA000] =	vst @!p1 v10  }
0x2f1: {  	[tilespmem:s0+$0x14000] =	vst @!p1 v9;
	s0 =	spop @!p2 (v2sf)  }
0x2f2: {  	v9 =	vld @!p2 [tilespmem:s24+$0x1F000];
	s0 =	sshll.u32 @!p2 s0, $0x7  }
0x2f3: {  	v10 =	vld @!p2 [tilespmem:s0+$0xA000]  }
0x2f4: {  	v11 =	vld @!p2 [tilespmem:s0+$0x14000];
	_ =	sdelay $0x3  }
0x2f5: {  	[tilespmem:s0+$0x0] =	vst.add.f32.msk @!p2 $0xffff, v9;
	v10 =	vmax.f32 @!p2 v10, v9  }
0x2f6: {  	v9 =	vmin.f32 @!p2 v11, v9;
	[tilespmem:s0+$0xA000] =	vst @!p2 v10  }
0x2f7: {  	[tilespmem:s0+$0x14000] =	vst @!p2 v9;
	s0 =	spop @!p0 (v2sf)  }
0x2f8: {  	v9 =	vld @!p0 [tilespmem:s24+$0x1F080];
	s0 =	sshll.u32 @!p0 s0, $0x7  }
0x2f9: {  	v10 =	vld @!p0 [tilespmem:s0+$0xA000]  }
0x2fa: {  	p1 =	slt.u32 @!p0 s25, $0xD;
	v11 =	vld @!p0 [tilespmem:s0+$0x14000]  }
0x2fb: {  	p1 =	por p0, p1  }
.Ltmp14:
0x2fc: {  	_ = 	snop;
	(pc) =	sbr.rel @p1 .LBB2_18-.Ltmp14, $4  }
0x2fd: {  	_ = 	snop  }
0x2fe: {  	[tilespmem:s0+$0x0] =	vst.add.f32.msk @!p0 $0xffff, v9;
	v10 =	vmax.f32 @!p0 v10, v9  }
0x2ff: {  	v9 =	vmin.f32 @!p0 v11, v9;
	[tilespmem:s0+$0xA000] =	vst @!p0 v10  }
0x300: {  	[tilespmem:s0+$0x14000] =	vst @!p0 v9  }
0x301: {  	(v2sf) =	vpush v8, $0xC;
	_ =	sdelay $0x7  }
0x302: {  	p1 =	seq.s32 s25, $0xD  }
0x303: {  	(v2sf) =	vpush @!p1 v8, $0xD;
	_ =	sdelay $0x5  }
0x304: {  	s0 =	spop (v2sf)  }
0x305: {  	v9 =	vld [tilespmem:s24+$0x1F100];
	p2 =	slt.u32 @!p1 s25, $0xF;
	s0 =	sshll.u32 s0, $0x7  }
0x306: {  	p0 =	por p2, p1;
	v10 =	vld [tilespmem:s0+$0xA000]  }
0x307: {  	(v2sf) =	vpush @!p0 v8, $0xE;
	v11 =	vld [tilespmem:s0+$0x14000];
	_ =	sdelay $0x3  }
0x308: {  	[tilespmem:s0+$0x0] =	vst.add.f32.msk $0xffff, v9;
	v10 =	vmax.f32 v10, v9  }
0x309: {  	v9 =	vmin.f32 v11, v9;
	[tilespmem:s0+$0xA000] =	vst v10  }
0x30a: {  	p3 =	seq.s32 @!p0 s25, $0xF;
	[tilespmem:s0+$0x14000] =	vst v9;
	s0 =	spop @!p1 (v2sf)  }
0x30b: {  	p2 =	por @!p1 p3, p2;
	v9 =	vld @!p1 [tilespmem:s24+$0x1F180];
	s0 =	sshll.u32 @!p1 s0, $0x7  }
0x30c: {  	p2 =	por p2, p1;
	v10 =	vld @!p1 [tilespmem:s0+$0xA000]  }
0x30d: {  	(v2sf) =	vpush @!p2 v8, $0xF;
	v8 =	vld @!p1 [tilespmem:s0+$0x14000];
	_ =	sdelay $0x3  }
0x30e: {  	[tilespmem:s0+$0x0] =	vst.add.f32.msk @!p1 $0xffff, v9;
	v10 =	vmax.f32 @!p1 v10, v9  }
0x30f: {  	v8 =	vmin.f32 @!p1 v8, v9;
	[tilespmem:s0+$0xA000] =	vst @!p1 v10  }
0x310: {  	s1 =	spop @!p0 (v2sf);
	[tilespmem:s0+$0x14000] =	vst @!p1 v8  }
0x311: {  	s0 =	sshll.u32 @!p0 s1, $0x7;
	v8 =	vld @!p0 [tilespmem:s24+$0x1F200]  }
0x312: {  	v9 =	vld @!p0 [tilespmem:s0+$0xA000]  }
0x313: {  	v10 =	vld @!p0 [tilespmem:s0+$0x14000];
	_ =	sdelay $0x3  }
0x314: {  	[tilespmem:s0+$0x0] =	vst.add.f32.msk @!p0 $0xffff, v8;
	v9 =	vmax.f32 @!p0 v9, v8  }
0x315: {  	v8 =	vmin.f32 @!p0 v10, v8;
	[tilespmem:s0+$0xA000] =	vst @!p0 v9  }
0x316: {  	[tilespmem:s0+$0x14000] =	vst @!p0 v8;
	s0 =	spop @!p2 (v2sf)  }
0x317: {  	v8 =	vld @!p2 [tilespmem:s24+$0x1F280];
	s0 =	sshll.u32 @!p2 s0, $0x7  }
0x318: {  	v9 =	vld @!p2 [tilespmem:s0+$0xA000]  }
0x319: {  	v10 =	vld @!p2 [tilespmem:s0+$0x14000];
	_ =	sdelay $0x1  }
.Ltmp15:
0x31a: {  	_ = 	snop;
	(pc) =	sbr.rel .LBB2_18-.Ltmp15, $4  }
0x31b: {  	_ = 	snop  }
0x31c: {  	[tilespmem:s0+$0x0] =	vst.add.f32.msk @!p2 $0xffff, v8;
	v9 =	vmax.f32 @!p2 v9, v8  }
0x31d: {  	v8 =	vmin.f32 @!p2 v10, v8;
	[tilespmem:s0+$0xA000] =	vst @!p2 v9  }
0x31e: {  	[tilespmem:s0+$0x14000] =	vst @!p2 v8  }
.LBB2_20:
0x31f: {  	_ =	sfence.sel $0x180000  }
0x320: {  	[bflag:$0x0] =	sbarrier.arrive $0xFFFF  }
0x321: {  	_ =	strace $0x90000047  }
0x322: {  	s0 =	stileid.u32;
	[bflag:$0x2] =	sbarrier.arrive $0xFFFF  }
0x323: {  	p0 =	sne.s32 s0, $0x0;
	s0 =	rddreg [dreg:$0x3]  }
0x324: {  	s0 =	sadd.s32 @!p0 $0x100000, s0  }
0x325: {  	[sflag:s0] =	ssyncadd.tile.s32 @!p0 $0x1;
	_ =	shalt  }
.Lfunc_end2:
_tile_overlayer_lowered:
.L_overlay_start_2:
0x326: {  	(tag) =	ssettag $0x2  }
0x327: {  	s0 =	rddreg [dreg:$0x0];
	s2 =	stileid.u32  }
0x328: {  	s1 =	rddreg [dreg:$0x1];
	p0 =	sne.s32 s2, $0x0  }
0x329: {  	s3 =	rddreg [dreg:$0x2];
	[bflag:$0x3] =	sbarrier.arrive $0xFFFF;
	s2 =	simm.s32 @!p0 $0x1C05  }
0x32a: {  	[timem:s3], [sflag:s2] =	dma.local @!p0 [hbm:s0], s1  }
0x32b: {  	s0 =	simm.s32 @!p0 $0x5  }
0x32c: {  	_ =	swait.ge @!p0 [sflag:s0], s1  }
0x32d: {  	s1 =	ssub.s32 @!p0 $0x0, s1;
	[sflag:s0] =	ssyncset.done @!p0 $0x0  }
0x32e: {  	[sflag:s0] =	ssyncadd.s32 @!p0 s1  }
0x32f: {  	[bflag:$0x3] =	sbarrier.arrive $0xFFFF  }
0x330: {  	_ =	shalt  }

</sc_bundles>
